<compile_context>
chip_gen: v7x
topology: tpu7x:2x2x1
jax: 0.10.2.dev20260603
libtpu: 0.0.44.dev20260713+nightly
codegen_flags: <defaults>
</compile_context>

<pallas_src>
import jax
import jax.numpy as jnp
from jax import lax
from jax.experimental import pallas as pl
from jax.experimental.pallas import tpu as pltpu
from jax.experimental.pallas import tpu_sc as plsc

_M = 16384
_D = 4096
_B = 4096

_INFO = plsc.get_sparse_core_info()
_NC = _INFO.num_cores
_NS = _INFO.num_subcores
_NW = _NC * _NS
_L = 16

_ROWS_PER_TILE = _M // _NW
_R = 8
_LIST_ROWS = _ROWS_PER_TILE // _R + 2


def _body(mem_hbm, idx_hbm, val_hbm, out_hbm,
          idx_v, p_ref, blist, mlist, ulist, buf0, buf1, buf2,
          sem_g0, sem_g1, sem_g2, sem_s0, sem_s1, sem_s2):
    wid = lax.axis_index("s") * _NC + lax.axis_index("c")
    r0 = wid * _ROWS_PER_TILE
    lane = lax.iota(jnp.int32, _L)

    pltpu.sync_copy(idx_hbm, idx_v)

    def init_body(i, carry):
        plsc.store_scatter(p_ref, [i * _L + lane], jnp.full((_L,), -1, jnp.int32))
        return carry
    lax.fori_loop(0, _ROWS_PER_TILE // _L, init_body, 0)

    lane_next = jnp.minimum(lane + 1, _L - 1)


    def scan_body(g, carry):
        idx_g = plsc.load_gather(idx_v, [g * _L + lane])
        ks = jnp.sort(idx_g * _L + lane)
        nxt = ks[lane_next]
        ms = ks >> 4
        keep = (ms != (nxt >> 4)) | (lane == _L - 1)
        mloc = ms - r0
        keep = keep & (mloc >= 0) & (mloc < _ROWS_PER_TILE)
        bs = g * _L + (ks & (_L - 1))
        plsc.store_scatter(p_ref, [mloc & (_ROWS_PER_TILE - 1)], bs, mask=keep)
        return carry
    lax.fori_loop(0, _B // _L, scan_body, 0, unroll=4)

    def compress_body(g, carry):
        cw, cu, comb, um = carry
        pv = plsc.load_gather(p_ref, [g * _L + lane])
        m_vec = r0 + g * _L + lane
        wr = pv >= 0
        wr_i = wr.astype(jnp.int32)
        uw_i = 1 - wr_i
        incl_w = plsc.cumsum(wr_i)
        incl_u = plsc.cumsum(uw_i)
        pos_w = jnp.full((_L,), cw, jnp.int32) + incl_w - wr_i
        pos_u = jnp.full((_L,), cu, jnp.int32) + incl_u - uw_i
        plsc.store_scatter(blist, [pos_w // _R, pos_w % _R], pv, mask=wr)
        plsc.store_scatter(mlist, [pos_w // _R, pos_w % _R], m_vec, mask=wr)
        plsc.store_scatter(ulist, [pos_u // _R, pos_u % _R], m_vec,
                           mask=jnp.logical_not(wr))
        comb = jnp.maximum(comb, jnp.max(jnp.where(wr, (m_vec << 12) | pv, -1)))
        um = jnp.maximum(um, jnp.max(jnp.where(wr, -1, m_vec)))
        return cw + jnp.max(incl_w), cu + jnp.max(incl_u), comb, um
    cw, cu, comb, um = lax.fori_loop(
        0, _ROWS_PER_TILE // _L, compress_body,
        (jnp.int32(0), jnp.int32(0), jnp.int32(-1), jnp.int32(-1)))

    def _pad(list_refs, vals, cnt):
        npad = (_R - cnt % _R) % _R
        posv = jnp.full((_L,), cnt, jnp.int32) + lane
        padmask = lane < npad
        for ref, v in zip(list_refs, vals):
            plsc.store_scatter(ref, [posv // _R, posv % _R],
                               jnp.full((_L,), v, jnp.int32), mask=padmask)
        return (cnt + npad) // _R

    def _pipe(ngu, ng):
        bufs = (buf0, buf1, buf2)
        gsems = (sem_g0, sem_g1, sem_g2)
        ssems = (sem_s0, sem_s1, sem_s2)

        def _gather_start(g, k):
            @pl.when(g < ngu)
            def _():
                pltpu.make_async_copy(mem_hbm.at[ulist.at[g]], bufs[k],
                                      gsems[k]).start()
            @pl.when(g >= ngu)
            def _():
                pltpu.make_async_copy(val_hbm.at[blist.at[g - ngu]], bufs[k],
                                      gsems[k]).start()

        def _gather_wait(k):
            pltpu.make_async_copy(mem_hbm.at[ulist.at[0]], bufs[k],
                                  gsems[k]).wait()

        def _scatter_start(g, k):
            @pl.when(g < ngu)
            def _():
                pltpu.make_async_copy(bufs[k], out_hbm.at[ulist.at[g]],
                                      ssems[k]).start()
            @pl.when(g >= ngu)
            def _():
                pltpu.make_async_copy(bufs[k], out_hbm.at[mlist.at[g - ngu]],
                                      ssems[k]).start()

        def _scatter_wait(k):
            pltpu.make_async_copy(bufs[k], out_hbm.at[ulist.at[0]],
                                  ssems[k]).wait()

        def _step(g, k):
            @pl.when(g >= 3)
            def _():
                _scatter_wait(k)
            _gather_start(g, k)
            kp = (k + 2) % 3
            @pl.when(g >= 1)
            def _():
                _gather_wait(kp)
                _scatter_start(g - 1, kp)

        def body(g3, carry):
            for k in range(3):
                g = 3 * g3 + k
                @pl.when(g < ng)
                def _(g=g, k=k):
                    _step(g, k)
            return carry
        lax.fori_loop(0, (ng + 2) // 3, body, 0)

        for k in range(3):
            @pl.when((ng - 1) % 3 == k)
            def _(k=k):
                _gather_wait(k)
                _scatter_start(ng - 1, k)
        for k in range(3):
            @pl.when(k < ng)
            def _(k=k):
                _scatter_wait(k)

    ngu = _pad([ulist], [um], cu)
    ngw = _pad([blist, mlist], [comb & 4095, comb >> 12], cw)
    _pipe(ngu, ngu + ngw)


def kernel(mem, idx, val):
    mesh = plsc.VectorSubcoreMesh(core_axis_name="c", subcore_axis_name="s")
    f = pl.kernel(
        _body,
        out_type=jax.ShapeDtypeStruct((_M, _D), jnp.float32),
        mesh=mesh,
        compiler_params=pltpu.CompilerParams(needs_layout_passes=False),
        scratch_types=[
            pltpu.VMEM((_B,), jnp.int32),
            pltpu.VMEM((_ROWS_PER_TILE,), jnp.int32),
            pltpu.VMEM((_LIST_ROWS, _R), jnp.int32),
            pltpu.VMEM((_LIST_ROWS, _R), jnp.int32),
            pltpu.VMEM((_LIST_ROWS, _R), jnp.int32),
            pltpu.VMEM((_R, _D), jnp.float32),
            pltpu.VMEM((_R, _D), jnp.float32),
            pltpu.VMEM((_R, _D), jnp.float32),
            pltpu.SemaphoreType.DMA,
            pltpu.SemaphoreType.DMA,
            pltpu.SemaphoreType.DMA,
            pltpu.SemaphoreType.DMA,
            pltpu.SemaphoreType.DMA,
            pltpu.SemaphoreType.DMA,
        ],
    )
    return f(mem, idx.astype(jnp.int32), val)

# --- scband reference (transcript-rebuilt; emitter-appended) ---
"""Pipeline reference for scband-parallel-decoding-29025388987006 (READ-ONLY COPY).

The authoritative reference and input builder live on the scoring server;
editing this copy changes nothing except your own understanding.
"""

import jax, jax.numpy as jnp
import numpy as np

M = 16384      # Maxrequestnum-scale slot bank (server-level batch slots)
D = 4096       # Hidden_size of Llama-7B config
B = 4096       # number of inserted/updated requests this step


def setup_inputs(seed: int = 0) -> dict:
    key = jax.random.key(seed)
    k1, k2, k3 = jax.random.split(key, 3)
    mem = jax.random.normal(k1, (M, D), dtype=jnp.float32)   # Hidden_bank
    val = jax.random.normal(k2, (B, D), dtype=jnp.float32)   # last-token hidden_states per inserted request
    idx = jax.random.randint(k3, (B,), 0, M)                 # src_indices (free slot indices)
    return {"mem": mem, "idx": idx, "val": val}


def reference(mem, idx, val):
    # Faithful jax translation of the core scatter-memory op of Parallel_decoding:
    #   self.Hidden_bank[self.src_indices] = hidden_states
    # i.e. a scatter-overwrite of per-request hidden states into the slot bank.
    new_mem = mem.at[idx].set(val)
    return new_mem

if __name__ == "__main__":
    import jax
    _d = setup_inputs()
    print(jax.jit(kernel)(*tuple(_d.values())))

</pallas_src>

<mosaic_0001>
#map = affine_map<(d0, d1) -> (0, 0)>
#map1 = affine_map<(d0, d1) -> (0)>
module attributes {stable_mosaic.version = 14 : i64} {
  func.func @_body(%arg0: i32, %arg1: i32, %arg2: memref<16384x4096xf32, #tpu.memory_space<hbm>>, %arg3: memref<4096xi32, #tpu.memory_space<hbm>>, %arg4: memref<4096x4096xf32, #tpu.memory_space<hbm>>, %arg5: memref<16384x4096xf32, #tpu.memory_space<hbm>>, %arg6: memref<4096xi32, #tpu.memory_space<vmem>>, %arg7: memref<512xi32, #tpu.memory_space<vmem>>, %arg8: memref<66x8xi32, #tpu.memory_space<vmem>>, %arg9: memref<66x8xi32, #tpu.memory_space<vmem>>, %arg10: memref<66x8xi32, #tpu.memory_space<vmem>>, %arg11: memref<8x4096xf32, #tpu.memory_space<vmem>>, %arg12: memref<8x4096xf32, #tpu.memory_space<vmem>>, %arg13: memref<8x4096xf32, #tpu.memory_space<vmem>>, %arg14: memref<!tpu.dma_semaphore, #tpu.memory_space<semaphore_mem>>, %arg15: memref<!tpu.dma_semaphore, #tpu.memory_space<semaphore_mem>>, %arg16: memref<!tpu.dma_semaphore, #tpu.memory_space<semaphore_mem>>, %arg17: memref<!tpu.dma_semaphore, #tpu.memory_space<semaphore_mem>>, %arg18: memref<!tpu.dma_semaphore, #tpu.memory_space<semaphore_mem>>, %arg19: memref<!tpu.dma_semaphore, #tpu.memory_space<semaphore_mem>>) attributes {dimension_semantics = [#tpu.dimension_semantics<core_parallel>, #tpu.dimension_semantics<subcore_parallel>], iteration_bounds = array<i64: 2, 16>, scalar_prefetch = 0 : i64, scratch_operands = 14 : i64, tpu.core_type = #tpu.core_type<sc_vector_subcore>, window_params = [{transform_indices = #map}, {transform_indices = #map1}, {transform_indices = #map}, {transform_indices = #map}]} {
    %mul3A = arith.constant 2 : i32
    %mul3A_0 = arith.muli %arg1, %mul3A : i32
    %add3A = arith.addi %mul3A_0, %arg0 : i32
    %mul3A_1 = arith.constant 512 : i32
    %mul3A_2 = arith.muli %add3A, %mul3A_1 : i32
    %iota3A = tpu.iota {dimensions = array<i32: 0>} : vector<16xi32>
    "tpu.region"() ({
      %run_scoped3A = tpu.sem_alloc : memref<!tpu.dma_semaphore, #tpu.memory_space<semaphore_mem>>
      tpu.enqueue_dma source(%arg3 : memref<4096xi32, #tpu.memory_space<hbm>>) target(%arg6 : memref<4096xi32, #tpu.memory_space<vmem>>) target_semaphore(%run_scoped3A : memref<!tpu.dma_semaphore, #tpu.memory_space<semaphore_mem>>)
      tpu.wait_dma2 semaphore(%run_scoped3A : memref<!tpu.dma_semaphore, #tpu.memory_space<semaphore_mem>>) src(%arg3 : memref<4096xi32, #tpu.memory_space<hbm>>) dst(%arg6 : memref<4096xi32, #tpu.memory_space<vmem>>)
      tpu.yield
    }) : () -> ()
    %scan3A = arith.constant 0 : i32
    %scan3A_3 = arith.constant 0 : i32
    %scan3A_4 = arith.constant 32 : i32
    %scan3A_5 = arith.addi %scan3A_3, %scan3A_4 : i32
    %scan3A_6 = arith.constant 1 : i32
    scf.for %scan3A_426 = %scan3A_3 to %scan3A_5 step %scan3A_6  : i32 {
      %mul3A_427 = arith.constant 16 : i32
      %mul3A_428 = arith.muli %scan3A_426, %mul3A_427 : i32
      %add3A_429 = vector.broadcast %mul3A_428 : i32 to vector<16xi32>
      %add3A_430 = arith.addi %add3A_429, %iota3A : vector<16xi32>
      %broadcast_in_dim3A_431 = arith.constant -1 : i32
      %broadcast_in_dim3A_432 = vector.broadcast %broadcast_in_dim3A_431 : i32 to vector<16xi32>
      tpu.vector_store_idx %arg7[%add3A_430], %broadcast_in_dim3A_432 : memref<512xi32, #tpu.memory_space<vmem>>[vector<16xi32>], vector<16xi32>,
    }
    %scan3A_7 = arith.constant 32 : i32
    %add3A_8 = arith.constant 1 : i32
    %add3A_9 = vector.broadcast %add3A_8 : i32 to vector<16xi32>
    %add3A_10 = arith.addi %iota3A, %add3A_9 : vector<16xi32>
    %min3A = arith.constant 15 : i32
    %min3A_11 = vector.broadcast %min3A : i32 to vector<16xi32>
    %min3A_12 = arith.minsi %add3A_10, %min3A_11 : vector<16xi32>
    %scan3A_13 = arith.constant 0 : i32
    %scan3A_14 = arith.constant 0 : i32
    %scan3A_15 = arith.constant 256 : i32
    %scan3A_16 = arith.addi %scan3A_14, %scan3A_15 : i32
    %scan3A_17 = arith.constant 4 : i32
    scf.for %scan3A_426 = %scan3A_14 to %scan3A_16 step %scan3A_17  : i32 {
      %mul3A_427 = arith.constant 16 : i32
      %mul3A_428 = arith.muli %scan3A_426, %mul3A_427 : i32
      %add3A_429 = vector.broadcast %mul3A_428 : i32 to vector<16xi32>
      %add3A_430 = arith.addi %add3A_429, %iota3A : vector<16xi32>
      %gather3A = tpu.vector_load_idx %arg6[%add3A_430] : memref<4096xi32, #tpu.memory_space<vmem>>[vector<16xi32>], vector<16xi32>,
      %mul3A_431 = arith.constant 16 : i32
      %mul3A_432 = vector.broadcast %mul3A_431 : i32 to vector<16xi32>
      %mul3A_433 = arith.muli %gather3A, %mul3A_432 : vector<16xi32>
      %add3A_434 = arith.addi %mul3A_433, %iota3A : vector<16xi32>
      %sort3A = arith.constant dense<true> : vector<16xi1>
      %sort3A_435, %sort3A_436, %sort3A_437 = tpu.sort %add3A_434, %add3A_434 masked %sort3A : (vector<16xi32>, vector<16xi32>, vector<16xi1>) -> (vector<16xi1>, vector<16xi32>, vector<16xi32>)
      %lt3A_438 = arith.constant 0 : i32
      %lt3A_439 = vector.broadcast %lt3A_438 : i32 to vector<16xi32>
      %lt3A_440 = arith.cmpi slt, %min3A_12, %lt3A_439 : vector<16xi32>
      %add3A_441 = arith.constant 16 : i32
      %add3A_442 = vector.broadcast %add3A_441 : i32 to vector<16xi32>
      %add3A_443 = arith.addi %min3A_12, %add3A_442 : vector<16xi32>
      %select_n3A_444 = arith.select %lt3A_440, %add3A_443, %min3A_12 : vector<16xi1>, vector<16xi32>
      %broadcast_in_dim3A_445 = vector.shape_cast %select_n3A_444 : vector<16xi32> to vector<16x1xi32>
      %gather3A_446 = vector.shape_cast %broadcast_in_dim3A_445 : vector<16x1xi32> to vector<16xi32>
      %gather3A_447 = tpu.dynamic_gather %sort3A_436[%gather3A_446] in [0] : vector<16xi32>, vector<16xi32> -> vector<16xi32>
      %shift_right_arithmetic3A_448 = arith.constant 4 : i32
      %shift_right_arithmetic3A_449 = vector.broadcast %shift_right_arithmetic3A_448 : i32 to vector<16xi32>
      %shift_right_arithmetic3A_450 = arith.shrsi %sort3A_436, %shift_right_arithmetic3A_449 : vector<16xi32>
      %shift_right_arithmetic3A_451 = arith.constant 4 : i32
      %shift_right_arithmetic3A_452 = vector.broadcast %shift_right_arithmetic3A_451 : i32 to vector<16xi32>
      %shift_right_arithmetic3A_453 = arith.shrsi %gather3A_447, %shift_right_arithmetic3A_452 : vector<16xi32>
      %ne3A_454 = arith.cmpi ne, %shift_right_arithmetic3A_450, %shift_right_arithmetic3A_453 : vector<16xi32>
      %eq3A_455 = arith.constant 15 : i32
      %eq3A_456 = vector.broadcast %eq3A_455 : i32 to vector<16xi32>
      %eq3A_457 = arith.cmpi eq, %iota3A, %eq3A_456 : vector<16xi32>
      %or3A = arith.ori %ne3A_454, %eq3A_457 : vector<16xi1>
      %sub3A_458 = vector.broadcast %mul3A_2 : i32 to vector<16xi32>
      %sub3A_459 = arith.subi %shift_right_arithmetic3A_450, %sub3A_458 : vector<16xi32>
      %ge3A = arith.constant 0 : i32
      %ge3A_460 = vector.broadcast %ge3A : i32 to vector<16xi32>
      %ge3A_461 = arith.cmpi sge, %sub3A_459, %ge3A_460 : vector<16xi32>
      %and3A_462 = arith.andi %or3A, %ge3A_461 : vector<16xi1>
      %lt3A_463 = arith.constant 512 : i32
      %lt3A_464 = vector.broadcast %lt3A_463 : i32 to vector<16xi32>
      %lt3A_465 = arith.cmpi slt, %sub3A_459, %lt3A_464 : vector<16xi32>
      %and3A_466 = arith.andi %and3A_462, %lt3A_465 : vector<16xi1>
      %mul3A_467 = arith.constant 16 : i32
      %mul3A_468 = arith.muli %scan3A_426, %mul3A_467 : i32
      %and3A_469 = arith.constant 15 : i32
      %and3A_470 = vector.broadcast %and3A_469 : i32 to vector<16xi32>
      %and3A_471 = arith.andi %sort3A_436, %and3A_470 : vector<16xi32>
      %add3A_472 = vector.broadcast %mul3A_468 : i32 to vector<16xi32>
      %add3A_473 = arith.addi %add3A_472, %and3A_471 : vector<16xi32>
      %and3A_474 = arith.constant 511 : i32
      %and3A_475 = vector.broadcast %and3A_474 : i32 to vector<16xi32>
      %and3A_476 = arith.andi %sub3A_459, %and3A_475 : vector<16xi32>
      tpu.vector_store_idx %arg7[%and3A_476], %add3A_473 masked %and3A_466 : memref<512xi32, #tpu.memory_space<vmem>>[vector<16xi32>], vector<16xi32>, vector<16xi1>
      %scan3A_477 = arith.constant 1 : i32
      %scan3A_478 = arith.addi %scan3A_426, %scan3A_477 : i32
      %mul3A_479 = arith.constant 16 : i32
      %mul3A_480 = arith.muli %scan3A_478, %mul3A_479 : i32
      %add3A_481 = vector.broadcast %mul3A_480 : i32 to vector<16xi32>
      %add3A_482 = arith.addi %add3A_481, %iota3A : vector<16xi32>
      %gather3A_483 = tpu.vector_load_idx %arg6[%add3A_482] : memref<4096xi32, #tpu.memory_space<vmem>>[vector<16xi32>], vector<16xi32>,
      %mul3A_484 = arith.constant 16 : i32
      %mul3A_485 = vector.broadcast %mul3A_484 : i32 to vector<16xi32>
      %mul3A_486 = arith.muli %gather3A_483, %mul3A_485 : vector<16xi32>
      %add3A_487 = arith.addi %mul3A_486, %iota3A : vector<16xi32>
      %sort3A_488 = arith.constant dense<true> : vector<16xi1>
      %sort3A_489, %sort3A_490, %sort3A_491 = tpu.sort %add3A_487, %add3A_487 masked %sort3A_488 : (vector<16xi32>, vector<16xi32>, vector<16xi1>) -> (vector<16xi1>, vector<16xi32>, vector<16xi32>)
      %lt3A_492 = arith.constant 0 : i32
      %lt3A_493 = vector.broadcast %lt3A_492 : i32 to vector<16xi32>
      %lt3A_494 = arith.cmpi slt, %min3A_12, %lt3A_493 : vector<16xi32>
      %add3A_495 = arith.constant 16 : i32
      %add3A_496 = vector.broadcast %add3A_495 : i32 to vector<16xi32>
      %add3A_497 = arith.addi %min3A_12, %add3A_496 : vector<16xi32>
      %select_n3A_498 = arith.select %lt3A_494, %add3A_497, %min3A_12 : vector<16xi1>, vector<16xi32>
      %broadcast_in_dim3A_499 = vector.shape_cast %select_n3A_498 : vector<16xi32> to vector<16x1xi32>
      %gather3A_500 = vector.shape_cast %broadcast_in_dim3A_499 : vector<16x1xi32> to vector<16xi32>
      %gather3A_501 = tpu.dynamic_gather %sort3A_490[%gather3A_500] in [0] : vector<16xi32>, vector<16xi32> -> vector<16xi32>
      %shift_right_arithmetic3A_502 = arith.constant 4 : i32
      %shift_right_arithmetic3A_503 = vector.broadcast %shift_right_arithmetic3A_502 : i32 to vector<16xi32>
      %shift_right_arithmetic3A_504 = arith.shrsi %sort3A_490, %shift_right_arithmetic3A_503 : vector<16xi32>
      %shift_right_arithmetic3A_505 = arith.constant 4 : i32
      %shift_right_arithmetic3A_506 = vector.broadcast %shift_right_arithmetic3A_505 : i32 to vector<16xi32>
      %shift_right_arithmetic3A_507 = arith.shrsi %gather3A_501, %shift_right_arithmetic3A_506 : vector<16xi32>
      %ne3A_508 = arith.cmpi ne, %shift_right_arithmetic3A_504, %shift_right_arithmetic3A_507 : vector<16xi32>
      %eq3A_509 = arith.constant 15 : i32
      %eq3A_510 = vector.broadcast %eq3A_509 : i32 to vector<16xi32>
      %eq3A_511 = arith.cmpi eq, %iota3A, %eq3A_510 : vector<16xi32>
      %or3A_512 = arith.ori %ne3A_508, %eq3A_511 : vector<16xi1>
      %sub3A_513 = vector.broadcast %mul3A_2 : i32 to vector<16xi32>
      %sub3A_514 = arith.subi %shift_right_arithmetic3A_504, %sub3A_513 : vector<16xi32>
      %ge3A_515 = arith.constant 0 : i32
      %ge3A_516 = vector.broadcast %ge3A_515 : i32 to vector<16xi32>
      %ge3A_517 = arith.cmpi sge, %sub3A_514, %ge3A_516 : vector<16xi32>
      %and3A_518 = arith.andi %or3A_512, %ge3A_517 : vector<16xi1>
      %lt3A_519 = arith.constant 512 : i32
      %lt3A_520 = vector.broadcast %lt3A_519 : i32 to vector<16xi32>
      %lt3A_521 = arith.cmpi slt, %sub3A_514, %lt3A_520 : vector<16xi32>
      %and3A_522 = arith.andi %and3A_518, %lt3A_521 : vector<16xi1>
      %mul3A_523 = arith.constant 16 : i32
      %mul3A_524 = arith.muli %scan3A_478, %mul3A_523 : i32
      %and3A_525 = arith.constant 15 : i32
      %and3A_526 = vector.broadcast %and3A_525 : i32 to vector<16xi32>
      %and3A_527 = arith.andi %sort3A_490, %and3A_526 : vector<16xi32>
      %add3A_528 = vector.broadcast %mul3A_524 : i32 to vector<16xi32>
      %add3A_529 = arith.addi %add3A_528, %and3A_527 : vector<16xi32>
      %and3A_530 = arith.constant 511 : i32
      %and3A_531 = vector.broadcast %and3A_530 : i32 to vector<16xi32>
      %and3A_532 = arith.andi %sub3A_514, %and3A_531 : vector<16xi32>
      tpu.vector_store_idx %arg7[%and3A_532], %add3A_529 masked %and3A_522 : memref<512xi32, #tpu.memory_space<vmem>>[vector<16xi32>], vector<16xi32>, vector<16xi1>
      %scan3A_533 = arith.constant 2 : i32
      %scan3A_534 = arith.addi %scan3A_426, %scan3A_533 : i32
      %mul3A_535 = arith.constant 16 : i32
      %mul3A_536 = arith.muli %scan3A_534, %mul3A_535 : i32
      %add3A_537 = vector.broadcast %mul3A_536 : i32 to vector<16xi32>
      %add3A_538 = arith.addi %add3A_537, %iota3A : vector<16xi32>
      %gather3A_539 = tpu.vector_load_idx %arg6[%add3A_538] : memref<4096xi32, #tpu.memory_space<vmem>>[vector<16xi32>], vector<16xi32>,
      %mul3A_540 = arith.constant 16 : i32
      %mul3A_541 = vector.broadcast %mul3A_540 : i32 to vector<16xi32>
      %mul3A_542 = arith.muli %gather3A_539, %mul3A_541 : vector<16xi32>
      %add3A_543 = arith.addi %mul3A_542, %iota3A : vector<16xi32>
      %sort3A_544 = arith.constant dense<true> : vector<16xi1>
      %sort3A_545, %sort3A_546, %sort3A_547 = tpu.sort %add3A_543, %add3A_543 masked %sort3A_544 : (vector<16xi32>, vector<16xi32>, vector<16xi1>) -> (vector<16xi1>, vector<16xi32>, vector<16xi32>)
      %lt3A_548 = arith.constant 0 : i32
      %lt3A_549 = vector.broadcast %lt3A_548 : i32 to vector<16xi32>
      %lt3A_550 = arith.cmpi slt, %min3A_12, %lt3A_549 : vector<16xi32>
      %add3A_551 = arith.constant 16 : i32
      %add3A_552 = vector.broadcast %add3A_551 : i32 to vector<16xi32>
      %add3A_553 = arith.addi %min3A_12, %add3A_552 : vector<16xi32>
      %select_n3A_554 = arith.select %lt3A_550, %add3A_553, %min3A_12 : vector<16xi1>, vector<16xi32>
      %broadcast_in_dim3A_555 = vector.shape_cast %select_n3A_554 : vector<16xi32> to vector<16x1xi32>
      %gather3A_556 = vector.shape_cast %broadcast_in_dim3A_555 : vector<16x1xi32> to vector<16xi32>
      %gather3A_557 = tpu.dynamic_gather %sort3A_546[%gather3A_556] in [0] : vector<16xi32>, vector<16xi32> -> vector<16xi32>
      %shift_right_arithmetic3A_558 = arith.constant 4 : i32
      %shift_right_arithmetic3A_559 = vector.broadcast %shift_right_arithmetic3A_558 : i32 to vector<16xi32>
      %shift_right_arithmetic3A_560 = arith.shrsi %sort3A_546, %shift_right_arithmetic3A_559 : vector<16xi32>
      %shift_right_arithmetic3A_561 = arith.constant 4 : i32
      %shift_right_arithmetic3A_562 = vector.broadcast %shift_right_arithmetic3A_561 : i32 to vector<16xi32>
      %shift_right_arithmetic3A_563 = arith.shrsi %gather3A_557, %shift_right_arithmetic3A_562 : vector<16xi32>
      %ne3A_564 = arith.cmpi ne, %shift_right_arithmetic3A_560, %shift_right_arithmetic3A_563 : vector<16xi32>
      %eq3A_565 = arith.constant 15 : i32
      %eq3A_566 = vector.broadcast %eq3A_565 : i32 to vector<16xi32>
      %eq3A_567 = arith.cmpi eq, %iota3A, %eq3A_566 : vector<16xi32>
      %or3A_568 = arith.ori %ne3A_564, %eq3A_567 : vector<16xi1>
      %sub3A_569 = vector.broadcast %mul3A_2 : i32 to vector<16xi32>
      %sub3A_570 = arith.subi %shift_right_arithmetic3A_560, %sub3A_569 : vector<16xi32>
      %ge3A_571 = arith.constant 0 : i32
      %ge3A_572 = vector.broadcast %ge3A_571 : i32 to vector<16xi32>
      %ge3A_573 = arith.cmpi sge, %sub3A_570, %ge3A_572 : vector<16xi32>
      %and3A_574 = arith.andi %or3A_568, %ge3A_573 : vector<16xi1>
      %lt3A_575 = arith.constant 512 : i32
      %lt3A_576 = vector.broadcast %lt3A_575 : i32 to vector<16xi32>
      %lt3A_577 = arith.cmpi slt, %sub3A_570, %lt3A_576 : vector<16xi32>
      %and3A_578 = arith.andi %and3A_574, %lt3A_577 : vector<16xi1>
      %mul3A_579 = arith.constant 16 : i32
      %mul3A_580 = arith.muli %scan3A_534, %mul3A_579 : i32
      %and3A_581 = arith.constant 15 : i32
      %and3A_582 = vector.broadcast %and3A_581 : i32 to vector<16xi32>
      %and3A_583 = arith.andi %sort3A_546, %and3A_582 : vector<16xi32>
      %add3A_584 = vector.broadcast %mul3A_580 : i32 to vector<16xi32>
      %add3A_585 = arith.addi %add3A_584, %and3A_583 : vector<16xi32>
      %and3A_586 = arith.constant 511 : i32
      %and3A_587 = vector.broadcast %and3A_586 : i32 to vector<16xi32>
      %and3A_588 = arith.andi %sub3A_570, %and3A_587 : vector<16xi32>
      tpu.vector_store_idx %arg7[%and3A_588], %add3A_585 masked %and3A_578 : memref<512xi32, #tpu.memory_space<vmem>>[vector<16xi32>], vector<16xi32>, vector<16xi1>
      %scan3A_589 = arith.constant 3 : i32
      %scan3A_590 = arith.addi %scan3A_426, %scan3A_589 : i32
      %mul3A_591 = arith.constant 16 : i32
      %mul3A_592 = arith.muli %scan3A_590, %mul3A_591 : i32
      %add3A_593 = vector.broadcast %mul3A_592 : i32 to vector<16xi32>
      %add3A_594 = arith.addi %add3A_593, %iota3A : vector<16xi32>
      %gather3A_595 = tpu.vector_load_idx %arg6[%add3A_594] : memref<4096xi32, #tpu.memory_space<vmem>>[vector<16xi32>], vector<16xi32>,
      %mul3A_596 = arith.constant 16 : i32
      %mul3A_597 = vector.broadcast %mul3A_596 : i32 to vector<16xi32>
      %mul3A_598 = arith.muli %gather3A_595, %mul3A_597 : vector<16xi32>
      %add3A_599 = arith.addi %mul3A_598, %iota3A : vector<16xi32>
      %sort3A_600 = arith.constant dense<true> : vector<16xi1>
      %sort3A_601, %sort3A_602, %sort3A_603 = tpu.sort %add3A_599, %add3A_599 masked %sort3A_600 : (vector<16xi32>, vector<16xi32>, vector<16xi1>) -> (vector<16xi1>, vector<16xi32>, vector<16xi32>)
      %lt3A_604 = arith.constant 0 : i32
      %lt3A_605 = vector.broadcast %lt3A_604 : i32 to vector<16xi32>
      %lt3A_606 = arith.cmpi slt, %min3A_12, %lt3A_605 : vector<16xi32>
      %add3A_607 = arith.constant 16 : i32
      %add3A_608 = vector.broadcast %add3A_607 : i32 to vector<16xi32>
      %add3A_609 = arith.addi %min3A_12, %add3A_608 : vector<16xi32>
      %select_n3A_610 = arith.select %lt3A_606, %add3A_609, %min3A_12 : vector<16xi1>, vector<16xi32>
      %broadcast_in_dim3A_611 = vector.shape_cast %select_n3A_610 : vector<16xi32> to vector<16x1xi32>
      %gather3A_612 = vector.shape_cast %broadcast_in_dim3A_611 : vector<16x1xi32> to vector<16xi32>
      %gather3A_613 = tpu.dynamic_gather %sort3A_602[%gather3A_612] in [0] : vector<16xi32>, vector<16xi32> -> vector<16xi32>
      %shift_right_arithmetic3A_614 = arith.constant 4 : i32
      %shift_right_arithmetic3A_615 = vector.broadcast %shift_right_arithmetic3A_614 : i32 to vector<16xi32>
      %shift_right_arithmetic3A_616 = arith.shrsi %sort3A_602, %shift_right_arithmetic3A_615 : vector<16xi32>
      %shift_right_arithmetic3A_617 = arith.constant 4 : i32
      %shift_right_arithmetic3A_618 = vector.broadcast %shift_right_arithmetic3A_617 : i32 to vector<16xi32>
      %shift_right_arithmetic3A_619 = arith.shrsi %gather3A_613, %shift_right_arithmetic3A_618 : vector<16xi32>
      %ne3A_620 = arith.cmpi ne, %shift_right_arithmetic3A_616, %shift_right_arithmetic3A_619 : vector<16xi32>
      %eq3A_621 = arith.constant 15 : i32
      %eq3A_622 = vector.broadcast %eq3A_621 : i32 to vector<16xi32>
      %eq3A_623 = arith.cmpi eq, %iota3A, %eq3A_622 : vector<16xi32>
      %or3A_624 = arith.ori %ne3A_620, %eq3A_623 : vector<16xi1>
      %sub3A_625 = vector.broadcast %mul3A_2 : i32 to vector<16xi32>
      %sub3A_626 = arith.subi %shift_right_arithmetic3A_616, %sub3A_625 : vector<16xi32>
      %ge3A_627 = arith.constant 0 : i32
      %ge3A_628 = vector.broadcast %ge3A_627 : i32 to vector<16xi32>
      %ge3A_629 = arith.cmpi sge, %sub3A_626, %ge3A_628 : vector<16xi32>
      %and3A_630 = arith.andi %or3A_624, %ge3A_629 : vector<16xi1>
      %lt3A_631 = arith.constant 512 : i32
      %lt3A_632 = vector.broadcast %lt3A_631 : i32 to vector<16xi32>
      %lt3A_633 = arith.cmpi slt, %sub3A_626, %lt3A_632 : vector<16xi32>
      %and3A_634 = arith.andi %and3A_630, %lt3A_633 : vector<16xi1>
      %mul3A_635 = arith.constant 16 : i32
      %mul3A_636 = arith.muli %scan3A_590, %mul3A_635 : i32
      %and3A_637 = arith.constant 15 : i32
      %and3A_638 = vector.broadcast %and3A_637 : i32 to vector<16xi32>
      %and3A_639 = arith.andi %sort3A_602, %and3A_638 : vector<16xi32>
      %add3A_640 = vector.broadcast %mul3A_636 : i32 to vector<16xi32>
      %add3A_641 = arith.addi %add3A_640, %and3A_639 : vector<16xi32>
      %and3A_642 = arith.constant 511 : i32
      %and3A_643 = vector.broadcast %and3A_642 : i32 to vector<16xi32>
      %and3A_644 = arith.andi %sub3A_626, %and3A_643 : vector<16xi32>
      tpu.vector_store_idx %arg7[%and3A_644], %add3A_641 masked %and3A_634 : memref<512xi32, #tpu.memory_space<vmem>>[vector<16xi32>], vector<16xi32>, vector<16xi1>
    }
    %scan3A_18 = arith.constant 256 : i32
    %scan3A_19 = arith.constant 0 : i32
    %scan3A_20 = arith.constant 0 : i32
    %scan3A_21 = arith.constant -1 : i32
    %scan3A_22 = arith.constant -1 : i32
    %scan3A_23 = arith.constant 0 : i32
    %scan3A_24 = arith.constant 32 : i32
    %scan3A_25 = arith.addi %scan3A_23, %scan3A_24 : i32
    %scan3A_26 = arith.constant 1 : i32
    %scan3A_27:4 = scf.for %scan3A_426 = %scan3A_23 to %scan3A_25 step %scan3A_26 iter_args(%scan3A_427 = %scan3A_19, %scan3A_428 = %scan3A_20, %scan3A_429 = %scan3A_21, %scan3A_430 = %scan3A_22) -> (i32, i32, i32, i32)  : i32 {
      %mul3A_431 = arith.constant 16 : i32
      %mul3A_432 = arith.muli %scan3A_426, %mul3A_431 : i32
      %add3A_433 = vector.broadcast %mul3A_432 : i32 to vector<16xi32>
      %add3A_434 = arith.addi %add3A_433, %iota3A : vector<16xi32>
      %gather3A = tpu.vector_load_idx %arg7[%add3A_434] : memref<512xi32, #tpu.memory_space<vmem>>[vector<16xi32>], vector<16xi32>,
      %mul3A_435 = arith.constant 16 : i32
      %mul3A_436 = arith.muli %scan3A_426, %mul3A_435 : i32
      %add3A_437 = arith.addi %mul3A_2, %mul3A_436 : i32
      %add3A_438 = vector.broadcast %add3A_437 : i32 to vector<16xi32>
      %add3A_439 = arith.addi %add3A_438, %iota3A : vector<16xi32>
      %ge3A = arith.constant 0 : i32
      %ge3A_440 = vector.broadcast %ge3A : i32 to vector<16xi32>
      %ge3A_441 = arith.cmpi sge, %gather3A, %ge3A_440 : vector<16xi32>
      %convert_element_type3A_442 = arith.extui %ge3A_441 : vector<16xi1> to vector<16xi32>
      %sub3A_443 = arith.constant 1 : i32
      %sub3A_444 = vector.broadcast %sub3A_443 : i32 to vector<16xi32>
      %sub3A_445 = arith.subi %sub3A_444, %convert_element_type3A_442 : vector<16xi32>
      %broadcast_in_dim3A_446 = arith.constant true
      %broadcast_in_dim3A_447 = vector.broadcast %broadcast_in_dim3A_446 : i1 to vector<16xi1>
      %masked_cumsum3A = tpu.scan <sum>, %convert_element_type3A_442 masked %broadcast_in_dim3A_447 : vector<16xi32>, vector<16xi1> -> vector<16xi32>
      %broadcast_in_dim3A_448 = arith.constant true
      %broadcast_in_dim3A_449 = vector.broadcast %broadcast_in_dim3A_448 : i1 to vector<16xi1>
      %masked_cumsum3A_450 = tpu.scan <sum>, %sub3A_445 masked %broadcast_in_dim3A_449 : vector<16xi32>, vector<16xi1> -> vector<16xi32>
      %broadcast_in_dim3A_451 = vector.broadcast %scan3A_427 : i32 to vector<16xi32>
      %add3A_452 = arith.addi %broadcast_in_dim3A_451, %masked_cumsum3A : vector<16xi32>
      %sub3A_453 = arith.subi %add3A_452, %convert_element_type3A_442 : vector<16xi32>
      %broadcast_in_dim3A_454 = vector.broadcast %scan3A_428 : i32 to vector<16xi32>
      %add3A_455 = arith.addi %broadcast_in_dim3A_454, %masked_cumsum3A_450 : vector<16xi32>
      %sub3A_456 = arith.subi %add3A_455, %sub3A_445 : vector<16xi32>
      %jit3A_457 = arith.constant 8 : i32
      %div3A_458 = vector.broadcast %jit3A_457 : i32 to vector<16xi32>
      %div3A_459 = arith.divsi %sub3A_453, %div3A_458 : vector<16xi32>
      %sign3A_460 = arith.constant 0 : i32
      %sign3A_461 = vector.broadcast %sign3A_460 : i32 to vector<16xi32>
      %sign3A_462 = arith.cmpi sgt, %sub3A_453, %sign3A_461 : vector<16xi32>
      %sign3A_463 = arith.extui %sign3A_462 : vector<16xi1> to vector<16xi32>
      %sign3A_464 = arith.constant 0 : i32
      %sign3A_465 = vector.broadcast %sign3A_464 : i32 to vector<16xi32>
      %sign3A_466 = arith.cmpi slt, %sub3A_453, %sign3A_465 : vector<16xi32>
      %sign3A_467 = arith.extui %sign3A_466 : vector<16xi1> to vector<16xi32>
      %sign3A_468 = arith.subi %sign3A_463, %sign3A_467 : vector<16xi32>
      %sign3A_469 = arith.constant 0 : i32
      %sign3A_470 = arith.cmpi sgt, %jit3A_457, %sign3A_469 : i32
      %sign3A_471 = arith.extui %sign3A_470 : i1 to i32
      %sign3A_472 = arith.constant 0 : i32
      %sign3A_473 = arith.cmpi slt, %jit3A_457, %sign3A_472 : i32
      %sign3A_474 = arith.extui %sign3A_473 : i1 to i32
      %sign3A_475 = arith.subi %sign3A_471, %sign3A_474 : i32
      %ne3A_476 = vector.broadcast %sign3A_475 : i32 to vector<16xi32>
      %ne3A_477 = arith.cmpi ne, %sign3A_468, %ne3A_476 : vector<16xi32>
      %rem3A_478 = vector.broadcast %jit3A_457 : i32 to vector<16xi32>
      %rem3A_479 = arith.remsi %sub3A_453, %rem3A_478 : vector<16xi32>
      %ne3A_480 = arith.constant 0 : i32
      %ne3A_481 = vector.broadcast %ne3A_480 : i32 to vector<16xi32>
      %ne3A_482 = arith.cmpi ne, %rem3A_479, %ne3A_481 : vector<16xi32>
      %and3A_483 = arith.andi %ne3A_477, %ne3A_482 : vector<16xi1>
      %sub3A_484 = arith.constant 1 : i32
      %sub3A_485 = vector.broadcast %sub3A_484 : i32 to vector<16xi32>
      %sub3A_486 = arith.subi %div3A_459, %sub3A_485 : vector<16xi32>
      %select_n3A_487 = arith.select %and3A_483, %sub3A_486, %div3A_459 : vector<16xi1>, vector<16xi32>
      %jit3A_488 = arith.constant 8 : i32
      %eq3A_489 = arith.constant 0 : i32
      %eq3A_490 = arith.cmpi eq, %jit3A_488, %eq3A_489 : i32
      %jit3A_491 = arith.constant 1 : i32
      %select_n3A_492 = arith.select %eq3A_490, %jit3A_491, %jit3A_488 : i32
      %rem3A_493 = vector.broadcast %select_n3A_492 : i32 to vector<16xi32>
      %rem3A_494 = arith.remsi %sub3A_453, %rem3A_493 : vector<16xi32>
      %ne3A_495 = arith.constant 0 : i32
      %ne3A_496 = vector.broadcast %ne3A_495 : i32 to vector<16xi32>
      %ne3A_497 = arith.cmpi ne, %rem3A_494, %ne3A_496 : vector<16xi32>
      %lt3A_498 = arith.constant 0 : i32
      %lt3A_499 = vector.broadcast %lt3A_498 : i32 to vector<16xi32>
      %lt3A_500 = arith.cmpi slt, %rem3A_494, %lt3A_499 : vector<16xi32>
      %lt3A_501 = arith.constant 0 : i32
      %lt3A_502 = arith.cmpi slt, %select_n3A_492, %lt3A_501 : i32
      %ne3A_503 = vector.broadcast %lt3A_502 : i1 to vector<16xi1>
      %ne3A_504 = vector.broadcast %ne3A_503 : vector<16xi1> to vector<16xi1>
      %ne3A_505 = arith.xori %lt3A_500, %ne3A_504 : vector<16xi1>
      %and3A_506 = arith.andi %ne3A_505, %ne3A_497 : vector<16xi1>
      %add3A_507 = vector.broadcast %select_n3A_492 : i32 to vector<16xi32>
      %add3A_508 = arith.addi %rem3A_494, %add3A_507 : vector<16xi32>
      %select_n3A_509 = arith.select %and3A_506, %add3A_508, %rem3A_494 : vector<16xi1>, vector<16xi32>
      tpu.vector_store_idx %arg8[%select_n3A_487, %select_n3A_509], %gather3A masked %ge3A_441 : memref<66x8xi32, #tpu.memory_space<vmem>>[vector<16xi32>, vector<16xi32>], vector<16xi32>, vector<16xi1>
      %jit3A_510 = arith.constant 8 : i32
      %div3A_511 = vector.broadcast %jit3A_510 : i32 to vector<16xi32>
      %div3A_512 = arith.divsi %sub3A_453, %div3A_511 : vector<16xi32>
      %sign3A_513 = arith.constant 0 : i32
      %sign3A_514 = vector.broadcast %sign3A_513 : i32 to vector<16xi32>
      %sign3A_515 = arith.cmpi sgt, %sub3A_453, %sign3A_514 : vector<16xi32>
      %sign3A_516 = arith.extui %sign3A_515 : vector<16xi1> to vector<16xi32>
      %sign3A_517 = arith.constant 0 : i32
      %sign3A_518 = vector.broadcast %sign3A_517 : i32 to vector<16xi32>
      %sign3A_519 = arith.cmpi slt, %sub3A_453, %sign3A_518 : vector<16xi32>
      %sign3A_520 = arith.extui %sign3A_519 : vector<16xi1> to vector<16xi32>
      %sign3A_521 = arith.subi %sign3A_516, %sign3A_520 : vector<16xi32>
      %sign3A_522 = arith.constant 0 : i32
      %sign3A_523 = arith.cmpi sgt, %jit3A_510, %sign3A_522 : i32
      %sign3A_524 = arith.extui %sign3A_523 : i1 to i32
      %sign3A_525 = arith.constant 0 : i32
      %sign3A_526 = arith.cmpi slt, %jit3A_510, %sign3A_525 : i32
      %sign3A_527 = arith.extui %sign3A_526 : i1 to i32
      %sign3A_528 = arith.subi %sign3A_524, %sign3A_527 : i32
      %ne3A_529 = vector.broadcast %sign3A_528 : i32 to vector<16xi32>
      %ne3A_530 = arith.cmpi ne, %sign3A_521, %ne3A_529 : vector<16xi32>
      %rem3A_531 = vector.broadcast %jit3A_510 : i32 to vector<16xi32>
      %rem3A_532 = arith.remsi %sub3A_453, %rem3A_531 : vector<16xi32>
      %ne3A_533 = arith.constant 0 : i32
      %ne3A_534 = vector.broadcast %ne3A_533 : i32 to vector<16xi32>
      %ne3A_535 = arith.cmpi ne, %rem3A_532, %ne3A_534 : vector<16xi32>
      %and3A_536 = arith.andi %ne3A_530, %ne3A_535 : vector<16xi1>
      %sub3A_537 = arith.constant 1 : i32
      %sub3A_538 = vector.broadcast %sub3A_537 : i32 to vector<16xi32>
      %sub3A_539 = arith.subi %div3A_512, %sub3A_538 : vector<16xi32>
      %select_n3A_540 = arith.select %and3A_536, %sub3A_539, %div3A_512 : vector<16xi1>, vector<16xi32>
      %jit3A_541 = arith.constant 8 : i32
      %eq3A_542 = arith.constant 0 : i32
      %eq3A_543 = arith.cmpi eq, %jit3A_541, %eq3A_542 : i32
      %jit3A_544 = arith.constant 1 : i32
      %select_n3A_545 = arith.select %eq3A_543, %jit3A_544, %jit3A_541 : i32
      %rem3A_546 = vector.broadcast %select_n3A_545 : i32 to vector<16xi32>
      %rem3A_547 = arith.remsi %sub3A_453, %rem3A_546 : vector<16xi32>
      %ne3A_548 = arith.constant 0 : i32
      %ne3A_549 = vector.broadcast %ne3A_548 : i32 to vector<16xi32>
      %ne3A_550 = arith.cmpi ne, %rem3A_547, %ne3A_549 : vector<16xi32>
      %lt3A_551 = arith.constant 0 : i32
      %lt3A_552 = vector.broadcast %lt3A_551 : i32 to vector<16xi32>
      %lt3A_553 = arith.cmpi slt, %rem3A_547, %lt3A_552 : vector<16xi32>
      %lt3A_554 = arith.constant 0 : i32
      %lt3A_555 = arith.cmpi slt, %select_n3A_545, %lt3A_554 : i32
      %ne3A_556 = vector.broadcast %lt3A_555 : i1 to vector<16xi1>
      %ne3A_557 = vector.broadcast %ne3A_556 : vector<16xi1> to vector<16xi1>
      %ne3A_558 = arith.xori %lt3A_553, %ne3A_557 : vector<16xi1>
      %and3A_559 = arith.andi %ne3A_558, %ne3A_550 : vector<16xi1>
      %add3A_560 = vector.broadcast %select_n3A_545 : i32 to vector<16xi32>
      %add3A_561 = arith.addi %rem3A_547, %add3A_560 : vector<16xi32>
      %select_n3A_562 = arith.select %and3A_559, %add3A_561, %rem3A_547 : vector<16xi1>, vector<16xi32>
      tpu.vector_store_idx %arg9[%select_n3A_540, %select_n3A_562], %add3A_439 masked %ge3A_441 : memref<66x8xi32, #tpu.memory_space<vmem>>[vector<16xi32>, vector<16xi32>], vector<16xi32>, vector<16xi1>
      %jit3A_563 = arith.constant 8 : i32
      %div3A_564 = vector.broadcast %jit3A_563 : i32 to vector<16xi32>
      %div3A_565 = arith.divsi %sub3A_456, %div3A_564 : vector<16xi32>
      %sign3A_566 = arith.constant 0 : i32
      %sign3A_567 = vector.broadcast %sign3A_566 : i32 to vector<16xi32>
      %sign3A_568 = arith.cmpi sgt, %sub3A_456, %sign3A_567 : vector<16xi32>
      %sign3A_569 = arith.extui %sign3A_568 : vector<16xi1> to vector<16xi32>
      %sign3A_570 = arith.constant 0 : i32
      %sign3A_571 = vector.broadcast %sign3A_570 : i32 to vector<16xi32>
      %sign3A_572 = arith.cmpi slt, %sub3A_456, %sign3A_571 : vector<16xi32>
      %sign3A_573 = arith.extui %sign3A_572 : vector<16xi1> to vector<16xi32>
      %sign3A_574 = arith.subi %sign3A_569, %sign3A_573 : vector<16xi32>
      %sign3A_575 = arith.constant 0 : i32
      %sign3A_576 = arith.cmpi sgt, %jit3A_563, %sign3A_575 : i32
      %sign3A_577 = arith.extui %sign3A_576 : i1 to i32
      %sign3A_578 = arith.constant 0 : i32
      %sign3A_579 = arith.cmpi slt, %jit3A_563, %sign3A_578 : i32
      %sign3A_580 = arith.extui %sign3A_579 : i1 to i32
      %sign3A_581 = arith.subi %sign3A_577, %sign3A_580 : i32
      %ne3A_582 = vector.broadcast %sign3A_581 : i32 to vector<16xi32>
      %ne3A_583 = arith.cmpi ne, %sign3A_574, %ne3A_582 : vector<16xi32>
      %rem3A_584 = vector.broadcast %jit3A_563 : i32 to vector<16xi32>
      %rem3A_585 = arith.remsi %sub3A_456, %rem3A_584 : vector<16xi32>
      %ne3A_586 = arith.constant 0 : i32
      %ne3A_587 = vector.broadcast %ne3A_586 : i32 to vector<16xi32>
      %ne3A_588 = arith.cmpi ne, %rem3A_585, %ne3A_587 : vector<16xi32>
      %and3A_589 = arith.andi %ne3A_583, %ne3A_588 : vector<16xi1>
      %sub3A_590 = arith.constant 1 : i32
      %sub3A_591 = vector.broadcast %sub3A_590 : i32 to vector<16xi32>
      %sub3A_592 = arith.subi %div3A_565, %sub3A_591 : vector<16xi32>
      %select_n3A_593 = arith.select %and3A_589, %sub3A_592, %div3A_565 : vector<16xi1>, vector<16xi32>
      %jit3A_594 = arith.constant 8 : i32
      %eq3A_595 = arith.constant 0 : i32
      %eq3A_596 = arith.cmpi eq, %jit3A_594, %eq3A_595 : i32
      %jit3A_597 = arith.constant 1 : i32
      %select_n3A_598 = arith.select %eq3A_596, %jit3A_597, %jit3A_594 : i32
      %rem3A_599 = vector.broadcast %select_n3A_598 : i32 to vector<16xi32>
      %rem3A_600 = arith.remsi %sub3A_456, %rem3A_599 : vector<16xi32>
      %ne3A_601 = arith.constant 0 : i32
      %ne3A_602 = vector.broadcast %ne3A_601 : i32 to vector<16xi32>
      %ne3A_603 = arith.cmpi ne, %rem3A_600, %ne3A_602 : vector<16xi32>
      %lt3A_604 = arith.constant 0 : i32
      %lt3A_605 = vector.broadcast %lt3A_604 : i32 to vector<16xi32>
      %lt3A_606 = arith.cmpi slt, %rem3A_600, %lt3A_605 : vector<16xi32>
      %lt3A_607 = arith.constant 0 : i32
      %lt3A_608 = arith.cmpi slt, %select_n3A_598, %lt3A_607 : i32
      %ne3A_609 = vector.broadcast %lt3A_608 : i1 to vector<16xi1>
      %ne3A_610 = vector.broadcast %ne3A_609 : vector<16xi1> to vector<16xi1>
      %ne3A_611 = arith.xori %lt3A_606, %ne3A_610 : vector<16xi1>
      %and3A_612 = arith.andi %ne3A_611, %ne3A_603 : vector<16xi1>
      %add3A_613 = vector.broadcast %select_n3A_598 : i32 to vector<16xi32>
      %add3A_614 = arith.addi %rem3A_600, %add3A_613 : vector<16xi32>
      %select_n3A_615 = arith.select %and3A_612, %add3A_614, %rem3A_600 : vector<16xi1>, vector<16xi32>
      %not3A = arith.constant dense<true> : vector<16xi1>
      %not3A_616 = arith.xori %ge3A_441, %not3A : vector<16xi1>
      tpu.vector_store_idx %arg10[%select_n3A_593, %select_n3A_615], %add3A_439 masked %not3A_616 : memref<66x8xi32, #tpu.memory_space<vmem>>[vector<16xi32>, vector<16xi32>], vector<16xi32>, vector<16xi1>
      %shift_left3A = arith.constant 12 : i32
      %shift_left3A_617 = vector.broadcast %shift_left3A : i32 to vector<16xi32>
      %shift_left3A_618 = arith.shli %add3A_439, %shift_left3A_617 : vector<16xi32>
      %or3A = arith.ori %shift_left3A_618, %gather3A : vector<16xi32>
      %jit3A_619 = arith.constant -1 : i32
      %broadcast_in_dim3A_620 = vector.broadcast %jit3A_619 : i32 to vector<16xi32>
      %select_n3A_621 = arith.select %ge3A_441, %or3A, %broadcast_in_dim3A_620 : vector<16xi1>, vector<16xi32>
      %reduce_max3A = arith.constant true
      %reduce_max3A_622 = vector.broadcast %reduce_max3A : i1 to vector<16xi1>
      %reduce_max3A_623 = arith.constant -2147483648 : i32
      %reduce_max3A_624 = vector.broadcast %reduce_max3A_623 : i32 to vector<16xi32>
      %reduce_max3A_625 = arith.xori %select_n3A_621, %reduce_max3A_624 : vector<16xi32>
      %reduce_max3A_626 = tpu.scan <max>, %reduce_max3A_625 masked %reduce_max3A_622 : vector<16xi32>, vector<16xi1> -> vector<16xi32>
      %reduce_max3A_627 = arith.xori %reduce_max3A_626, %reduce_max3A_624 : vector<16xi32>
      %reduce_max3A_628 = vector.extract %reduce_max3A_627[15] : i32 from vector<16xi32>
      %max3A = arith.maxsi %scan3A_429, %reduce_max3A_628 : i32
      %jit3A_629 = arith.constant -1 : i32
      %broadcast_in_dim3A_630 = vector.broadcast %jit3A_629 : i32 to vector<16xi32>
      %select_n3A_631 = arith.select %ge3A_441, %broadcast_in_dim3A_630, %add3A_439 : vector<16xi1>, vector<16xi32>
      %reduce_max3A_632 = arith.constant true
      %reduce_max3A_633 = vector.broadcast %reduce_max3A_632 : i1 to vector<16xi1>
      %reduce_max3A_634 = arith.constant -2147483648 : i32
      %reduce_max3A_635 = vector.broadcast %reduce_max3A_634 : i32 to vector<16xi32>
      %reduce_max3A_636 = arith.xori %select_n3A_631, %reduce_max3A_635 : vector<16xi32>
      %reduce_max3A_637 = tpu.scan <max>, %reduce_max3A_636 masked %reduce_max3A_633 : vector<16xi32>, vector<16xi1> -> vector<16xi32>
      %reduce_max3A_638 = arith.xori %reduce_max3A_637, %reduce_max3A_635 : vector<16xi32>
      %reduce_max3A_639 = vector.extract %reduce_max3A_638[15] : i32 from vector<16xi32>
      %max3A_640 = arith.maxsi %scan3A_430, %reduce_max3A_639 : i32
      %reduce_max3A_641 = arith.constant true
      %reduce_max3A_642 = vector.broadcast %reduce_max3A_641 : i1 to vector<16xi1>
      %reduce_max3A_643 = arith.constant -2147483648 : i32
      %reduce_max3A_644 = vector.broadcast %reduce_max3A_643 : i32 to vector<16xi32>
      %reduce_max3A_645 = arith.xori %masked_cumsum3A, %reduce_max3A_644 : vector<16xi32>
      %reduce_max3A_646 = tpu.scan <max>, %reduce_max3A_645 masked %reduce_max3A_642 : vector<16xi32>, vector<16xi1> -> vector<16xi32>
      %reduce_max3A_647 = arith.xori %reduce_max3A_646, %reduce_max3A_644 : vector<16xi32>
      %reduce_max3A_648 = vector.extract %reduce_max3A_647[15] : i32 from vector<16xi32>
      %add3A_649 = arith.addi %scan3A_427, %reduce_max3A_648 : i32
      %reduce_max3A_650 = arith.constant true
      %reduce_max3A_651 = vector.broadcast %reduce_max3A_650 : i1 to vector<16xi1>
      %reduce_max3A_652 = arith.constant -2147483648 : i32
      %reduce_max3A_653 = vector.broadcast %reduce_max3A_652 : i32 to vector<16xi32>
      %reduce_max3A_654 = arith.xori %masked_cumsum3A_450, %reduce_max3A_653 : vector<16xi32>
      %reduce_max3A_655 = tpu.scan <max>, %reduce_max3A_654 masked %reduce_max3A_651 : vector<16xi32>, vector<16xi1> -> vector<16xi32>
      %reduce_max3A_656 = arith.xori %reduce_max3A_655, %reduce_max3A_653 : vector<16xi32>
      %reduce_max3A_657 = vector.extract %reduce_max3A_656[15] : i32 from vector<16xi32>
      %add3A_658 = arith.addi %scan3A_428, %reduce_max3A_657 : i32
      scf.yield %add3A_649, %add3A_658, %max3A, %max3A_640 : i32, i32, i32, i32
    }
    %scan3A_28 = arith.constant 32 : i32
    %jit3A = arith.constant 8 : i32
    %eq3A = arith.constant 0 : i32
    %eq3A_29 = arith.cmpi eq, %jit3A, %eq3A : i32
    %jit3A_30 = arith.constant 1 : i32
    %select_n3A = arith.select %eq3A_29, %jit3A_30, %jit3A : i32
    %rem3A = arith.remsi %scan3A_27#1, %select_n3A : i32
    %ne3A = arith.constant 0 : i32
    %ne3A_31 = arith.cmpi ne, %rem3A, %ne3A : i32
    %lt3A = arith.constant 0 : i32
    %lt3A_32 = arith.cmpi slt, %rem3A, %lt3A : i32
    %lt3A_33 = arith.constant 0 : i32
    %lt3A_34 = arith.cmpi slt, %select_n3A, %lt3A_33 : i32
    %ne3A_35 = arith.xori %lt3A_32, %lt3A_34 : i1
    %and3A = arith.andi %ne3A_35, %ne3A_31 : i1
    %add3A_36 = arith.addi %rem3A, %select_n3A : i32
    %select_n3A_37 = arith.select %and3A, %add3A_36, %rem3A : i32
    %sub3A = arith.constant 8 : i32
    %sub3A_38 = arith.subi %sub3A, %select_n3A_37 : i32
    %jit3A_39 = arith.constant 8 : i32
    %eq3A_40 = arith.constant 0 : i32
    %eq3A_41 = arith.cmpi eq, %jit3A_39, %eq3A_40 : i32
    %jit3A_42 = arith.constant 1 : i32
    %select_n3A_43 = arith.select %eq3A_41, %jit3A_42, %jit3A_39 : i32
    %rem3A_44 = arith.remsi %sub3A_38, %select_n3A_43 : i32
    %ne3A_45 = arith.constant 0 : i32
    %ne3A_46 = arith.cmpi ne, %rem3A_44, %ne3A_45 : i32
    %lt3A_47 = arith.constant 0 : i32
    %lt3A_48 = arith.cmpi slt, %rem3A_44, %lt3A_47 : i32
    %lt3A_49 = arith.constant 0 : i32
    %lt3A_50 = arith.cmpi slt, %select_n3A_43, %lt3A_49 : i32
    %ne3A_51 = arith.xori %lt3A_48, %lt3A_50 : i1
    %and3A_52 = arith.andi %ne3A_51, %ne3A_46 : i1
    %add3A_53 = arith.addi %rem3A_44, %select_n3A_43 : i32
    %select_n3A_54 = arith.select %and3A_52, %add3A_53, %rem3A_44 : i32
    %broadcast_in_dim3A = vector.broadcast %scan3A_27#1 : i32 to vector<16xi32>
    %add3A_55 = arith.addi %broadcast_in_dim3A, %iota3A : vector<16xi32>
    %lt3A_56 = vector.broadcast %select_n3A_54 : i32 to vector<16xi32>
    %lt3A_57 = arith.cmpi slt, %iota3A, %lt3A_56 : vector<16xi32>
    %jit3A_58 = arith.constant 8 : i32
    %div3A = vector.broadcast %jit3A_58 : i32 to vector<16xi32>
    %div3A_59 = arith.divsi %add3A_55, %div3A : vector<16xi32>
    %sign3A = arith.constant 0 : i32
    %sign3A_60 = vector.broadcast %sign3A : i32 to vector<16xi32>
    %sign3A_61 = arith.cmpi sgt, %add3A_55, %sign3A_60 : vector<16xi32>
    %sign3A_62 = arith.extui %sign3A_61 : vector<16xi1> to vector<16xi32>
    %sign3A_63 = arith.constant 0 : i32
    %sign3A_64 = vector.broadcast %sign3A_63 : i32 to vector<16xi32>
    %sign3A_65 = arith.cmpi slt, %add3A_55, %sign3A_64 : vector<16xi32>
    %sign3A_66 = arith.extui %sign3A_65 : vector<16xi1> to vector<16xi32>
    %sign3A_67 = arith.subi %sign3A_62, %sign3A_66 : vector<16xi32>
    %sign3A_68 = arith.constant 0 : i32
    %sign3A_69 = arith.cmpi sgt, %jit3A_58, %sign3A_68 : i32
    %sign3A_70 = arith.extui %sign3A_69 : i1 to i32
    %sign3A_71 = arith.constant 0 : i32
    %sign3A_72 = arith.cmpi slt, %jit3A_58, %sign3A_71 : i32
    %sign3A_73 = arith.extui %sign3A_72 : i1 to i32
    %sign3A_74 = arith.subi %sign3A_70, %sign3A_73 : i32
    %ne3A_75 = vector.broadcast %sign3A_74 : i32 to vector<16xi32>
    %ne3A_76 = arith.cmpi ne, %sign3A_67, %ne3A_75 : vector<16xi32>
    %rem3A_77 = vector.broadcast %jit3A_58 : i32 to vector<16xi32>
    %rem3A_78 = arith.remsi %add3A_55, %rem3A_77 : vector<16xi32>
    %ne3A_79 = arith.constant 0 : i32
    %ne3A_80 = vector.broadcast %ne3A_79 : i32 to vector<16xi32>
    %ne3A_81 = arith.cmpi ne, %rem3A_78, %ne3A_80 : vector<16xi32>
    %and3A_82 = arith.andi %ne3A_76, %ne3A_81 : vector<16xi1>
    %sub3A_83 = arith.constant 1 : i32
    %sub3A_84 = vector.broadcast %sub3A_83 : i32 to vector<16xi32>
    %sub3A_85 = arith.subi %div3A_59, %sub3A_84 : vector<16xi32>
    %select_n3A_86 = arith.select %and3A_82, %sub3A_85, %div3A_59 : vector<16xi1>, vector<16xi32>
    %jit3A_87 = arith.constant 8 : i32
    %eq3A_88 = arith.constant 0 : i32
    %eq3A_89 = arith.cmpi eq, %jit3A_87, %eq3A_88 : i32
    %jit3A_90 = arith.constant 1 : i32
    %select_n3A_91 = arith.select %eq3A_89, %jit3A_90, %jit3A_87 : i32
    %rem3A_92 = vector.broadcast %select_n3A_91 : i32 to vector<16xi32>
    %rem3A_93 = arith.remsi %add3A_55, %rem3A_92 : vector<16xi32>
    %ne3A_94 = arith.constant 0 : i32
    %ne3A_95 = vector.broadcast %ne3A_94 : i32 to vector<16xi32>
    %ne3A_96 = arith.cmpi ne, %rem3A_93, %ne3A_95 : vector<16xi32>
    %lt3A_97 = arith.constant 0 : i32
    %lt3A_98 = vector.broadcast %lt3A_97 : i32 to vector<16xi32>
    %lt3A_99 = arith.cmpi slt, %rem3A_93, %lt3A_98 : vector<16xi32>
    %lt3A_100 = arith.constant 0 : i32
    %lt3A_101 = arith.cmpi slt, %select_n3A_91, %lt3A_100 : i32
    %ne3A_102 = vector.broadcast %lt3A_101 : i1 to vector<16xi1>
    %ne3A_103 = vector.broadcast %ne3A_102 : vector<16xi1> to vector<16xi1>
    %ne3A_104 = arith.xori %lt3A_99, %ne3A_103 : vector<16xi1>
    %and3A_105 = arith.andi %ne3A_104, %ne3A_96 : vector<16xi1>
    %add3A_106 = vector.broadcast %select_n3A_91 : i32 to vector<16xi32>
    %add3A_107 = arith.addi %rem3A_93, %add3A_106 : vector<16xi32>
    %select_n3A_108 = arith.select %and3A_105, %add3A_107, %rem3A_93 : vector<16xi1>, vector<16xi32>
    %broadcast_in_dim3A_109 = vector.broadcast %scan3A_27#3 : i32 to vector<16xi32>
    tpu.vector_store_idx %arg10[%select_n3A_86, %select_n3A_108], %broadcast_in_dim3A_109 masked %lt3A_57 : memref<66x8xi32, #tpu.memory_space<vmem>>[vector<16xi32>, vector<16xi32>], vector<16xi32>, vector<16xi1>
    %add3A_110 = arith.addi %scan3A_27#1, %select_n3A_54 : i32
    %jit3A_111 = arith.constant 8 : i32
    %div3A_112 = arith.divsi %add3A_110, %jit3A_111 : i32
    %sign3A_113 = arith.constant 0 : i32
    %sign3A_114 = arith.cmpi sgt, %add3A_110, %sign3A_113 : i32
    %sign3A_115 = arith.extui %sign3A_114 : i1 to i32
    %sign3A_116 = arith.constant 0 : i32
    %sign3A_117 = arith.cmpi slt, %add3A_110, %sign3A_116 : i32
    %sign3A_118 = arith.extui %sign3A_117 : i1 to i32
    %sign3A_119 = arith.subi %sign3A_115, %sign3A_118 : i32
    %sign3A_120 = arith.constant 0 : i32
    %sign3A_121 = arith.cmpi sgt, %jit3A_111, %sign3A_120 : i32
    %sign3A_122 = arith.extui %sign3A_121 : i1 to i32
    %sign3A_123 = arith.constant 0 : i32
    %sign3A_124 = arith.cmpi slt, %jit3A_111, %sign3A_123 : i32
    %sign3A_125 = arith.extui %sign3A_124 : i1 to i32
    %sign3A_126 = arith.subi %sign3A_122, %sign3A_125 : i32
    %ne3A_127 = arith.cmpi ne, %sign3A_119, %sign3A_126 : i32
    %rem3A_128 = arith.remsi %add3A_110, %jit3A_111 : i32
    %ne3A_129 = arith.constant 0 : i32
    %ne3A_130 = arith.cmpi ne, %rem3A_128, %ne3A_129 : i32
    %and3A_131 = arith.andi %ne3A_127, %ne3A_130 : i1
    %sub3A_132 = arith.constant 1 : i32
    %sub3A_133 = arith.subi %div3A_112, %sub3A_132 : i32
    %select_n3A_134 = arith.select %and3A_131, %sub3A_133, %div3A_112 : i32
    %and3A_135 = arith.constant 4095 : i32
    %and3A_136 = arith.andi %scan3A_27#2, %and3A_135 : i32
    %shift_right_arithmetic3A = arith.constant 12 : i32
    %shift_right_arithmetic3A_137 = arith.shrsi %scan3A_27#2, %shift_right_arithmetic3A : i32
    %jit3A_138 = arith.constant 8 : i32
    %eq3A_139 = arith.constant 0 : i32
    %eq3A_140 = arith.cmpi eq, %jit3A_138, %eq3A_139 : i32
    %jit3A_141 = arith.constant 1 : i32
    %select_n3A_142 = arith.select %eq3A_140, %jit3A_141, %jit3A_138 : i32
    %rem3A_143 = arith.remsi %scan3A_27#0, %select_n3A_142 : i32
    %ne3A_144 = arith.constant 0 : i32
    %ne3A_145 = arith.cmpi ne, %rem3A_143, %ne3A_144 : i32
    %lt3A_146 = arith.constant 0 : i32
    %lt3A_147 = arith.cmpi slt, %rem3A_143, %lt3A_146 : i32
    %lt3A_148 = arith.constant 0 : i32
    %lt3A_149 = arith.cmpi slt, %select_n3A_142, %lt3A_148 : i32
    %ne3A_150 = arith.xori %lt3A_147, %lt3A_149 : i1
    %and3A_151 = arith.andi %ne3A_150, %ne3A_145 : i1
    %add3A_152 = arith.addi %rem3A_143, %select_n3A_142 : i32
    %select_n3A_153 = arith.select %and3A_151, %add3A_152, %rem3A_143 : i32
    %sub3A_154 = arith.constant 8 : i32
    %sub3A_155 = arith.subi %sub3A_154, %select_n3A_153 : i32
    %jit3A_156 = arith.constant 8 : i32
    %eq3A_157 = arith.constant 0 : i32
    %eq3A_158 = arith.cmpi eq, %jit3A_156, %eq3A_157 : i32
    %jit3A_159 = arith.constant 1 : i32
    %select_n3A_160 = arith.select %eq3A_158, %jit3A_159, %jit3A_156 : i32
    %rem3A_161 = arith.remsi %sub3A_155, %select_n3A_160 : i32
    %ne3A_162 = arith.constant 0 : i32
    %ne3A_163 = arith.cmpi ne, %rem3A_161, %ne3A_162 : i32
    %lt3A_164 = arith.constant 0 : i32
    %lt3A_165 = arith.cmpi slt, %rem3A_161, %lt3A_164 : i32
    %lt3A_166 = arith.constant 0 : i32
    %lt3A_167 = arith.cmpi slt, %select_n3A_160, %lt3A_166 : i32
    %ne3A_168 = arith.xori %lt3A_165, %lt3A_167 : i1
    %and3A_169 = arith.andi %ne3A_168, %ne3A_163 : i1
    %add3A_170 = arith.addi %rem3A_161, %select_n3A_160 : i32
    %select_n3A_171 = arith.select %and3A_169, %add3A_170, %rem3A_161 : i32
    %broadcast_in_dim3A_172 = vector.broadcast %scan3A_27#0 : i32 to vector<16xi32>
    %add3A_173 = arith.addi %broadcast_in_dim3A_172, %iota3A : vector<16xi32>
    %lt3A_174 = vector.broadcast %select_n3A_171 : i32 to vector<16xi32>
    %lt3A_175 = arith.cmpi slt, %iota3A, %lt3A_174 : vector<16xi32>
    %jit3A_176 = arith.constant 8 : i32
    %div3A_177 = vector.broadcast %jit3A_176 : i32 to vector<16xi32>
    %div3A_178 = arith.divsi %add3A_173, %div3A_177 : vector<16xi32>
    %sign3A_179 = arith.constant 0 : i32
    %sign3A_180 = vector.broadcast %sign3A_179 : i32 to vector<16xi32>
    %sign3A_181 = arith.cmpi sgt, %add3A_173, %sign3A_180 : vector<16xi32>
    %sign3A_182 = arith.extui %sign3A_181 : vector<16xi1> to vector<16xi32>
    %sign3A_183 = arith.constant 0 : i32
    %sign3A_184 = vector.broadcast %sign3A_183 : i32 to vector<16xi32>
    %sign3A_185 = arith.cmpi slt, %add3A_173, %sign3A_184 : vector<16xi32>
    %sign3A_186 = arith.extui %sign3A_185 : vector<16xi1> to vector<16xi32>
    %sign3A_187 = arith.subi %sign3A_182, %sign3A_186 : vector<16xi32>
    %sign3A_188 = arith.constant 0 : i32
    %sign3A_189 = arith.cmpi sgt, %jit3A_176, %sign3A_188 : i32
    %sign3A_190 = arith.extui %sign3A_189 : i1 to i32
    %sign3A_191 = arith.constant 0 : i32
    %sign3A_192 = arith.cmpi slt, %jit3A_176, %sign3A_191 : i32
    %sign3A_193 = arith.extui %sign3A_192 : i1 to i32
    %sign3A_194 = arith.subi %sign3A_190, %sign3A_193 : i32
    %ne3A_195 = vector.broadcast %sign3A_194 : i32 to vector<16xi32>
    %ne3A_196 = arith.cmpi ne, %sign3A_187, %ne3A_195 : vector<16xi32>
    %rem3A_197 = vector.broadcast %jit3A_176 : i32 to vector<16xi32>
    %rem3A_198 = arith.remsi %add3A_173, %rem3A_197 : vector<16xi32>
    %ne3A_199 = arith.constant 0 : i32
    %ne3A_200 = vector.broadcast %ne3A_199 : i32 to vector<16xi32>
    %ne3A_201 = arith.cmpi ne, %rem3A_198, %ne3A_200 : vector<16xi32>
    %and3A_202 = arith.andi %ne3A_196, %ne3A_201 : vector<16xi1>
    %sub3A_203 = arith.constant 1 : i32
    %sub3A_204 = vector.broadcast %sub3A_203 : i32 to vector<16xi32>
    %sub3A_205 = arith.subi %div3A_178, %sub3A_204 : vector<16xi32>
    %select_n3A_206 = arith.select %and3A_202, %sub3A_205, %div3A_178 : vector<16xi1>, vector<16xi32>
    %jit3A_207 = arith.constant 8 : i32
    %eq3A_208 = arith.constant 0 : i32
    %eq3A_209 = arith.cmpi eq, %jit3A_207, %eq3A_208 : i32
    %jit3A_210 = arith.constant 1 : i32
    %select_n3A_211 = arith.select %eq3A_209, %jit3A_210, %jit3A_207 : i32
    %rem3A_212 = vector.broadcast %select_n3A_211 : i32 to vector<16xi32>
    %rem3A_213 = arith.remsi %add3A_173, %rem3A_212 : vector<16xi32>
    %ne3A_214 = arith.constant 0 : i32
    %ne3A_215 = vector.broadcast %ne3A_214 : i32 to vector<16xi32>
    %ne3A_216 = arith.cmpi ne, %rem3A_213, %ne3A_215 : vector<16xi32>
    %lt3A_217 = arith.constant 0 : i32
    %lt3A_218 = vector.broadcast %lt3A_217 : i32 to vector<16xi32>
    %lt3A_219 = arith.cmpi slt, %rem3A_213, %lt3A_218 : vector<16xi32>
    %lt3A_220 = arith.constant 0 : i32
    %lt3A_221 = arith.cmpi slt, %select_n3A_211, %lt3A_220 : i32
    %ne3A_222 = vector.broadcast %lt3A_221 : i1 to vector<16xi1>
    %ne3A_223 = vector.broadcast %ne3A_222 : vector<16xi1> to vector<16xi1>
    %ne3A_224 = arith.xori %lt3A_219, %ne3A_223 : vector<16xi1>
    %and3A_225 = arith.andi %ne3A_224, %ne3A_216 : vector<16xi1>
    %add3A_226 = vector.broadcast %select_n3A_211 : i32 to vector<16xi32>
    %add3A_227 = arith.addi %rem3A_213, %add3A_226 : vector<16xi32>
    %select_n3A_228 = arith.select %and3A_225, %add3A_227, %rem3A_213 : vector<16xi1>, vector<16xi32>
    %broadcast_in_dim3A_229 = vector.broadcast %and3A_136 : i32 to vector<16xi32>
    tpu.vector_store_idx %arg8[%select_n3A_206, %select_n3A_228], %broadcast_in_dim3A_229 masked %lt3A_175 : memref<66x8xi32, #tpu.memory_space<vmem>>[vector<16xi32>, vector<16xi32>], vector<16xi32>, vector<16xi1>
    %jit3A_230 = arith.constant 8 : i32
    %div3A_231 = vector.broadcast %jit3A_230 : i32 to vector<16xi32>
    %div3A_232 = arith.divsi %add3A_173, %div3A_231 : vector<16xi32>
    %sign3A_233 = arith.constant 0 : i32
    %sign3A_234 = vector.broadcast %sign3A_233 : i32 to vector<16xi32>
    %sign3A_235 = arith.cmpi sgt, %add3A_173, %sign3A_234 : vector<16xi32>
    %sign3A_236 = arith.extui %sign3A_235 : vector<16xi1> to vector<16xi32>
    %sign3A_237 = arith.constant 0 : i32
    %sign3A_238 = vector.broadcast %sign3A_237 : i32 to vector<16xi32>
    %sign3A_239 = arith.cmpi slt, %add3A_173, %sign3A_238 : vector<16xi32>
    %sign3A_240 = arith.extui %sign3A_239 : vector<16xi1> to vector<16xi32>
    %sign3A_241 = arith.subi %sign3A_236, %sign3A_240 : vector<16xi32>
    %sign3A_242 = arith.constant 0 : i32
    %sign3A_243 = arith.cmpi sgt, %jit3A_230, %sign3A_242 : i32
    %sign3A_244 = arith.extui %sign3A_243 : i1 to i32
    %sign3A_245 = arith.constant 0 : i32
    %sign3A_246 = arith.cmpi slt, %jit3A_230, %sign3A_245 : i32
    %sign3A_247 = arith.extui %sign3A_246 : i1 to i32
    %sign3A_248 = arith.subi %sign3A_244, %sign3A_247 : i32
    %ne3A_249 = vector.broadcast %sign3A_248 : i32 to vector<16xi32>
    %ne3A_250 = arith.cmpi ne, %sign3A_241, %ne3A_249 : vector<16xi32>
    %rem3A_251 = vector.broadcast %jit3A_230 : i32 to vector<16xi32>
    %rem3A_252 = arith.remsi %add3A_173, %rem3A_251 : vector<16xi32>
    %ne3A_253 = arith.constant 0 : i32
    %ne3A_254 = vector.broadcast %ne3A_253 : i32 to vector<16xi32>
    %ne3A_255 = arith.cmpi ne, %rem3A_252, %ne3A_254 : vector<16xi32>
    %and3A_256 = arith.andi %ne3A_250, %ne3A_255 : vector<16xi1>
    %sub3A_257 = arith.constant 1 : i32
    %sub3A_258 = vector.broadcast %sub3A_257 : i32 to vector<16xi32>
    %sub3A_259 = arith.subi %div3A_232, %sub3A_258 : vector<16xi32>
    %select_n3A_260 = arith.select %and3A_256, %sub3A_259, %div3A_232 : vector<16xi1>, vector<16xi32>
    %jit3A_261 = arith.constant 8 : i32
    %eq3A_262 = arith.constant 0 : i32
    %eq3A_263 = arith.cmpi eq, %jit3A_261, %eq3A_262 : i32
    %jit3A_264 = arith.constant 1 : i32
    %select_n3A_265 = arith.select %eq3A_263, %jit3A_264, %jit3A_261 : i32
    %rem3A_266 = vector.broadcast %select_n3A_265 : i32 to vector<16xi32>
    %rem3A_267 = arith.remsi %add3A_173, %rem3A_266 : vector<16xi32>
    %ne3A_268 = arith.constant 0 : i32
    %ne3A_269 = vector.broadcast %ne3A_268 : i32 to vector<16xi32>
    %ne3A_270 = arith.cmpi ne, %rem3A_267, %ne3A_269 : vector<16xi32>
    %lt3A_271 = arith.constant 0 : i32
    %lt3A_272 = vector.broadcast %lt3A_271 : i32 to vector<16xi32>
    %lt3A_273 = arith.cmpi slt, %rem3A_267, %lt3A_272 : vector<16xi32>
    %lt3A_274 = arith.constant 0 : i32
    %lt3A_275 = arith.cmpi slt, %select_n3A_265, %lt3A_274 : i32
    %ne3A_276 = vector.broadcast %lt3A_275 : i1 to vector<16xi1>
    %ne3A_277 = vector.broadcast %ne3A_276 : vector<16xi1> to vector<16xi1>
    %ne3A_278 = arith.xori %lt3A_273, %ne3A_277 : vector<16xi1>
    %and3A_279 = arith.andi %ne3A_278, %ne3A_270 : vector<16xi1>
    %add3A_280 = vector.broadcast %select_n3A_265 : i32 to vector<16xi32>
    %add3A_281 = arith.addi %rem3A_267, %add3A_280 : vector<16xi32>
    %select_n3A_282 = arith.select %and3A_279, %add3A_281, %rem3A_267 : vector<16xi1>, vector<16xi32>
    %broadcast_in_dim3A_283 = vector.broadcast %shift_right_arithmetic3A_137 : i32 to vector<16xi32>
    tpu.vector_store_idx %arg9[%select_n3A_260, %select_n3A_282], %broadcast_in_dim3A_283 masked %lt3A_175 : memref<66x8xi32, #tpu.memory_space<vmem>>[vector<16xi32>, vector<16xi32>], vector<16xi32>, vector<16xi1>
    %add3A_284 = arith.addi %scan3A_27#0, %select_n3A_171 : i32
    %jit3A_285 = arith.constant 8 : i32
    %div3A_286 = arith.divsi %add3A_284, %jit3A_285 : i32
    %sign3A_287 = arith.constant 0 : i32
    %sign3A_288 = arith.cmpi sgt, %add3A_284, %sign3A_287 : i32
    %sign3A_289 = arith.extui %sign3A_288 : i1 to i32
    %sign3A_290 = arith.constant 0 : i32
    %sign3A_291 = arith.cmpi slt, %add3A_284, %sign3A_290 : i32
    %sign3A_292 = arith.extui %sign3A_291 : i1 to i32
    %sign3A_293 = arith.subi %sign3A_289, %sign3A_292 : i32
    %sign3A_294 = arith.constant 0 : i32
    %sign3A_295 = arith.cmpi sgt, %jit3A_285, %sign3A_294 : i32
    %sign3A_296 = arith.extui %sign3A_295 : i1 to i32
    %sign3A_297 = arith.constant 0 : i32
    %sign3A_298 = arith.cmpi slt, %jit3A_285, %sign3A_297 : i32
    %sign3A_299 = arith.extui %sign3A_298 : i1 to i32
    %sign3A_300 = arith.subi %sign3A_296, %sign3A_299 : i32
    %ne3A_301 = arith.cmpi ne, %sign3A_293, %sign3A_300 : i32
    %rem3A_302 = arith.remsi %add3A_284, %jit3A_285 : i32
    %ne3A_303 = arith.constant 0 : i32
    %ne3A_304 = arith.cmpi ne, %rem3A_302, %ne3A_303 : i32
    %and3A_305 = arith.andi %ne3A_301, %ne3A_304 : i1
    %sub3A_306 = arith.constant 1 : i32
    %sub3A_307 = arith.subi %div3A_286, %sub3A_306 : i32
    %select_n3A_308 = arith.select %and3A_305, %sub3A_307, %div3A_286 : i32
    %add3A_309 = arith.addi %select_n3A_134, %select_n3A_308 : i32
    %add3A_310 = arith.constant 2 : i32
    %add3A_311 = arith.addi %add3A_309, %add3A_310 : i32
    %jit3A_312 = arith.constant 3 : i32
    %div3A_313 = arith.divsi %add3A_311, %jit3A_312 : i32
    %sign3A_314 = arith.constant 0 : i32
    %sign3A_315 = arith.cmpi sgt, %add3A_311, %sign3A_314 : i32
    %sign3A_316 = arith.extui %sign3A_315 : i1 to i32
    %sign3A_317 = arith.constant 0 : i32
    %sign3A_318 = arith.cmpi slt, %add3A_311, %sign3A_317 : i32
    %sign3A_319 = arith.extui %sign3A_318 : i1 to i32
    %sign3A_320 = arith.subi %sign3A_316, %sign3A_319 : i32
    %sign3A_321 = arith.constant 0 : i32
    %sign3A_322 = arith.cmpi sgt, %jit3A_312, %sign3A_321 : i32
    %sign3A_323 = arith.extui %sign3A_322 : i1 to i32
    %sign3A_324 = arith.constant 0 : i32
    %sign3A_325 = arith.cmpi slt, %jit3A_312, %sign3A_324 : i32
    %sign3A_326 = arith.extui %sign3A_325 : i1 to i32
    %sign3A_327 = arith.subi %sign3A_323, %sign3A_326 : i32
    %ne3A_328 = arith.cmpi ne, %sign3A_320, %sign3A_327 : i32
    %rem3A_329 = arith.remsi %add3A_311, %jit3A_312 : i32
    %ne3A_330 = arith.constant 0 : i32
    %ne3A_331 = arith.cmpi ne, %rem3A_329, %ne3A_330 : i32
    %and3A_332 = arith.andi %ne3A_328, %ne3A_331 : i1
    %sub3A_333 = arith.constant 1 : i32
    %sub3A_334 = arith.subi %div3A_313, %sub3A_333 : i32
    %select_n3A_335 = arith.select %and3A_332, %sub3A_334, %div3A_313 : i32
    %while3A = arith.constant 0 : i32
    %while3A_336 = arith.constant 0 : i32
    %while3A_337 = arith.subi %select_n3A_335, %while3A_336 : i32
    %while3A_338 = arith.addi %while3A_336, %while3A_337 : i32
    %while3A_339 = arith.constant 1 : i32
    %while3A_340 = arith.divsi %while3A_337, %while3A_339 : i32
    %while3A_341 = arith.muli %while3A_340, %while3A_339 : i32
    %while3A_342 = arith.addi %while3A_336, %while3A_341 : i32
    %while3A_343 = arith.constant 1 : i32
    scf.for %while3A_426 = %while3A_336 to %while3A_342 step %while3A_343  : i32 {
      %mul3A_427 = arith.constant 3 : i32
      %mul3A_428 = arith.muli %mul3A_427, %while3A_426 : i32
      %add3A_429 = arith.constant 0 : i32
      %add3A_430 = arith.addi %mul3A_428, %add3A_429 : i32
      %lt3A_431 = arith.cmpi slt, %add3A_430, %add3A_309 : i32
      %convert_element_type3A_432 = arith.extui %lt3A_431 : i1 to i32
      %cond3A_433 = arith.constant 0 : i32
      %cond3A_434 = arith.cmpi ne, %convert_element_type3A_432, %cond3A_433 : i32
      scf.if %cond3A_434 {
        %ge3A = arith.constant 3 : i32
        %ge3A_451 = arith.cmpi sge, %add3A_430, %ge3A : i32
        %convert_element_type3A_452 = arith.extui %ge3A_451 : i1 to i32
        %cond3A_453 = arith.constant 0 : i32
        %cond3A_454 = arith.cmpi ne, %convert_element_type3A_452, %cond3A_453 : i32
        scf.if %cond3A_454 {
          %dma_wait3A = arith.constant 0 : i32
          %dma_wait3A_468 = arith.constant 0 : i32
          %dma_wait3A_469 = tpu.memref_slice %arg10[%dma_wait3A, %dma_wait3A_468] : memref<66x8xi32, #tpu.memory_space<vmem>> -> memref<1x8xi32, #tpu.memory_space<vmem>>
          %dma_wait3A_470 = tpu.memref_squeeze %dma_wait3A_469 : memref<1x8xi32, #tpu.memory_space<vmem>> -> memref<8xi32, #tpu.memory_space<vmem>>
          %dma_wait3A_471 = arith.constant 0 : i32
          %dma_wait3A_472 = arith.constant 0 : i32
          %dma_wait3A_473 = tpu.memref_slice %arg5[%dma_wait3A_471, %dma_wait3A_472] : memref<16384x4096xf32, #tpu.memory_space<hbm>> -> memref<16384x4096xf32, #tpu.memory_space<hbm>>
          tpu.wait_indirect_dma semaphore(%arg17 : memref<!tpu.dma_semaphore, #tpu.memory_space<semaphore_mem>>) src(%arg11 : memref<8x4096xf32, #tpu.memory_space<vmem>>) dst(%dma_wait3A_473 : memref<16384x4096xf32, #tpu.memory_space<hbm>>)
        } else {
        }
        %lt3A_455 = arith.cmpi slt, %add3A_430, %select_n3A_134 : i32
        %convert_element_type3A_456 = arith.extui %lt3A_455 : i1 to i32
        %cond3A_457 = arith.constant 0 : i32
        %cond3A_458 = arith.cmpi ne, %convert_element_type3A_456, %cond3A_457 : i32
        scf.if %cond3A_458 {
          %dma_start3A = arith.constant 0 : i32
          %dma_start3A_468 = tpu.memref_slice %arg10[%add3A_430, %dma_start3A] : memref<66x8xi32, #tpu.memory_space<vmem>> -> memref<1x8xi32, #tpu.memory_space<vmem>>
          %dma_start3A_469 = tpu.memref_squeeze %dma_start3A_468 : memref<1x8xi32, #tpu.memory_space<vmem>> -> memref<8xi32, #tpu.memory_space<vmem>>
          %dma_start3A_470 = arith.constant 0 : i32
          %dma_start3A_471 = arith.constant 0 : i32
          %dma_start3A_472 = tpu.memref_slice %arg2[%dma_start3A_470, %dma_start3A_471] : memref<16384x4096xf32, #tpu.memory_space<hbm>> -> memref<16384x4096xf32, #tpu.memory_space<hbm>>
          tpu.enqueue_indirect_dma source(%dma_start3A_472 : memref<16384x4096xf32, #tpu.memory_space<hbm>>) target(%arg11 : memref<8x4096xf32, #tpu.memory_space<vmem>>) offsets(%dma_start3A_469 : memref<8xi32, #tpu.memory_space<vmem>>) semaphore(%arg14 : memref<!tpu.dma_semaphore, #tpu.memory_space<semaphore_mem>>)
        } else {
        }
        %ge3A_459 = arith.cmpi sge, %add3A_430, %select_n3A_134 : i32
        %convert_element_type3A_460 = arith.extui %ge3A_459 : i1 to i32
        %cond3A_461 = arith.constant 0 : i32
        %cond3A_462 = arith.cmpi ne, %convert_element_type3A_460, %cond3A_461 : i32
        scf.if %cond3A_462 {
          %sub3A_468 = arith.subi %add3A_430, %select_n3A_134 : i32
          %dma_start3A = arith.constant 0 : i32
          %dma_start3A_469 = tpu.memref_slice %arg8[%sub3A_468, %dma_start3A] : memref<66x8xi32, #tpu.memory_space<vmem>> -> memref<1x8xi32, #tpu.memory_space<vmem>>
          %dma_start3A_470 = tpu.memref_squeeze %dma_start3A_469 : memref<1x8xi32, #tpu.memory_space<vmem>> -> memref<8xi32, #tpu.memory_space<vmem>>
          %dma_start3A_471 = arith.constant 0 : i32
          %dma_start3A_472 = arith.constant 0 : i32
          %dma_start3A_473 = tpu.memref_slice %arg4[%dma_start3A_471, %dma_start3A_472] : memref<4096x4096xf32, #tpu.memory_space<hbm>> -> memref<4096x4096xf32, #tpu.memory_space<hbm>>
          tpu.enqueue_indirect_dma source(%dma_start3A_473 : memref<4096x4096xf32, #tpu.memory_space<hbm>>) target(%arg11 : memref<8x4096xf32, #tpu.memory_space<vmem>>) offsets(%dma_start3A_470 : memref<8xi32, #tpu.memory_space<vmem>>) semaphore(%arg14 : memref<!tpu.dma_semaphore, #tpu.memory_space<semaphore_mem>>)
        } else {
        }
        %ge3A_463 = arith.constant 1 : i32
        %ge3A_464 = arith.cmpi sge, %add3A_430, %ge3A_463 : i32
        %convert_element_type3A_465 = arith.extui %ge3A_464 : i1 to i32
        %cond3A_466 = arith.constant 0 : i32
        %cond3A_467 = arith.cmpi ne, %convert_element_type3A_465, %cond3A_466 : i32
        scf.if %cond3A_467 {
          %dma_wait3A = arith.constant 0 : i32
          %dma_wait3A_468 = arith.constant 0 : i32
          %dma_wait3A_469 = tpu.memref_slice %arg10[%dma_wait3A, %dma_wait3A_468] : memref<66x8xi32, #tpu.memory_space<vmem>> -> memref<1x8xi32, #tpu.memory_space<vmem>>
          %dma_wait3A_470 = tpu.memref_squeeze %dma_wait3A_469 : memref<1x8xi32, #tpu.memory_space<vmem>> -> memref<8xi32, #tpu.memory_space<vmem>>
          %dma_wait3A_471 = arith.constant 0 : i32
          %dma_wait3A_472 = arith.constant 0 : i32
          %dma_wait3A_473 = tpu.memref_slice %arg2[%dma_wait3A_471, %dma_wait3A_472] : memref<16384x4096xf32, #tpu.memory_space<hbm>> -> memref<16384x4096xf32, #tpu.memory_space<hbm>>
          tpu.wait_indirect_dma semaphore(%arg16 : memref<!tpu.dma_semaphore, #tpu.memory_space<semaphore_mem>>) src(%dma_wait3A_473 : memref<16384x4096xf32, #tpu.memory_space<hbm>>) dst(%arg13 : memref<8x4096xf32, #tpu.memory_space<vmem>>)
          %sub3A_474 = arith.constant 1 : i32
          %sub3A_475 = arith.subi %add3A_430, %sub3A_474 : i32
          %lt3A_476 = arith.cmpi slt, %sub3A_475, %select_n3A_134 : i32
          %convert_element_type3A_477 = arith.extui %lt3A_476 : i1 to i32
          %cond3A_478 = arith.constant 0 : i32
          %cond3A_479 = arith.cmpi ne, %convert_element_type3A_477, %cond3A_478 : i32
          scf.if %cond3A_479 {
            %dma_start3A = arith.constant 0 : i32
            %dma_start3A_484 = tpu.memref_slice %arg10[%sub3A_475, %dma_start3A] : memref<66x8xi32, #tpu.memory_space<vmem>> -> memref<1x8xi32, #tpu.memory_space<vmem>>
            %dma_start3A_485 = tpu.memref_squeeze %dma_start3A_484 : memref<1x8xi32, #tpu.memory_space<vmem>> -> memref<8xi32, #tpu.memory_space<vmem>>
            %dma_start3A_486 = arith.constant 0 : i32
            %dma_start3A_487 = arith.constant 0 : i32
            %dma_start3A_488 = tpu.memref_slice %arg5[%dma_start3A_486, %dma_start3A_487] : memref<16384x4096xf32, #tpu.memory_space<hbm>> -> memref<16384x4096xf32, #tpu.memory_space<hbm>>
            tpu.enqueue_indirect_dma source(%arg13 : memref<8x4096xf32, #tpu.memory_space<vmem>>) target(%dma_start3A_488 : memref<16384x4096xf32, #tpu.memory_space<hbm>>) offsets(%dma_start3A_485 : memref<8xi32, #tpu.memory_space<vmem>>) semaphore(%arg19 : memref<!tpu.dma_semaphore, #tpu.memory_space<semaphore_mem>>)
          } else {
          }
          %ge3A_480 = arith.cmpi sge, %sub3A_475, %select_n3A_134 : i32
          %convert_element_type3A_481 = arith.extui %ge3A_480 : i1 to i32
          %cond3A_482 = arith.constant 0 : i32
          %cond3A_483 = arith.cmpi ne, %convert_element_type3A_481, %cond3A_482 : i32
          scf.if %cond3A_483 {
            %sub3A_484 = arith.subi %sub3A_475, %select_n3A_134 : i32
            %dma_start3A = arith.constant 0 : i32
            %dma_start3A_485 = tpu.memref_slice %arg9[%sub3A_484, %dma_start3A] : memref<66x8xi32, #tpu.memory_space<vmem>> -> memref<1x8xi32, #tpu.memory_space<vmem>>
            %dma_start3A_486 = tpu.memref_squeeze %dma_start3A_485 : memref<1x8xi32, #tpu.memory_space<vmem>> -> memref<8xi32, #tpu.memory_space<vmem>>
            %dma_start3A_487 = arith.constant 0 : i32
            %dma_start3A_488 = arith.constant 0 : i32
            %dma_start3A_489 = tpu.memref_slice %arg5[%dma_start3A_487, %dma_start3A_488] : memref<16384x4096xf32, #tpu.memory_space<hbm>> -> memref<16384x4096xf32, #tpu.memory_space<hbm>>
            tpu.enqueue_indirect_dma source(%arg13 : memref<8x4096xf32, #tpu.memory_space<vmem>>) target(%dma_start3A_489 : memref<16384x4096xf32, #tpu.memory_space<hbm>>) offsets(%dma_start3A_486 : memref<8xi32, #tpu.memory_space<vmem>>) semaphore(%arg19 : memref<!tpu.dma_semaphore, #tpu.memory_space<semaphore_mem>>)
          } else {
          }
        } else {
        }
      } else {
      }
      %mul3A_435 = arith.constant 3 : i32
      %mul3A_436 = arith.muli %mul3A_435, %while3A_426 : i32
      %add3A_437 = arith.constant 1 : i32
      %add3A_438 = arith.addi %mul3A_436, %add3A_437 : i32
      %lt3A_439 = arith.cmpi slt, %add3A_438, %add3A_309 : i32
      %convert_element_type3A_440 = arith.extui %lt3A_439 : i1 to i32
      %cond3A_441 = arith.constant 0 : i32
      %cond3A_442 = arith.cmpi ne, %convert_element_type3A_440, %cond3A_441 : i32
      scf.if %cond3A_442 {
        %ge3A = arith.constant 3 : i32
        %ge3A_451 = arith.cmpi sge, %add3A_438, %ge3A : i32
        %convert_element_type3A_452 = arith.extui %ge3A_451 : i1 to i32
        %cond3A_453 = arith.constant 0 : i32
        %cond3A_454 = arith.cmpi ne, %convert_element_type3A_452, %cond3A_453 : i32
        scf.if %cond3A_454 {
          %dma_wait3A = arith.constant 0 : i32
          %dma_wait3A_468 = arith.constant 0 : i32
          %dma_wait3A_469 = tpu.memref_slice %arg10[%dma_wait3A, %dma_wait3A_468] : memref<66x8xi32, #tpu.memory_space<vmem>> -> memref<1x8xi32, #tpu.memory_space<vmem>>
          %dma_wait3A_470 = tpu.memref_squeeze %dma_wait3A_469 : memref<1x8xi32, #tpu.memory_space<vmem>> -> memref<8xi32, #tpu.memory_space<vmem>>
          %dma_wait3A_471 = arith.constant 0 : i32
          %dma_wait3A_472 = arith.constant 0 : i32
          %dma_wait3A_473 = tpu.memref_slice %arg5[%dma_wait3A_471, %dma_wait3A_472] : memref<16384x4096xf32, #tpu.memory_space<hbm>> -> memref<16384x4096xf32, #tpu.memory_space<hbm>>
          tpu.wait_indirect_dma semaphore(%arg18 : memref<!tpu.dma_semaphore, #tpu.memory_space<semaphore_mem>>) src(%arg12 : memref<8x4096xf32, #tpu.memory_space<vmem>>) dst(%dma_wait3A_473 : memref<16384x4096xf32, #tpu.memory_space<hbm>>)
        } else {
        }
        %lt3A_455 = arith.cmpi slt, %add3A_438, %select_n3A_134 : i32
        %convert_element_type3A_456 = arith.extui %lt3A_455 : i1 to i32
        %cond3A_457 = arith.constant 0 : i32
        %cond3A_458 = arith.cmpi ne, %convert_element_type3A_456, %cond3A_457 : i32
        scf.if %cond3A_458 {
          %dma_start3A = arith.constant 0 : i32
          %dma_start3A_468 = tpu.memref_slice %arg10[%add3A_438, %dma_start3A] : memref<66x8xi32, #tpu.memory_space<vmem>> -> memref<1x8xi32, #tpu.memory_space<vmem>>
          %dma_start3A_469 = tpu.memref_squeeze %dma_start3A_468 : memref<1x8xi32, #tpu.memory_space<vmem>> -> memref<8xi32, #tpu.memory_space<vmem>>
          %dma_start3A_470 = arith.constant 0 : i32
          %dma_start3A_471 = arith.constant 0 : i32
          %dma_start3A_472 = tpu.memref_slice %arg2[%dma_start3A_470, %dma_start3A_471] : memref<16384x4096xf32, #tpu.memory_space<hbm>> -> memref<16384x4096xf32, #tpu.memory_space<hbm>>
          tpu.enqueue_indirect_dma source(%dma_start3A_472 : memref<16384x4096xf32, #tpu.memory_space<hbm>>) target(%arg12 : memref<8x4096xf32, #tpu.memory_space<vmem>>) offsets(%dma_start3A_469 : memref<8xi32, #tpu.memory_space<vmem>>) semaphore(%arg15 : memref<!tpu.dma_semaphore, #tpu.memory_space<semaphore_mem>>)
        } else {
        }
        %ge3A_459 = arith.cmpi sge, %add3A_438, %select_n3A_134 : i32
        %convert_element_type3A_460 = arith.extui %ge3A_459 : i1 to i32
        %cond3A_461 = arith.constant 0 : i32
        %cond3A_462 = arith.cmpi ne, %convert_element_type3A_460, %cond3A_461 : i32
        scf.if %cond3A_462 {
          %sub3A_468 = arith.subi %add3A_438, %select_n3A_134 : i32
          %dma_start3A = arith.constant 0 : i32
          %dma_start3A_469 = tpu.memref_slice %arg8[%sub3A_468, %dma_start3A] : memref<66x8xi32, #tpu.memory_space<vmem>> -> memref<1x8xi32, #tpu.memory_space<vmem>>
          %dma_start3A_470 = tpu.memref_squeeze %dma_start3A_469 : memref<1x8xi32, #tpu.memory_space<vmem>> -> memref<8xi32, #tpu.memory_space<vmem>>
          %dma_start3A_471 = arith.constant 0 : i32
          %dma_start3A_472 = arith.constant 0 : i32
          %dma_start3A_473 = tpu.memref_slice %arg4[%dma_start3A_471, %dma_start3A_472] : memref<4096x4096xf32, #tpu.memory_space<hbm>> -> memref<4096x4096xf32, #tpu.memory_space<hbm>>
          tpu.enqueue_indirect_dma source(%dma_start3A_473 : memref<4096x4096xf32, #tpu.memory_space<hbm>>) target(%arg12 : memref<8x4096xf32, #tpu.memory_space<vmem>>) offsets(%dma_start3A_470 : memref<8xi32, #tpu.memory_space<vmem>>) semaphore(%arg15 : memref<!tpu.dma_semaphore, #tpu.memory_space<semaphore_mem>>)
        } else {
        }
        %ge3A_463 = arith.constant 1 : i32
        %ge3A_464 = arith.cmpi sge, %add3A_438, %ge3A_463 : i32
        %convert_element_type3A_465 = arith.extui %ge3A_464 : i1 to i32
        %cond3A_466 = arith.constant 0 : i32
        %cond3A_467 = arith.cmpi ne, %convert_element_type3A_465, %cond3A_466 : i32
        scf.if %cond3A_467 {
          %dma_wait3A = arith.constant 0 : i32
          %dma_wait3A_468 = arith.constant 0 : i32
          %dma_wait3A_469 = tpu.memref_slice %arg10[%dma_wait3A, %dma_wait3A_468] : memref<66x8xi32, #tpu.memory_space<vmem>> -> memref<1x8xi32, #tpu.memory_space<vmem>>
          %dma_wait3A_470 = tpu.memref_squeeze %dma_wait3A_469 : memref<1x8xi32, #tpu.memory_space<vmem>> -> memref<8xi32, #tpu.memory_space<vmem>>
          %dma_wait3A_471 = arith.constant 0 : i32
          %dma_wait3A_472 = arith.constant 0 : i32
          %dma_wait3A_473 = tpu.memref_slice %arg2[%dma_wait3A_471, %dma_wait3A_472] : memref<16384x4096xf32, #tpu.memory_space<hbm>> -> memref<16384x4096xf32, #tpu.memory_space<hbm>>
          tpu.wait_indirect_dma semaphore(%arg14 : memref<!tpu.dma_semaphore, #tpu.memory_space<semaphore_mem>>) src(%dma_wait3A_473 : memref<16384x4096xf32, #tpu.memory_space<hbm>>) dst(%arg11 : memref<8x4096xf32, #tpu.memory_space<vmem>>)
          %sub3A_474 = arith.constant 1 : i32
          %sub3A_475 = arith.subi %add3A_438, %sub3A_474 : i32
          %lt3A_476 = arith.cmpi slt, %sub3A_475, %select_n3A_134 : i32
          %convert_element_type3A_477 = arith.extui %lt3A_476 : i1 to i32
          %cond3A_478 = arith.constant 0 : i32
          %cond3A_479 = arith.cmpi ne, %convert_element_type3A_477, %cond3A_478 : i32
          scf.if %cond3A_479 {
            %dma_start3A = arith.constant 0 : i32
            %dma_start3A_484 = tpu.memref_slice %arg10[%sub3A_475, %dma_start3A] : memref<66x8xi32, #tpu.memory_space<vmem>> -> memref<1x8xi32, #tpu.memory_space<vmem>>
            %dma_start3A_485 = tpu.memref_squeeze %dma_start3A_484 : memref<1x8xi32, #tpu.memory_space<vmem>> -> memref<8xi32, #tpu.memory_space<vmem>>
            %dma_start3A_486 = arith.constant 0 : i32
            %dma_start3A_487 = arith.constant 0 : i32
            %dma_start3A_488 = tpu.memref_slice %arg5[%dma_start3A_486, %dma_start3A_487] : memref<16384x4096xf32, #tpu.memory_space<hbm>> -> memref<16384x4096xf32, #tpu.memory_space<hbm>>
            tpu.enqueue_indirect_dma source(%arg11 : memref<8x4096xf32, #tpu.memory_space<vmem>>) target(%dma_start3A_488 : memref<16384x4096xf32, #tpu.memory_space<hbm>>) offsets(%dma_start3A_485 : memref<8xi32, #tpu.memory_space<vmem>>) semaphore(%arg17 : memref<!tpu.dma_semaphore, #tpu.memory_space<semaphore_mem>>)
          } else {
          }
          %ge3A_480 = arith.cmpi sge, %sub3A_475, %select_n3A_134 : i32
          %convert_element_type3A_481 = arith.extui %ge3A_480 : i1 to i32
          %cond3A_482 = arith.constant 0 : i32
          %cond3A_483 = arith.cmpi ne, %convert_element_type3A_481, %cond3A_482 : i32
          scf.if %cond3A_483 {
            %sub3A_484 = arith.subi %sub3A_475, %select_n3A_134 : i32
            %dma_start3A = arith.constant 0 : i32
            %dma_start3A_485 = tpu.memref_slice %arg9[%sub3A_484, %dma_start3A] : memref<66x8xi32, #tpu.memory_space<vmem>> -> memref<1x8xi32, #tpu.memory_space<vmem>>
            %dma_start3A_486 = tpu.memref_squeeze %dma_start3A_485 : memref<1x8xi32, #tpu.memory_space<vmem>> -> memref<8xi32, #tpu.memory_space<vmem>>
            %dma_start3A_487 = arith.constant 0 : i32
            %dma_start3A_488 = arith.constant 0 : i32
            %dma_start3A_489 = tpu.memref_slice %arg5[%dma_start3A_487, %dma_start3A_488] : memref<16384x4096xf32, #tpu.memory_space<hbm>> -> memref<16384x4096xf32, #tpu.memory_space<hbm>>
            tpu.enqueue_indirect_dma source(%arg11 : memref<8x4096xf32, #tpu.memory_space<vmem>>) target(%dma_start3A_489 : memref<16384x4096xf32, #tpu.memory_space<hbm>>) offsets(%dma_start3A_486 : memref<8xi32, #tpu.memory_space<vmem>>) semaphore(%arg17 : memref<!tpu.dma_semaphore, #tpu.memory_space<semaphore_mem>>)
          } else {
          }
        } else {
        }
      } else {
      }
      %mul3A_443 = arith.constant 3 : i32
      %mul3A_444 = arith.muli %mul3A_443, %while3A_426 : i32
      %add3A_445 = arith.constant 2 : i32
      %add3A_446 = arith.addi %mul3A_444, %add3A_445 : i32
      %lt3A_447 = arith.cmpi slt, %add3A_446, %add3A_309 : i32
      %convert_element_type3A_448 = arith.extui %lt3A_447 : i1 to i32
      %cond3A_449 = arith.constant 0 : i32
      %cond3A_450 = arith.cmpi ne, %convert_element_type3A_448, %cond3A_449 : i32
      scf.if %cond3A_450 {
        %ge3A = arith.constant 3 : i32
        %ge3A_451 = arith.cmpi sge, %add3A_446, %ge3A : i32
        %convert_element_type3A_452 = arith.extui %ge3A_451 : i1 to i32
        %cond3A_453 = arith.constant 0 : i32
        %cond3A_454 = arith.cmpi ne, %convert_element_type3A_452, %cond3A_453 : i32
        scf.if %cond3A_454 {
          %dma_wait3A = arith.constant 0 : i32
          %dma_wait3A_468 = arith.constant 0 : i32
          %dma_wait3A_469 = tpu.memref_slice %arg10[%dma_wait3A, %dma_wait3A_468] : memref<66x8xi32, #tpu.memory_space<vmem>> -> memref<1x8xi32, #tpu.memory_space<vmem>>
          %dma_wait3A_470 = tpu.memref_squeeze %dma_wait3A_469 : memref<1x8xi32, #tpu.memory_space<vmem>> -> memref<8xi32, #tpu.memory_space<vmem>>
          %dma_wait3A_471 = arith.constant 0 : i32
          %dma_wait3A_472 = arith.constant 0 : i32
          %dma_wait3A_473 = tpu.memref_slice %arg5[%dma_wait3A_471, %dma_wait3A_472] : memref<16384x4096xf32, #tpu.memory_space<hbm>> -> memref<16384x4096xf32, #tpu.memory_space<hbm>>
          tpu.wait_indirect_dma semaphore(%arg19 : memref<!tpu.dma_semaphore, #tpu.memory_space<semaphore_mem>>) src(%arg13 : memref<8x4096xf32, #tpu.memory_space<vmem>>) dst(%dma_wait3A_473 : memref<16384x4096xf32, #tpu.memory_space<hbm>>)
        } else {
        }
        %lt3A_455 = arith.cmpi slt, %add3A_446, %select_n3A_134 : i32
        %convert_element_type3A_456 = arith.extui %lt3A_455 : i1 to i32
        %cond3A_457 = arith.constant 0 : i32
        %cond3A_458 = arith.cmpi ne, %convert_element_type3A_456, %cond3A_457 : i32
        scf.if %cond3A_458 {
          %dma_start3A = arith.constant 0 : i32
          %dma_start3A_468 = tpu.memref_slice %arg10[%add3A_446, %dma_start3A] : memref<66x8xi32, #tpu.memory_space<vmem>> -> memref<1x8xi32, #tpu.memory_space<vmem>>
          %dma_start3A_469 = tpu.memref_squeeze %dma_start3A_468 : memref<1x8xi32, #tpu.memory_space<vmem>> -> memref<8xi32, #tpu.memory_space<vmem>>
          %dma_start3A_470 = arith.constant 0 : i32
          %dma_start3A_471 = arith.constant 0 : i32
          %dma_start3A_472 = tpu.memref_slice %arg2[%dma_start3A_470, %dma_start3A_471] : memref<16384x4096xf32, #tpu.memory_space<hbm>> -> memref<16384x4096xf32, #tpu.memory_space<hbm>>
          tpu.enqueue_indirect_dma source(%dma_start3A_472 : memref<16384x4096xf32, #tpu.memory_space<hbm>>) target(%arg13 : memref<8x4096xf32, #tpu.memory_space<vmem>>) offsets(%dma_start3A_469 : memref<8xi32, #tpu.memory_space<vmem>>) semaphore(%arg16 : memref<!tpu.dma_semaphore, #tpu.memory_space<semaphore_mem>>)
        } else {
        }
        %ge3A_459 = arith.cmpi sge, %add3A_446, %select_n3A_134 : i32
        %convert_element_type3A_460 = arith.extui %ge3A_459 : i1 to i32
        %cond3A_461 = arith.constant 0 : i32
        %cond3A_462 = arith.cmpi ne, %convert_element_type3A_460, %cond3A_461 : i32
        scf.if %cond3A_462 {
          %sub3A_468 = arith.subi %add3A_446, %select_n3A_134 : i32
          %dma_start3A = arith.constant 0 : i32
          %dma_start3A_469 = tpu.memref_slice %arg8[%sub3A_468, %dma_start3A] : memref<66x8xi32, #tpu.memory_space<vmem>> -> memref<1x8xi32, #tpu.memory_space<vmem>>
          %dma_start3A_470 = tpu.memref_squeeze %dma_start3A_469 : memref<1x8xi32, #tpu.memory_space<vmem>> -> memref<8xi32, #tpu.memory_space<vmem>>
          %dma_start3A_471 = arith.constant 0 : i32
          %dma_start3A_472 = arith.constant 0 : i32
          %dma_start3A_473 = tpu.memref_slice %arg4[%dma_start3A_471, %dma_start3A_472] : memref<4096x4096xf32, #tpu.memory_space<hbm>> -> memref<4096x4096xf32, #tpu.memory_space<hbm>>
          tpu.enqueue_indirect_dma source(%dma_start3A_473 : memref<4096x4096xf32, #tpu.memory_space<hbm>>) target(%arg13 : memref<8x4096xf32, #tpu.memory_space<vmem>>) offsets(%dma_start3A_470 : memref<8xi32, #tpu.memory_space<vmem>>) semaphore(%arg16 : memref<!tpu.dma_semaphore, #tpu.memory_space<semaphore_mem>>)
        } else {
        }
        %ge3A_463 = arith.constant 1 : i32
        %ge3A_464 = arith.cmpi sge, %add3A_446, %ge3A_463 : i32
        %convert_element_type3A_465 = arith.extui %ge3A_464 : i1 to i32
        %cond3A_466 = arith.constant 0 : i32
        %cond3A_467 = arith.cmpi ne, %convert_element_type3A_465, %cond3A_466 : i32
        scf.if %cond3A_467 {
          %dma_wait3A = arith.constant 0 : i32
          %dma_wait3A_468 = arith.constant 0 : i32
          %dma_wait3A_469 = tpu.memref_slice %arg10[%dma_wait3A, %dma_wait3A_468] : memref<66x8xi32, #tpu.memory_space<vmem>> -> memref<1x8xi32, #tpu.memory_space<vmem>>
          %dma_wait3A_470 = tpu.memref_squeeze %dma_wait3A_469 : memref<1x8xi32, #tpu.memory_space<vmem>> -> memref<8xi32, #tpu.memory_space<vmem>>
          %dma_wait3A_471 = arith.constant 0 : i32
          %dma_wait3A_472 = arith.constant 0 : i32
          %dma_wait3A_473 = tpu.memref_slice %arg2[%dma_wait3A_471, %dma_wait3A_472] : memref<16384x4096xf32, #tpu.memory_space<hbm>> -> memref<16384x4096xf32, #tpu.memory_space<hbm>>
          tpu.wait_indirect_dma semaphore(%arg15 : memref<!tpu.dma_semaphore, #tpu.memory_space<semaphore_mem>>) src(%dma_wait3A_473 : memref<16384x4096xf32, #tpu.memory_space<hbm>>) dst(%arg12 : memref<8x4096xf32, #tpu.memory_space<vmem>>)
          %sub3A_474 = arith.constant 1 : i32
          %sub3A_475 = arith.subi %add3A_446, %sub3A_474 : i32
          %lt3A_476 = arith.cmpi slt, %sub3A_475, %select_n3A_134 : i32
          %convert_element_type3A_477 = arith.extui %lt3A_476 : i1 to i32
          %cond3A_478 = arith.constant 0 : i32
          %cond3A_479 = arith.cmpi ne, %convert_element_type3A_477, %cond3A_478 : i32
          scf.if %cond3A_479 {
            %dma_start3A = arith.constant 0 : i32
            %dma_start3A_484 = tpu.memref_slice %arg10[%sub3A_475, %dma_start3A] : memref<66x8xi32, #tpu.memory_space<vmem>> -> memref<1x8xi32, #tpu.memory_space<vmem>>
            %dma_start3A_485 = tpu.memref_squeeze %dma_start3A_484 : memref<1x8xi32, #tpu.memory_space<vmem>> -> memref<8xi32, #tpu.memory_space<vmem>>
            %dma_start3A_486 = arith.constant 0 : i32
            %dma_start3A_487 = arith.constant 0 : i32
            %dma_start3A_488 = tpu.memref_slice %arg5[%dma_start3A_486, %dma_start3A_487] : memref<16384x4096xf32, #tpu.memory_space<hbm>> -> memref<16384x4096xf32, #tpu.memory_space<hbm>>
            tpu.enqueue_indirect_dma source(%arg12 : memref<8x4096xf32, #tpu.memory_space<vmem>>) target(%dma_start3A_488 : memref<16384x4096xf32, #tpu.memory_space<hbm>>) offsets(%dma_start3A_485 : memref<8xi32, #tpu.memory_space<vmem>>) semaphore(%arg18 : memref<!tpu.dma_semaphore, #tpu.memory_space<semaphore_mem>>)
          } else {
          }
          %ge3A_480 = arith.cmpi sge, %sub3A_475, %select_n3A_134 : i32
          %convert_element_type3A_481 = arith.extui %ge3A_480 : i1 to i32
          %cond3A_482 = arith.constant 0 : i32
          %cond3A_483 = arith.cmpi ne, %convert_element_type3A_481, %cond3A_482 : i32
          scf.if %cond3A_483 {
            %sub3A_484 = arith.subi %sub3A_475, %select_n3A_134 : i32
            %dma_start3A = arith.constant 0 : i32
            %dma_start3A_485 = tpu.memref_slice %arg9[%sub3A_484, %dma_start3A] : memref<66x8xi32, #tpu.memory_space<vmem>> -> memref<1x8xi32, #tpu.memory_space<vmem>>
            %dma_start3A_486 = tpu.memref_squeeze %dma_start3A_485 : memref<1x8xi32, #tpu.memory_space<vmem>> -> memref<8xi32, #tpu.memory_space<vmem>>
            %dma_start3A_487 = arith.constant 0 : i32
            %dma_start3A_488 = arith.constant 0 : i32
            %dma_start3A_489 = tpu.memref_slice %arg5[%dma_start3A_487, %dma_start3A_488] : memref<16384x4096xf32, #tpu.memory_space<hbm>> -> memref<16384x4096xf32, #tpu.memory_space<hbm>>
            tpu.enqueue_indirect_dma source(%arg12 : memref<8x4096xf32, #tpu.memory_space<vmem>>) target(%dma_start3A_489 : memref<16384x4096xf32, #tpu.memory_space<hbm>>) offsets(%dma_start3A_486 : memref<8xi32, #tpu.memory_space<vmem>>) semaphore(%arg18 : memref<!tpu.dma_semaphore, #tpu.memory_space<semaphore_mem>>)
          } else {
          }
        } else {
        }
      } else {
      }
    }
    %while3A_344 = arith.constant 1 : i32
    scf.for %while3A_426 = %while3A_342 to %while3A_338 step %while3A_344  : i32 {
      %mul3A_427 = arith.constant 3 : i32
      %mul3A_428 = arith.muli %mul3A_427, %while3A_426 : i32
      %add3A_429 = arith.constant 0 : i32
      %add3A_430 = arith.addi %mul3A_428, %add3A_429 : i32
      %lt3A_431 = arith.cmpi slt, %add3A_430, %add3A_309 : i32
      %convert_element_type3A_432 = arith.extui %lt3A_431 : i1 to i32
      %cond3A_433 = arith.constant 0 : i32
      %cond3A_434 = arith.cmpi ne, %convert_element_type3A_432, %cond3A_433 : i32
      scf.if %cond3A_434 {
        %ge3A = arith.constant 3 : i32
        %ge3A_451 = arith.cmpi sge, %add3A_430, %ge3A : i32
        %convert_element_type3A_452 = arith.extui %ge3A_451 : i1 to i32
        %cond3A_453 = arith.constant 0 : i32
        %cond3A_454 = arith.cmpi ne, %convert_element_type3A_452, %cond3A_453 : i32
        scf.if %cond3A_454 {
          %dma_wait3A = arith.constant 0 : i32
          %dma_wait3A_468 = arith.constant 0 : i32
          %dma_wait3A_469 = tpu.memref_slice %arg10[%dma_wait3A, %dma_wait3A_468] : memref<66x8xi32, #tpu.memory_space<vmem>> -> memref<1x8xi32, #tpu.memory_space<vmem>>
          %dma_wait3A_470 = tpu.memref_squeeze %dma_wait3A_469 : memref<1x8xi32, #tpu.memory_space<vmem>> -> memref<8xi32, #tpu.memory_space<vmem>>
          %dma_wait3A_471 = arith.constant 0 : i32
          %dma_wait3A_472 = arith.constant 0 : i32
          %dma_wait3A_473 = tpu.memref_slice %arg5[%dma_wait3A_471, %dma_wait3A_472] : memref<16384x4096xf32, #tpu.memory_space<hbm>> -> memref<16384x4096xf32, #tpu.memory_space<hbm>>
          tpu.wait_indirect_dma semaphore(%arg17 : memref<!tpu.dma_semaphore, #tpu.memory_space<semaphore_mem>>) src(%arg11 : memref<8x4096xf32, #tpu.memory_space<vmem>>) dst(%dma_wait3A_473 : memref<16384x4096xf32, #tpu.memory_space<hbm>>)
        } else {
        }
        %lt3A_455 = arith.cmpi slt, %add3A_430, %select_n3A_134 : i32
        %convert_element_type3A_456 = arith.extui %lt3A_455 : i1 to i32
        %cond3A_457 = arith.constant 0 : i32
        %cond3A_458 = arith.cmpi ne, %convert_element_type3A_456, %cond3A_457 : i32
        scf.if %cond3A_458 {
          %dma_start3A = arith.constant 0 : i32
          %dma_start3A_468 = tpu.memref_slice %arg10[%add3A_430, %dma_start3A] : memref<66x8xi32, #tpu.memory_space<vmem>> -> memref<1x8xi32, #tpu.memory_space<vmem>>
          %dma_start3A_469 = tpu.memref_squeeze %dma_start3A_468 : memref<1x8xi32, #tpu.memory_space<vmem>> -> memref<8xi32, #tpu.memory_space<vmem>>
          %dma_start3A_470 = arith.constant 0 : i32
          %dma_start3A_471 = arith.constant 0 : i32
          %dma_start3A_472 = tpu.memref_slice %arg2[%dma_start3A_470, %dma_start3A_471] : memref<16384x4096xf32, #tpu.memory_space<hbm>> -> memref<16384x4096xf32, #tpu.memory_space<hbm>>
          tpu.enqueue_indirect_dma source(%dma_start3A_472 : memref<16384x4096xf32, #tpu.memory_space<hbm>>) target(%arg11 : memref<8x4096xf32, #tpu.memory_space<vmem>>) offsets(%dma_start3A_469 : memref<8xi32, #tpu.memory_space<vmem>>) semaphore(%arg14 : memref<!tpu.dma_semaphore, #tpu.memory_space<semaphore_mem>>)
        } else {
        }
        %ge3A_459 = arith.cmpi sge, %add3A_430, %select_n3A_134 : i32
        %convert_element_type3A_460 = arith.extui %ge3A_459 : i1 to i32
        %cond3A_461 = arith.constant 0 : i32
        %cond3A_462 = arith.cmpi ne, %convert_element_type3A_460, %cond3A_461 : i32
        scf.if %cond3A_462 {
          %sub3A_468 = arith.subi %add3A_430, %select_n3A_134 : i32
          %dma_start3A = arith.constant 0 : i32
          %dma_start3A_469 = tpu.memref_slice %arg8[%sub3A_468, %dma_start3A] : memref<66x8xi32, #tpu.memory_space<vmem>> -> memref<1x8xi32, #tpu.memory_space<vmem>>
          %dma_start3A_470 = tpu.memref_squeeze %dma_start3A_469 : memref<1x8xi32, #tpu.memory_space<vmem>> -> memref<8xi32, #tpu.memory_space<vmem>>
          %dma_start3A_471 = arith.constant 0 : i32
          %dma_start3A_472 = arith.constant 0 : i32
          %dma_start3A_473 = tpu.memref_slice %arg4[%dma_start3A_471, %dma_start3A_472] : memref<4096x4096xf32, #tpu.memory_space<hbm>> -> memref<4096x4096xf32, #tpu.memory_space<hbm>>
          tpu.enqueue_indirect_dma source(%dma_start3A_473 : memref<4096x4096xf32, #tpu.memory_space<hbm>>) target(%arg11 : memref<8x4096xf32, #tpu.memory_space<vmem>>) offsets(%dma_start3A_470 : memref<8xi32, #tpu.memory_space<vmem>>) semaphore(%arg14 : memref<!tpu.dma_semaphore, #tpu.memory_space<semaphore_mem>>)
        } else {
        }
        %ge3A_463 = arith.constant 1 : i32
        %ge3A_464 = arith.cmpi sge, %add3A_430, %ge3A_463 : i32
        %convert_element_type3A_465 = arith.extui %ge3A_464 : i1 to i32
        %cond3A_466 = arith.constant 0 : i32
        %cond3A_467 = arith.cmpi ne, %convert_element_type3A_465, %cond3A_466 : i32
        scf.if %cond3A_467 {
          %dma_wait3A = arith.constant 0 : i32
          %dma_wait3A_468 = arith.constant 0 : i32
          %dma_wait3A_469 = tpu.memref_slice %arg10[%dma_wait3A, %dma_wait3A_468] : memref<66x8xi32, #tpu.memory_space<vmem>> -> memref<1x8xi32, #tpu.memory_space<vmem>>
          %dma_wait3A_470 = tpu.memref_squeeze %dma_wait3A_469 : memref<1x8xi32, #tpu.memory_space<vmem>> -> memref<8xi32, #tpu.memory_space<vmem>>
          %dma_wait3A_471 = arith.constant 0 : i32
          %dma_wait3A_472 = arith.constant 0 : i32
          %dma_wait3A_473 = tpu.memref_slice %arg2[%dma_wait3A_471, %dma_wait3A_472] : memref<16384x4096xf32, #tpu.memory_space<hbm>> -> memref<16384x4096xf32, #tpu.memory_space<hbm>>
          tpu.wait_indirect_dma semaphore(%arg16 : memref<!tpu.dma_semaphore, #tpu.memory_space<semaphore_mem>>) src(%dma_wait3A_473 : memref<16384x4096xf32, #tpu.memory_space<hbm>>) dst(%arg13 : memref<8x4096xf32, #tpu.memory_space<vmem>>)
          %sub3A_474 = arith.constant 1 : i32
          %sub3A_475 = arith.subi %add3A_430, %sub3A_474 : i32
          %lt3A_476 = arith.cmpi slt, %sub3A_475, %select_n3A_134 : i32
          %convert_element_type3A_477 = arith.extui %lt3A_476 : i1 to i32
          %cond3A_478 = arith.constant 0 : i32
          %cond3A_479 = arith.cmpi ne, %convert_element_type3A_477, %cond3A_478 : i32
          scf.if %cond3A_479 {
            %dma_start3A = arith.constant 0 : i32
            %dma_start3A_484 = tpu.memref_slice %arg10[%sub3A_475, %dma_start3A] : memref<66x8xi32, #tpu.memory_space<vmem>> -> memref<1x8xi32, #tpu.memory_space<vmem>>
            %dma_start3A_485 = tpu.memref_squeeze %dma_start3A_484 : memref<1x8xi32, #tpu.memory_space<vmem>> -> memref<8xi32, #tpu.memory_space<vmem>>
            %dma_start3A_486 = arith.constant 0 : i32
            %dma_start3A_487 = arith.constant 0 : i32
            %dma_start3A_488 = tpu.memref_slice %arg5[%dma_start3A_486, %dma_start3A_487] : memref<16384x4096xf32, #tpu.memory_space<hbm>> -> memref<16384x4096xf32, #tpu.memory_space<hbm>>
            tpu.enqueue_indirect_dma source(%arg13 : memref<8x4096xf32, #tpu.memory_space<vmem>>) target(%dma_start3A_488 : memref<16384x4096xf32, #tpu.memory_space<hbm>>) offsets(%dma_start3A_485 : memref<8xi32, #tpu.memory_space<vmem>>) semaphore(%arg19 : memref<!tpu.dma_semaphore, #tpu.memory_space<semaphore_mem>>)
          } else {
          }
          %ge3A_480 = arith.cmpi sge, %sub3A_475, %select_n3A_134 : i32
          %convert_element_type3A_481 = arith.extui %ge3A_480 : i1 to i32
          %cond3A_482 = arith.constant 0 : i32
          %cond3A_483 = arith.cmpi ne, %convert_element_type3A_481, %cond3A_482 : i32
          scf.if %cond3A_483 {
            %sub3A_484 = arith.subi %sub3A_475, %select_n3A_134 : i32
            %dma_start3A = arith.constant 0 : i32
            %dma_start3A_485 = tpu.memref_slice %arg9[%sub3A_484, %dma_start3A] : memref<66x8xi32, #tpu.memory_space<vmem>> -> memref<1x8xi32, #tpu.memory_space<vmem>>
            %dma_start3A_486 = tpu.memref_squeeze %dma_start3A_485 : memref<1x8xi32, #tpu.memory_space<vmem>> -> memref<8xi32, #tpu.memory_space<vmem>>
            %dma_start3A_487 = arith.constant 0 : i32
            %dma_start3A_488 = arith.constant 0 : i32
            %dma_start3A_489 = tpu.memref_slice %arg5[%dma_start3A_487, %dma_start3A_488] : memref<16384x4096xf32, #tpu.memory_space<hbm>> -> memref<16384x4096xf32, #tpu.memory_space<hbm>>
            tpu.enqueue_indirect_dma source(%arg13 : memref<8x4096xf32, #tpu.memory_space<vmem>>) target(%dma_start3A_489 : memref<16384x4096xf32, #tpu.memory_space<hbm>>) offsets(%dma_start3A_486 : memref<8xi32, #tpu.memory_space<vmem>>) semaphore(%arg19 : memref<!tpu.dma_semaphore, #tpu.memory_space<semaphore_mem>>)
          } else {
          }
        } else {
        }
      } else {
      }
      %mul3A_435 = arith.constant 3 : i32
      %mul3A_436 = arith.muli %mul3A_435, %while3A_426 : i32
      %add3A_437 = arith.constant 1 : i32
      %add3A_438 = arith.addi %mul3A_436, %add3A_437 : i32
      %lt3A_439 = arith.cmpi slt, %add3A_438, %add3A_309 : i32
      %convert_element_type3A_440 = arith.extui %lt3A_439 : i1 to i32
      %cond3A_441 = arith.constant 0 : i32
      %cond3A_442 = arith.cmpi ne, %convert_element_type3A_440, %cond3A_441 : i32
      scf.if %cond3A_442 {
        %ge3A = arith.constant 3 : i32
        %ge3A_451 = arith.cmpi sge, %add3A_438, %ge3A : i32
        %convert_element_type3A_452 = arith.extui %ge3A_451 : i1 to i32
        %cond3A_453 = arith.constant 0 : i32
        %cond3A_454 = arith.cmpi ne, %convert_element_type3A_452, %cond3A_453 : i32
        scf.if %cond3A_454 {
          %dma_wait3A = arith.constant 0 : i32
          %dma_wait3A_468 = arith.constant 0 : i32
          %dma_wait3A_469 = tpu.memref_slice %arg10[%dma_wait3A, %dma_wait3A_468] : memref<66x8xi32, #tpu.memory_space<vmem>> -> memref<1x8xi32, #tpu.memory_space<vmem>>
          %dma_wait3A_470 = tpu.memref_squeeze %dma_wait3A_469 : memref<1x8xi32, #tpu.memory_space<vmem>> -> memref<8xi32, #tpu.memory_space<vmem>>
          %dma_wait3A_471 = arith.constant 0 : i32
          %dma_wait3A_472 = arith.constant 0 : i32
          %dma_wait3A_473 = tpu.memref_slice %arg5[%dma_wait3A_471, %dma_wait3A_472] : memref<16384x4096xf32, #tpu.memory_space<hbm>> -> memref<16384x4096xf32, #tpu.memory_space<hbm>>
          tpu.wait_indirect_dma semaphore(%arg18 : memref<!tpu.dma_semaphore, #tpu.memory_space<semaphore_mem>>) src(%arg12 : memref<8x4096xf32, #tpu.memory_space<vmem>>) dst(%dma_wait3A_473 : memref<16384x4096xf32, #tpu.memory_space<hbm>>)
        } else {
        }
        %lt3A_455 = arith.cmpi slt, %add3A_438, %select_n3A_134 : i32
        %convert_element_type3A_456 = arith.extui %lt3A_455 : i1 to i32
        %cond3A_457 = arith.constant 0 : i32
        %cond3A_458 = arith.cmpi ne, %convert_element_type3A_456, %cond3A_457 : i32
        scf.if %cond3A_458 {
          %dma_start3A = arith.constant 0 : i32
          %dma_start3A_468 = tpu.memref_slice %arg10[%add3A_438, %dma_start3A] : memref<66x8xi32, #tpu.memory_space<vmem>> -> memref<1x8xi32, #tpu.memory_space<vmem>>
          %dma_start3A_469 = tpu.memref_squeeze %dma_start3A_468 : memref<1x8xi32, #tpu.memory_space<vmem>> -> memref<8xi32, #tpu.memory_space<vmem>>
          %dma_start3A_470 = arith.constant 0 : i32
          %dma_start3A_471 = arith.constant 0 : i32
          %dma_start3A_472 = tpu.memref_slice %arg2[%dma_start3A_470, %dma_start3A_471] : memref<16384x4096xf32, #tpu.memory_space<hbm>> -> memref<16384x4096xf32, #tpu.memory_space<hbm>>
          tpu.enqueue_indirect_dma source(%dma_start3A_472 : memref<16384x4096xf32, #tpu.memory_space<hbm>>) target(%arg12 : memref<8x4096xf32, #tpu.memory_space<vmem>>) offsets(%dma_start3A_469 : memref<8xi32, #tpu.memory_space<vmem>>) semaphore(%arg15 : memref<!tpu.dma_semaphore, #tpu.memory_space<semaphore_mem>>)
        } else {
        }
        %ge3A_459 = arith.cmpi sge, %add3A_438, %select_n3A_134 : i32
        %convert_element_type3A_460 = arith.extui %ge3A_459 : i1 to i32
        %cond3A_461 = arith.constant 0 : i32
        %cond3A_462 = arith.cmpi ne, %convert_element_type3A_460, %cond3A_461 : i32
        scf.if %cond3A_462 {
          %sub3A_468 = arith.subi %add3A_438, %select_n3A_134 : i32
          %dma_start3A = arith.constant 0 : i32
          %dma_start3A_469 = tpu.memref_slice %arg8[%sub3A_468, %dma_start3A] : memref<66x8xi32, #tpu.memory_space<vmem>> -> memref<1x8xi32, #tpu.memory_space<vmem>>
          %dma_start3A_470 = tpu.memref_squeeze %dma_start3A_469 : memref<1x8xi32, #tpu.memory_space<vmem>> -> memref<8xi32, #tpu.memory_space<vmem>>
          %dma_start3A_471 = arith.constant 0 : i32
          %dma_start3A_472 = arith.constant 0 : i32
          %dma_start3A_473 = tpu.memref_slice %arg4[%dma_start3A_471, %dma_start3A_472] : memref<4096x4096xf32, #tpu.memory_space<hbm>> -> memref<4096x4096xf32, #tpu.memory_space<hbm>>
          tpu.enqueue_indirect_dma source(%dma_start3A_473 : memref<4096x4096xf32, #tpu.memory_space<hbm>>) target(%arg12 : memref<8x4096xf32, #tpu.memory_space<vmem>>) offsets(%dma_start3A_470 : memref<8xi32, #tpu.memory_space<vmem>>) semaphore(%arg15 : memref<!tpu.dma_semaphore, #tpu.memory_space<semaphore_mem>>)
        } else {
        }
        %ge3A_463 = arith.constant 1 : i32
        %ge3A_464 = arith.cmpi sge, %add3A_438, %ge3A_463 : i32
        %convert_element_type3A_465 = arith.extui %ge3A_464 : i1 to i32
        %cond3A_466 = arith.constant 0 : i32
        %cond3A_467 = arith.cmpi ne, %convert_element_type3A_465, %cond3A_466 : i32
        scf.if %cond3A_467 {
          %dma_wait3A = arith.constant 0 : i32
          %dma_wait3A_468 = arith.constant 0 : i32
          %dma_wait3A_469 = tpu.memref_slice %arg10[%dma_wait3A, %dma_wait3A_468] : memref<66x8xi32, #tpu.memory_space<vmem>> -> memref<1x8xi32, #tpu.memory_space<vmem>>
          %dma_wait3A_470 = tpu.memref_squeeze %dma_wait3A_469 : memref<1x8xi32, #tpu.memory_space<vmem>> -> memref<8xi32, #tpu.memory_space<vmem>>
          %dma_wait3A_471 = arith.constant 0 : i32
          %dma_wait3A_472 = arith.constant 0 : i32
          %dma_wait3A_473 = tpu.memref_slice %arg2[%dma_wait3A_471, %dma_wait3A_472] : memref<16384x4096xf32, #tpu.memory_space<hbm>> -> memref<16384x4096xf32, #tpu.memory_space<hbm>>
          tpu.wait_indirect_dma semaphore(%arg14 : memref<!tpu.dma_semaphore, #tpu.memory_space<semaphore_mem>>) src(%dma_wait3A_473 : memref<16384x4096xf32, #tpu.memory_space<hbm>>) dst(%arg11 : memref<8x4096xf32, #tpu.memory_space<vmem>>)
          %sub3A_474 = arith.constant 1 : i32
          %sub3A_475 = arith.subi %add3A_438, %sub3A_474 : i32
          %lt3A_476 = arith.cmpi slt, %sub3A_475, %select_n3A_134 : i32
          %convert_element_type3A_477 = arith.extui %lt3A_476 : i1 to i32
          %cond3A_478 = arith.constant 0 : i32
          %cond3A_479 = arith.cmpi ne, %convert_element_type3A_477, %cond3A_478 : i32
          scf.if %cond3A_479 {
            %dma_start3A = arith.constant 0 : i32
            %dma_start3A_484 = tpu.memref_slice %arg10[%sub3A_475, %dma_start3A] : memref<66x8xi32, #tpu.memory_space<vmem>> -> memref<1x8xi32, #tpu.memory_space<vmem>>
            %dma_start3A_485 = tpu.memref_squeeze %dma_start3A_484 : memref<1x8xi32, #tpu.memory_space<vmem>> -> memref<8xi32, #tpu.memory_space<vmem>>
            %dma_start3A_486 = arith.constant 0 : i32
            %dma_start3A_487 = arith.constant 0 : i32
            %dma_start3A_488 = tpu.memref_slice %arg5[%dma_start3A_486, %dma_start3A_487] : memref<16384x4096xf32, #tpu.memory_space<hbm>> -> memref<16384x4096xf32, #tpu.memory_space<hbm>>
            tpu.enqueue_indirect_dma source(%arg11 : memref<8x4096xf32, #tpu.memory_space<vmem>>) target(%dma_start3A_488 : memref<16384x4096xf32, #tpu.memory_space<hbm>>) offsets(%dma_start3A_485 : memref<8xi32, #tpu.memory_space<vmem>>) semaphore(%arg17 : memref<!tpu.dma_semaphore, #tpu.memory_space<semaphore_mem>>)
          } else {
          }
          %ge3A_480 = arith.cmpi sge, %sub3A_475, %select_n3A_134 : i32
          %convert_element_type3A_481 = arith.extui %ge3A_480 : i1 to i32
          %cond3A_482 = arith.constant 0 : i32
          %cond3A_483 = arith.cmpi ne, %convert_element_type3A_481, %cond3A_482 : i32
          scf.if %cond3A_483 {
            %sub3A_484 = arith.subi %sub3A_475, %select_n3A_134 : i32
            %dma_start3A = arith.constant 0 : i32
            %dma_start3A_485 = tpu.memref_slice %arg9[%sub3A_484, %dma_start3A] : memref<66x8xi32, #tpu.memory_space<vmem>> -> memref<1x8xi32, #tpu.memory_space<vmem>>
            %dma_start3A_486 = tpu.memref_squeeze %dma_start3A_485 : memref<1x8xi32, #tpu.memory_space<vmem>> -> memref<8xi32, #tpu.memory_space<vmem>>
            %dma_start3A_487 = arith.constant 0 : i32
            %dma_start3A_488 = arith.constant 0 : i32
            %dma_start3A_489 = tpu.memref_slice %arg5[%dma_start3A_487, %dma_start3A_488] : memref<16384x4096xf32, #tpu.memory_space<hbm>> -> memref<16384x4096xf32, #tpu.memory_space<hbm>>
            tpu.enqueue_indirect_dma source(%arg11 : memref<8x4096xf32, #tpu.memory_space<vmem>>) target(%dma_start3A_489 : memref<16384x4096xf32, #tpu.memory_space<hbm>>) offsets(%dma_start3A_486 : memref<8xi32, #tpu.memory_space<vmem>>) semaphore(%arg17 : memref<!tpu.dma_semaphore, #tpu.memory_space<semaphore_mem>>)
          } else {
          }
        } else {
        }
      } else {
      }
      %mul3A_443 = arith.constant 3 : i32
      %mul3A_444 = arith.muli %mul3A_443, %while3A_426 : i32
      %add3A_445 = arith.constant 2 : i32
      %add3A_446 = arith.addi %mul3A_444, %add3A_445 : i32
      %lt3A_447 = arith.cmpi slt, %add3A_446, %add3A_309 : i32
      %convert_element_type3A_448 = arith.extui %lt3A_447 : i1 to i32
      %cond3A_449 = arith.constant 0 : i32
      %cond3A_450 = arith.cmpi ne, %convert_element_type3A_448, %cond3A_449 : i32
      scf.if %cond3A_450 {
        %ge3A = arith.constant 3 : i32
        %ge3A_451 = arith.cmpi sge, %add3A_446, %ge3A : i32
        %convert_element_type3A_452 = arith.extui %ge3A_451 : i1 to i32
        %cond3A_453 = arith.constant 0 : i32
        %cond3A_454 = arith.cmpi ne, %convert_element_type3A_452, %cond3A_453 : i32
        scf.if %cond3A_454 {
          %dma_wait3A = arith.constant 0 : i32
          %dma_wait3A_468 = arith.constant 0 : i32
          %dma_wait3A_469 = tpu.memref_slice %arg10[%dma_wait3A, %dma_wait3A_468] : memref<66x8xi32, #tpu.memory_space<vmem>> -> memref<1x8xi32, #tpu.memory_space<vmem>>
          %dma_wait3A_470 = tpu.memref_squeeze %dma_wait3A_469 : memref<1x8xi32, #tpu.memory_space<vmem>> -> memref<8xi32, #tpu.memory_space<vmem>>
          %dma_wait3A_471 = arith.constant 0 : i32
          %dma_wait3A_472 = arith.constant 0 : i32
          %dma_wait3A_473 = tpu.memref_slice %arg5[%dma_wait3A_471, %dma_wait3A_472] : memref<16384x4096xf32, #tpu.memory_space<hbm>> -> memref<16384x4096xf32, #tpu.memory_space<hbm>>
          tpu.wait_indirect_dma semaphore(%arg19 : memref<!tpu.dma_semaphore, #tpu.memory_space<semaphore_mem>>) src(%arg13 : memref<8x4096xf32, #tpu.memory_space<vmem>>) dst(%dma_wait3A_473 : memref<16384x4096xf32, #tpu.memory_space<hbm>>)
        } else {
        }
        %lt3A_455 = arith.cmpi slt, %add3A_446, %select_n3A_134 : i32
        %convert_element_type3A_456 = arith.extui %lt3A_455 : i1 to i32
        %cond3A_457 = arith.constant 0 : i32
        %cond3A_458 = arith.cmpi ne, %convert_element_type3A_456, %cond3A_457 : i32
        scf.if %cond3A_458 {
          %dma_start3A = arith.constant 0 : i32
          %dma_start3A_468 = tpu.memref_slice %arg10[%add3A_446, %dma_start3A] : memref<66x8xi32, #tpu.memory_space<vmem>> -> memref<1x8xi32, #tpu.memory_space<vmem>>
          %dma_start3A_469 = tpu.memref_squeeze %dma_start3A_468 : memref<1x8xi32, #tpu.memory_space<vmem>> -> memref<8xi32, #tpu.memory_space<vmem>>
          %dma_start3A_470 = arith.constant 0 : i32
          %dma_start3A_471 = arith.constant 0 : i32
          %dma_start3A_472 = tpu.memref_slice %arg2[%dma_start3A_470, %dma_start3A_471] : memref<16384x4096xf32, #tpu.memory_space<hbm>> -> memref<16384x4096xf32, #tpu.memory_space<hbm>>
          tpu.enqueue_indirect_dma source(%dma_start3A_472 : memref<16384x4096xf32, #tpu.memory_space<hbm>>) target(%arg13 : memref<8x4096xf32, #tpu.memory_space<vmem>>) offsets(%dma_start3A_469 : memref<8xi32, #tpu.memory_space<vmem>>) semaphore(%arg16 : memref<!tpu.dma_semaphore, #tpu.memory_space<semaphore_mem>>)
        } else {
        }
        %ge3A_459 = arith.cmpi sge, %add3A_446, %select_n3A_134 : i32
        %convert_element_type3A_460 = arith.extui %ge3A_459 : i1 to i32
        %cond3A_461 = arith.constant 0 : i32
        %cond3A_462 = arith.cmpi ne, %convert_element_type3A_460, %cond3A_461 : i32
        scf.if %cond3A_462 {
          %sub3A_468 = arith.subi %add3A_446, %select_n3A_134 : i32
          %dma_start3A = arith.constant 0 : i32
          %dma_start3A_469 = tpu.memref_slice %arg8[%sub3A_468, %dma_start3A] : memref<66x8xi32, #tpu.memory_space<vmem>> -> memref<1x8xi32, #tpu.memory_space<vmem>>
          %dma_start3A_470 = tpu.memref_squeeze %dma_start3A_469 : memref<1x8xi32, #tpu.memory_space<vmem>> -> memref<8xi32, #tpu.memory_space<vmem>>
          %dma_start3A_471 = arith.constant 0 : i32
          %dma_start3A_472 = arith.constant 0 : i32
          %dma_start3A_473 = tpu.memref_slice %arg4[%dma_start3A_471, %dma_start3A_472] : memref<4096x4096xf32, #tpu.memory_space<hbm>> -> memref<4096x4096xf32, #tpu.memory_space<hbm>>
          tpu.enqueue_indirect_dma source(%dma_start3A_473 : memref<4096x4096xf32, #tpu.memory_space<hbm>>) target(%arg13 : memref<8x4096xf32, #tpu.memory_space<vmem>>) offsets(%dma_start3A_470 : memref<8xi32, #tpu.memory_space<vmem>>) semaphore(%arg16 : memref<!tpu.dma_semaphore, #tpu.memory_space<semaphore_mem>>)
        } else {
        }
        %ge3A_463 = arith.constant 1 : i32
        %ge3A_464 = arith.cmpi sge, %add3A_446, %ge3A_463 : i32
        %convert_element_type3A_465 = arith.extui %ge3A_464 : i1 to i32
        %cond3A_466 = arith.constant 0 : i32
        %cond3A_467 = arith.cmpi ne, %convert_element_type3A_465, %cond3A_466 : i32
        scf.if %cond3A_467 {
          %dma_wait3A = arith.constant 0 : i32
          %dma_wait3A_468 = arith.constant 0 : i32
          %dma_wait3A_469 = tpu.memref_slice %arg10[%dma_wait3A, %dma_wait3A_468] : memref<66x8xi32, #tpu.memory_space<vmem>> -> memref<1x8xi32, #tpu.memory_space<vmem>>
          %dma_wait3A_470 = tpu.memref_squeeze %dma_wait3A_469 : memref<1x8xi32, #tpu.memory_space<vmem>> -> memref<8xi32, #tpu.memory_space<vmem>>
          %dma_wait3A_471 = arith.constant 0 : i32
          %dma_wait3A_472 = arith.constant 0 : i32
          %dma_wait3A_473 = tpu.memref_slice %arg2[%dma_wait3A_471, %dma_wait3A_472] : memref<16384x4096xf32, #tpu.memory_space<hbm>> -> memref<16384x4096xf32, #tpu.memory_space<hbm>>
          tpu.wait_indirect_dma semaphore(%arg15 : memref<!tpu.dma_semaphore, #tpu.memory_space<semaphore_mem>>) src(%dma_wait3A_473 : memref<16384x4096xf32, #tpu.memory_space<hbm>>) dst(%arg12 : memref<8x4096xf32, #tpu.memory_space<vmem>>)
          %sub3A_474 = arith.constant 1 : i32
          %sub3A_475 = arith.subi %add3A_446, %sub3A_474 : i32
          %lt3A_476 = arith.cmpi slt, %sub3A_475, %select_n3A_134 : i32
          %convert_element_type3A_477 = arith.extui %lt3A_476 : i1 to i32
          %cond3A_478 = arith.constant 0 : i32
          %cond3A_479 = arith.cmpi ne, %convert_element_type3A_477, %cond3A_478 : i32
          scf.if %cond3A_479 {
            %dma_start3A = arith.constant 0 : i32
            %dma_start3A_484 = tpu.memref_slice %arg10[%sub3A_475, %dma_start3A] : memref<66x8xi32, #tpu.memory_space<vmem>> -> memref<1x8xi32, #tpu.memory_space<vmem>>
            %dma_start3A_485 = tpu.memref_squeeze %dma_start3A_484 : memref<1x8xi32, #tpu.memory_space<vmem>> -> memref<8xi32, #tpu.memory_space<vmem>>
            %dma_start3A_486 = arith.constant 0 : i32
            %dma_start3A_487 = arith.constant 0 : i32
            %dma_start3A_488 = tpu.memref_slice %arg5[%dma_start3A_486, %dma_start3A_487] : memref<16384x4096xf32, #tpu.memory_space<hbm>> -> memref<16384x4096xf32, #tpu.memory_space<hbm>>
            tpu.enqueue_indirect_dma source(%arg12 : memref<8x4096xf32, #tpu.memory_space<vmem>>) target(%dma_start3A_488 : memref<16384x4096xf32, #tpu.memory_space<hbm>>) offsets(%dma_start3A_485 : memref<8xi32, #tpu.memory_space<vmem>>) semaphore(%arg18 : memref<!tpu.dma_semaphore, #tpu.memory_space<semaphore_mem>>)
          } else {
          }
          %ge3A_480 = arith.cmpi sge, %sub3A_475, %select_n3A_134 : i32
          %convert_element_type3A_481 = arith.extui %ge3A_480 : i1 to i32
          %cond3A_482 = arith.constant 0 : i32
          %cond3A_483 = arith.cmpi ne, %convert_element_type3A_481, %cond3A_482 : i32
          scf.if %cond3A_483 {
            %sub3A_484 = arith.subi %sub3A_475, %select_n3A_134 : i32
            %dma_start3A = arith.constant 0 : i32
            %dma_start3A_485 = tpu.memref_slice %arg9[%sub3A_484, %dma_start3A] : memref<66x8xi32, #tpu.memory_space<vmem>> -> memref<1x8xi32, #tpu.memory_space<vmem>>
            %dma_start3A_486 = tpu.memref_squeeze %dma_start3A_485 : memref<1x8xi32, #tpu.memory_space<vmem>> -> memref<8xi32, #tpu.memory_space<vmem>>
            %dma_start3A_487 = arith.constant 0 : i32
            %dma_start3A_488 = arith.constant 0 : i32
            %dma_start3A_489 = tpu.memref_slice %arg5[%dma_start3A_487, %dma_start3A_488] : memref<16384x4096xf32, #tpu.memory_space<hbm>> -> memref<16384x4096xf32, #tpu.memory_space<hbm>>
            tpu.enqueue_indirect_dma source(%arg12 : memref<8x4096xf32, #tpu.memory_space<vmem>>) target(%dma_start3A_489 : memref<16384x4096xf32, #tpu.memory_space<hbm>>) offsets(%dma_start3A_486 : memref<8xi32, #tpu.memory_space<vmem>>) semaphore(%arg18 : memref<!tpu.dma_semaphore, #tpu.memory_space<semaphore_mem>>)
          } else {
          }
        } else {
        }
      } else {
      }
    }
    %sub3A_345 = arith.constant 1 : i32
    %sub3A_346 = arith.subi %add3A_309, %sub3A_345 : i32
    %jit3A_347 = arith.constant 3 : i32
    %eq3A_348 = arith.constant 0 : i32
    %eq3A_349 = arith.cmpi eq, %jit3A_347, %eq3A_348 : i32
    %jit3A_350 = arith.constant 1 : i32
    %select_n3A_351 = arith.select %eq3A_349, %jit3A_350, %jit3A_347 : i32
    %rem3A_352 = arith.remsi %sub3A_346, %select_n3A_351 : i32
    %ne3A_353 = arith.constant 0 : i32
    %ne3A_354 = arith.cmpi ne, %rem3A_352, %ne3A_353 : i32
    %lt3A_355 = arith.constant 0 : i32
    %lt3A_356 = arith.cmpi slt, %rem3A_352, %lt3A_355 : i32
    %lt3A_357 = arith.constant 0 : i32
    %lt3A_358 = arith.cmpi slt, %select_n3A_351, %lt3A_357 : i32
    %ne3A_359 = arith.xori %lt3A_356, %lt3A_358 : i1
    %and3A_360 = arith.andi %ne3A_359, %ne3A_354 : i1
    %add3A_361 = arith.addi %rem3A_352, %select_n3A_351 : i32
    %select_n3A_362 = arith.select %and3A_360, %add3A_361, %rem3A_352 : i32
    %eq3A_363 = arith.constant 0 : i32
    %eq3A_364 = arith.cmpi eq, %select_n3A_362, %eq3A_363 : i32
    %convert_element_type3A = arith.extui %eq3A_364 : i1 to i32
    %cond3A = arith.constant 0 : i32
    %cond3A_365 = arith.cmpi ne, %convert_element_type3A, %cond3A : i32
    scf.if %cond3A_365 {
      %dma_wait3A = arith.constant 0 : i32
      %dma_wait3A_426 = arith.constant 0 : i32
      %dma_wait3A_427 = tpu.memref_slice %arg10[%dma_wait3A, %dma_wait3A_426] : memref<66x8xi32, #tpu.memory_space<vmem>> -> memref<1x8xi32, #tpu.memory_space<vmem>>
      %dma_wait3A_428 = tpu.memref_squeeze %dma_wait3A_427 : memref<1x8xi32, #tpu.memory_space<vmem>> -> memref<8xi32, #tpu.memory_space<vmem>>
      %dma_wait3A_429 = arith.constant 0 : i32
      %dma_wait3A_430 = arith.constant 0 : i32
      %dma_wait3A_431 = tpu.memref_slice %arg2[%dma_wait3A_429, %dma_wait3A_430] : memref<16384x4096xf32, #tpu.memory_space<hbm>> -> memref<16384x4096xf32, #tpu.memory_space<hbm>>
      tpu.wait_indirect_dma semaphore(%arg14 : memref<!tpu.dma_semaphore, #tpu.memory_space<semaphore_mem>>) src(%dma_wait3A_431 : memref<16384x4096xf32, #tpu.memory_space<hbm>>) dst(%arg11 : memref<8x4096xf32, #tpu.memory_space<vmem>>)
      %sub3A_432 = arith.constant 1 : i32
      %sub3A_433 = arith.subi %add3A_309, %sub3A_432 : i32
      %lt3A_434 = arith.cmpi slt, %sub3A_433, %select_n3A_134 : i32
      %convert_element_type3A_435 = arith.extui %lt3A_434 : i1 to i32
      %cond3A_436 = arith.constant 0 : i32
      %cond3A_437 = arith.cmpi ne, %convert_element_type3A_435, %cond3A_436 : i32
      scf.if %cond3A_437 {
        %dma_start3A = arith.constant 0 : i32
        %dma_start3A_441 = tpu.memref_slice %arg10[%sub3A_433, %dma_start3A] : memref<66x8xi32, #tpu.memory_space<vmem>> -> memref<1x8xi32, #tpu.memory_space<vmem>>
        %dma_start3A_442 = tpu.memref_squeeze %dma_start3A_441 : memref<1x8xi32, #tpu.memory_space<vmem>> -> memref<8xi32, #tpu.memory_space<vmem>>
        %dma_start3A_443 = arith.constant 0 : i32
        %dma_start3A_444 = arith.constant 0 : i32
        %dma_start3A_445 = tpu.memref_slice %arg5[%dma_start3A_443, %dma_start3A_444] : memref<16384x4096xf32, #tpu.memory_space<hbm>> -> memref<16384x4096xf32, #tpu.memory_space<hbm>>
        tpu.enqueue_indirect_dma source(%arg11 : memref<8x4096xf32, #tpu.memory_space<vmem>>) target(%dma_start3A_445 : memref<16384x4096xf32, #tpu.memory_space<hbm>>) offsets(%dma_start3A_442 : memref<8xi32, #tpu.memory_space<vmem>>) semaphore(%arg17 : memref<!tpu.dma_semaphore, #tpu.memory_space<semaphore_mem>>)
      } else {
      }
      %ge3A = arith.cmpi sge, %sub3A_433, %select_n3A_134 : i32
      %convert_element_type3A_438 = arith.extui %ge3A : i1 to i32
      %cond3A_439 = arith.constant 0 : i32
      %cond3A_440 = arith.cmpi ne, %convert_element_type3A_438, %cond3A_439 : i32
      scf.if %cond3A_440 {
        %sub3A_441 = arith.subi %sub3A_433, %select_n3A_134 : i32
        %dma_start3A = arith.constant 0 : i32
        %dma_start3A_442 = tpu.memref_slice %arg9[%sub3A_441, %dma_start3A] : memref<66x8xi32, #tpu.memory_space<vmem>> -> memref<1x8xi32, #tpu.memory_space<vmem>>
        %dma_start3A_443 = tpu.memref_squeeze %dma_start3A_442 : memref<1x8xi32, #tpu.memory_space<vmem>> -> memref<8xi32, #tpu.memory_space<vmem>>
        %dma_start3A_444 = arith.constant 0 : i32
        %dma_start3A_445 = arith.constant 0 : i32
        %dma_start3A_446 = tpu.memref_slice %arg5[%dma_start3A_444, %dma_start3A_445] : memref<16384x4096xf32, #tpu.memory_space<hbm>> -> memref<16384x4096xf32, #tpu.memory_space<hbm>>
        tpu.enqueue_indirect_dma source(%arg11 : memref<8x4096xf32, #tpu.memory_space<vmem>>) target(%dma_start3A_446 : memref<16384x4096xf32, #tpu.memory_space<hbm>>) offsets(%dma_start3A_443 : memref<8xi32, #tpu.memory_space<vmem>>) semaphore(%arg17 : memref<!tpu.dma_semaphore, #tpu.memory_space<semaphore_mem>>)
      } else {
      }
    } else {
    }
    %sub3A_366 = arith.constant 1 : i32
    %sub3A_367 = arith.subi %add3A_309, %sub3A_366 : i32
    %jit3A_368 = arith.constant 3 : i32
    %eq3A_369 = arith.constant 0 : i32
    %eq3A_370 = arith.cmpi eq, %jit3A_368, %eq3A_369 : i32
    %jit3A_371 = arith.constant 1 : i32
    %select_n3A_372 = arith.select %eq3A_370, %jit3A_371, %jit3A_368 : i32
    %rem3A_373 = arith.remsi %sub3A_367, %select_n3A_372 : i32
    %ne3A_374 = arith.constant 0 : i32
    %ne3A_375 = arith.cmpi ne, %rem3A_373, %ne3A_374 : i32
    %lt3A_376 = arith.constant 0 : i32
    %lt3A_377 = arith.cmpi slt, %rem3A_373, %lt3A_376 : i32
    %lt3A_378 = arith.constant 0 : i32
    %lt3A_379 = arith.cmpi slt, %select_n3A_372, %lt3A_378 : i32
    %ne3A_380 = arith.xori %lt3A_377, %lt3A_379 : i1
    %and3A_381 = arith.andi %ne3A_380, %ne3A_375 : i1
    %add3A_382 = arith.addi %rem3A_373, %select_n3A_372 : i32
    %select_n3A_383 = arith.select %and3A_381, %add3A_382, %rem3A_373 : i32
    %eq3A_384 = arith.constant 1 : i32
    %eq3A_385 = arith.cmpi eq, %select_n3A_383, %eq3A_384 : i32
    %convert_element_type3A_386 = arith.extui %eq3A_385 : i1 to i32
    %cond3A_387 = arith.constant 0 : i32
    %cond3A_388 = arith.cmpi ne, %convert_element_type3A_386, %cond3A_387 : i32
    scf.if %cond3A_388 {
      %dma_wait3A = arith.constant 0 : i32
      %dma_wait3A_426 = arith.constant 0 : i32
      %dma_wait3A_427 = tpu.memref_slice %arg10[%dma_wait3A, %dma_wait3A_426] : memref<66x8xi32, #tpu.memory_space<vmem>> -> memref<1x8xi32, #tpu.memory_space<vmem>>
      %dma_wait3A_428 = tpu.memref_squeeze %dma_wait3A_427 : memref<1x8xi32, #tpu.memory_space<vmem>> -> memref<8xi32, #tpu.memory_space<vmem>>
      %dma_wait3A_429 = arith.constant 0 : i32
      %dma_wait3A_430 = arith.constant 0 : i32
      %dma_wait3A_431 = tpu.memref_slice %arg2[%dma_wait3A_429, %dma_wait3A_430] : memref<16384x4096xf32, #tpu.memory_space<hbm>> -> memref<16384x4096xf32, #tpu.memory_space<hbm>>
      tpu.wait_indirect_dma semaphore(%arg15 : memref<!tpu.dma_semaphore, #tpu.memory_space<semaphore_mem>>) src(%dma_wait3A_431 : memref<16384x4096xf32, #tpu.memory_space<hbm>>) dst(%arg12 : memref<8x4096xf32, #tpu.memory_space<vmem>>)
      %sub3A_432 = arith.constant 1 : i32
      %sub3A_433 = arith.subi %add3A_309, %sub3A_432 : i32
      %lt3A_434 = arith.cmpi slt, %sub3A_433, %select_n3A_134 : i32
      %convert_element_type3A_435 = arith.extui %lt3A_434 : i1 to i32
      %cond3A_436 = arith.constant 0 : i32
      %cond3A_437 = arith.cmpi ne, %convert_element_type3A_435, %cond3A_436 : i32
      scf.if %cond3A_437 {
        %dma_start3A = arith.constant 0 : i32
        %dma_start3A_441 = tpu.memref_slice %arg10[%sub3A_433, %dma_start3A] : memref<66x8xi32, #tpu.memory_space<vmem>> -> memref<1x8xi32, #tpu.memory_space<vmem>>
        %dma_start3A_442 = tpu.memref_squeeze %dma_start3A_441 : memref<1x8xi32, #tpu.memory_space<vmem>> -> memref<8xi32, #tpu.memory_space<vmem>>
        %dma_start3A_443 = arith.constant 0 : i32
        %dma_start3A_444 = arith.constant 0 : i32
        %dma_start3A_445 = tpu.memref_slice %arg5[%dma_start3A_443, %dma_start3A_444] : memref<16384x4096xf32, #tpu.memory_space<hbm>> -> memref<16384x4096xf32, #tpu.memory_space<hbm>>
        tpu.enqueue_indirect_dma source(%arg12 : memref<8x4096xf32, #tpu.memory_space<vmem>>) target(%dma_start3A_445 : memref<16384x4096xf32, #tpu.memory_space<hbm>>) offsets(%dma_start3A_442 : memref<8xi32, #tpu.memory_space<vmem>>) semaphore(%arg18 : memref<!tpu.dma_semaphore, #tpu.memory_space<semaphore_mem>>)
      } else {
      }
      %ge3A = arith.cmpi sge, %sub3A_433, %select_n3A_134 : i32
      %convert_element_type3A_438 = arith.extui %ge3A : i1 to i32
      %cond3A_439 = arith.constant 0 : i32
      %cond3A_440 = arith.cmpi ne, %convert_element_type3A_438, %cond3A_439 : i32
      scf.if %cond3A_440 {
        %sub3A_441 = arith.subi %sub3A_433, %select_n3A_134 : i32
        %dma_start3A = arith.constant 0 : i32
        %dma_start3A_442 = tpu.memref_slice %arg9[%sub3A_441, %dma_start3A] : memref<66x8xi32, #tpu.memory_space<vmem>> -> memref<1x8xi32, #tpu.memory_space<vmem>>
        %dma_start3A_443 = tpu.memref_squeeze %dma_start3A_442 : memref<1x8xi32, #tpu.memory_space<vmem>> -> memref<8xi32, #tpu.memory_space<vmem>>
        %dma_start3A_444 = arith.constant 0 : i32
        %dma_start3A_445 = arith.constant 0 : i32
        %dma_start3A_446 = tpu.memref_slice %arg5[%dma_start3A_444, %dma_start3A_445] : memref<16384x4096xf32, #tpu.memory_space<hbm>> -> memref<16384x4096xf32, #tpu.memory_space<hbm>>
        tpu.enqueue_indirect_dma source(%arg12 : memref<8x4096xf32, #tpu.memory_space<vmem>>) target(%dma_start3A_446 : memref<16384x4096xf32, #tpu.memory_space<hbm>>) offsets(%dma_start3A_443 : memref<8xi32, #tpu.memory_space<vmem>>) semaphore(%arg18 : memref<!tpu.dma_semaphore, #tpu.memory_space<semaphore_mem>>)
      } else {
      }
    } else {
    }
    %sub3A_389 = arith.constant 1 : i32
    %sub3A_390 = arith.subi %add3A_309, %sub3A_389 : i32
    %jit3A_391 = arith.constant 3 : i32
    %eq3A_392 = arith.constant 0 : i32
    %eq3A_393 = arith.cmpi eq, %jit3A_391, %eq3A_392 : i32
    %jit3A_394 = arith.constant 1 : i32
    %select_n3A_395 = arith.select %eq3A_393, %jit3A_394, %jit3A_391 : i32
    %rem3A_396 = arith.remsi %sub3A_390, %select_n3A_395 : i32
    %ne3A_397 = arith.constant 0 : i32
    %ne3A_398 = arith.cmpi ne, %rem3A_396, %ne3A_397 : i32
    %lt3A_399 = arith.constant 0 : i32
    %lt3A_400 = arith.cmpi slt, %rem3A_396, %lt3A_399 : i32
    %lt3A_401 = arith.constant 0 : i32
    %lt3A_402 = arith.cmpi slt, %select_n3A_395, %lt3A_401 : i32
    %ne3A_403 = arith.xori %lt3A_400, %lt3A_402 : i1
    %and3A_404 = arith.andi %ne3A_403, %ne3A_398 : i1
    %add3A_405 = arith.addi %rem3A_396, %select_n3A_395 : i32
    %select_n3A_406 = arith.select %and3A_404, %add3A_405, %rem3A_396 : i32
    %eq3A_407 = arith.constant 2 : i32
    %eq3A_408 = arith.cmpi eq, %select_n3A_406, %eq3A_407 : i32
    %convert_element_type3A_409 = arith.extui %eq3A_408 : i1 to i32
    %cond3A_410 = arith.constant 0 : i32
    %cond3A_411 = arith.cmpi ne, %convert_element_type3A_409, %cond3A_410 : i32
    scf.if %cond3A_411 {
      %dma_wait3A = arith.constant 0 : i32
      %dma_wait3A_426 = arith.constant 0 : i32
      %dma_wait3A_427 = tpu.memref_slice %arg10[%dma_wait3A, %dma_wait3A_426] : memref<66x8xi32, #tpu.memory_space<vmem>> -> memref<1x8xi32, #tpu.memory_space<vmem>>
      %dma_wait3A_428 = tpu.memref_squeeze %dma_wait3A_427 : memref<1x8xi32, #tpu.memory_space<vmem>> -> memref<8xi32, #tpu.memory_space<vmem>>
      %dma_wait3A_429 = arith.constant 0 : i32
      %dma_wait3A_430 = arith.constant 0 : i32
      %dma_wait3A_431 = tpu.memref_slice %arg2[%dma_wait3A_429, %dma_wait3A_430] : memref<16384x4096xf32, #tpu.memory_space<hbm>> -> memref<16384x4096xf32, #tpu.memory_space<hbm>>
      tpu.wait_indirect_dma semaphore(%arg16 : memref<!tpu.dma_semaphore, #tpu.memory_space<semaphore_mem>>) src(%dma_wait3A_431 : memref<16384x4096xf32, #tpu.memory_space<hbm>>) dst(%arg13 : memref<8x4096xf32, #tpu.memory_space<vmem>>)
      %sub3A_432 = arith.constant 1 : i32
      %sub3A_433 = arith.subi %add3A_309, %sub3A_432 : i32
      %lt3A_434 = arith.cmpi slt, %sub3A_433, %select_n3A_134 : i32
      %convert_element_type3A_435 = arith.extui %lt3A_434 : i1 to i32
      %cond3A_436 = arith.constant 0 : i32
      %cond3A_437 = arith.cmpi ne, %convert_element_type3A_435, %cond3A_436 : i32
      scf.if %cond3A_437 {
        %dma_start3A = arith.constant 0 : i32
        %dma_start3A_441 = tpu.memref_slice %arg10[%sub3A_433, %dma_start3A] : memref<66x8xi32, #tpu.memory_space<vmem>> -> memref<1x8xi32, #tpu.memory_space<vmem>>
        %dma_start3A_442 = tpu.memref_squeeze %dma_start3A_441 : memref<1x8xi32, #tpu.memory_space<vmem>> -> memref<8xi32, #tpu.memory_space<vmem>>
        %dma_start3A_443 = arith.constant 0 : i32
        %dma_start3A_444 = arith.constant 0 : i32
        %dma_start3A_445 = tpu.memref_slice %arg5[%dma_start3A_443, %dma_start3A_444] : memref<16384x4096xf32, #tpu.memory_space<hbm>> -> memref<16384x4096xf32, #tpu.memory_space<hbm>>
        tpu.enqueue_indirect_dma source(%arg13 : memref<8x4096xf32, #tpu.memory_space<vmem>>) target(%dma_start3A_445 : memref<16384x4096xf32, #tpu.memory_space<hbm>>) offsets(%dma_start3A_442 : memref<8xi32, #tpu.memory_space<vmem>>) semaphore(%arg19 : memref<!tpu.dma_semaphore, #tpu.memory_space<semaphore_mem>>)
      } else {
      }
      %ge3A = arith.cmpi sge, %sub3A_433, %select_n3A_134 : i32
      %convert_element_type3A_438 = arith.extui %ge3A : i1 to i32
      %cond3A_439 = arith.constant 0 : i32
      %cond3A_440 = arith.cmpi ne, %convert_element_type3A_438, %cond3A_439 : i32
      scf.if %cond3A_440 {
        %sub3A_441 = arith.subi %sub3A_433, %select_n3A_134 : i32
        %dma_start3A = arith.constant 0 : i32
        %dma_start3A_442 = tpu.memref_slice %arg9[%sub3A_441, %dma_start3A] : memref<66x8xi32, #tpu.memory_space<vmem>> -> memref<1x8xi32, #tpu.memory_space<vmem>>
        %dma_start3A_443 = tpu.memref_squeeze %dma_start3A_442 : memref<1x8xi32, #tpu.memory_space<vmem>> -> memref<8xi32, #tpu.memory_space<vmem>>
        %dma_start3A_444 = arith.constant 0 : i32
        %dma_start3A_445 = arith.constant 0 : i32
        %dma_start3A_446 = tpu.memref_slice %arg5[%dma_start3A_444, %dma_start3A_445] : memref<16384x4096xf32, #tpu.memory_space<hbm>> -> memref<16384x4096xf32, #tpu.memory_space<hbm>>
        tpu.enqueue_indirect_dma source(%arg13 : memref<8x4096xf32, #tpu.memory_space<vmem>>) target(%dma_start3A_446 : memref<16384x4096xf32, #tpu.memory_space<hbm>>) offsets(%dma_start3A_443 : memref<8xi32, #tpu.memory_space<vmem>>) semaphore(%arg19 : memref<!tpu.dma_semaphore, #tpu.memory_space<semaphore_mem>>)
      } else {
      }
    } else {
    }
    %gt3A = arith.constant 0 : i32
    %gt3A_412 = arith.cmpi sgt, %add3A_309, %gt3A : i32
    %convert_element_type3A_413 = arith.extui %gt3A_412 : i1 to i32
    %cond3A_414 = arith.constant 0 : i32
    %cond3A_415 = arith.cmpi ne, %convert_element_type3A_413, %cond3A_414 : i32
    scf.if %cond3A_415 {
      %dma_wait3A = arith.constant 0 : i32
      %dma_wait3A_426 = arith.constant 0 : i32
      %dma_wait3A_427 = tpu.memref_slice %arg10[%dma_wait3A, %dma_wait3A_426] : memref<66x8xi32, #tpu.memory_space<vmem>> -> memref<1x8xi32, #tpu.memory_space<vmem>>
      %dma_wait3A_428 = tpu.memref_squeeze %dma_wait3A_427 : memref<1x8xi32, #tpu.memory_space<vmem>> -> memref<8xi32, #tpu.memory_space<vmem>>
      %dma_wait3A_429 = arith.constant 0 : i32
      %dma_wait3A_430 = arith.constant 0 : i32
      %dma_wait3A_431 = tpu.memref_slice %arg5[%dma_wait3A_429, %dma_wait3A_430] : memref<16384x4096xf32, #tpu.memory_space<hbm>> -> memref<16384x4096xf32, #tpu.memory_space<hbm>>
      tpu.wait_indirect_dma semaphore(%arg17 : memref<!tpu.dma_semaphore, #tpu.memory_space<semaphore_mem>>) src(%arg11 : memref<8x4096xf32, #tpu.memory_space<vmem>>) dst(%dma_wait3A_431 : memref<16384x4096xf32, #tpu.memory_space<hbm>>)
    } else {
    }
    %gt3A_416 = arith.constant 1 : i32
    %gt3A_417 = arith.cmpi sgt, %add3A_309, %gt3A_416 : i32
    %convert_element_type3A_418 = arith.extui %gt3A_417 : i1 to i32
    %cond3A_419 = arith.constant 0 : i32
    %cond3A_420 = arith.cmpi ne, %convert_element_type3A_418, %cond3A_419 : i32
    scf.if %cond3A_420 {
      %dma_wait3A = arith.constant 0 : i32
      %dma_wait3A_426 = arith.constant 0 : i32
      %dma_wait3A_427 = tpu.memref_slice %arg10[%dma_wait3A, %dma_wait3A_426] : memref<66x8xi32, #tpu.memory_space<vmem>> -> memref<1x8xi32, #tpu.memory_space<vmem>>
      %dma_wait3A_428 = tpu.memref_squeeze %dma_wait3A_427 : memref<1x8xi32, #tpu.memory_space<vmem>> -> memref<8xi32, #tpu.memory_space<vmem>>
      %dma_wait3A_429 = arith.constant 0 : i32
      %dma_wait3A_430 = arith.constant 0 : i32
      %dma_wait3A_431 = tpu.memref_slice %arg5[%dma_wait3A_429, %dma_wait3A_430] : memref<16384x4096xf32, #tpu.memory_space<hbm>> -> memref<16384x4096xf32, #tpu.memory_space<hbm>>
      tpu.wait_indirect_dma semaphore(%arg18 : memref<!tpu.dma_semaphore, #tpu.memory_space<semaphore_mem>>) src(%arg12 : memref<8x4096xf32, #tpu.memory_space<vmem>>) dst(%dma_wait3A_431 : memref<16384x4096xf32, #tpu.memory_space<hbm>>)
    } else {
    }
    %gt3A_421 = arith.constant 2 : i32
    %gt3A_422 = arith.cmpi sgt, %add3A_309, %gt3A_421 : i32
    %convert_element_type3A_423 = arith.extui %gt3A_422 : i1 to i32
    %cond3A_424 = arith.constant 0 : i32
    %cond3A_425 = arith.cmpi ne, %convert_element_type3A_423, %cond3A_424 : i32
    scf.if %cond3A_425 {
      %dma_wait3A = arith.constant 0 : i32
      %dma_wait3A_426 = arith.constant 0 : i32
      %dma_wait3A_427 = tpu.memref_slice %arg10[%dma_wait3A, %dma_wait3A_426] : memref<66x8xi32, #tpu.memory_space<vmem>> -> memref<1x8xi32, #tpu.memory_space<vmem>>
      %dma_wait3A_428 = tpu.memref_squeeze %dma_wait3A_427 : memref<1x8xi32, #tpu.memory_space<vmem>> -> memref<8xi32, #tpu.memory_space<vmem>>
      %dma_wait3A_429 = arith.constant 0 : i32
      %dma_wait3A_430 = arith.constant 0 : i32
      %dma_wait3A_431 = tpu.memref_slice %arg5[%dma_wait3A_429, %dma_wait3A_430] : memref<16384x4096xf32, #tpu.memory_space<hbm>> -> memref<16384x4096xf32, #tpu.memory_space<hbm>>
      tpu.wait_indirect_dma semaphore(%arg19 : memref<!tpu.dma_semaphore, #tpu.memory_space<semaphore_mem>>) src(%arg13 : memref<8x4096xf32, #tpu.memory_space<vmem>>) dst(%dma_wait3A_431 : memref<16384x4096xf32, #tpu.memory_space<hbm>>)
    } else {
    }
    return
  }
}

</mosaic_0001>

<sc_bundles>
// kernel: kernel.3.cloned.1.call-start
scs
__scs_entry_jumppad:
0x0: {  	(pc) =	sbr.rel $0x88, $3  }
0x1: {  	(tag) =	ssettag $0x0;
	lr =	simm.s32 $0x1  }
0x2: {  	[smem:$0x3F9E] =	sst lr;
	_ =	strace $0xD0000000  }
0x3: {  	_ = 	snop  }
0x4: {  	_ = 	snop  }
0x5: {  	_ = 	snop  }
0x6: {  	_ = 	snop  }
0x7: {  	_ = 	snop  }
__scs_overlays_trampoline_lowered:
0x8: {  	[smem:$0x3FAD] =	sst s0  }
0x9: {  	[smem:$0x3FAE] =	sst s1  }
0xa: {  	[smem:$0x3FAF] =	sst s2  }
0xb: {  	[smem:$0x3FB0] =	sst s3  }
0xc: {  	[smem:$0x3FB1] =	sst s4  }
0xd: {  	[smem:$0x3FB2] =	sst s5  }
0xe: {  	[smem:$0x3FB3] =	sst s6  }
0xf: {  	[smem:$0x3FB4] =	sst s7  }
0x10: {  	[smem:$0x3FB5] =	sst s8  }
0x11: {  	[smem:$0x3FB6] =	sst s9;
	s0 =	simm.s32 @!p0 $0x0  }
0x12: {  	s1 =	sld [smem:$0x3F9C];
	s0 =	simm.s32 @p0 $0x1  }
0x13: {  	[smem:$0x3FB7] =	sst s0;
	s0 =	simm.s32 @!p1 $0x0  }
0x14: {  	s2 =	sld [smem:$0x3F9B];
	s0 =	simm.s32 @p1 $0x1  }
0x15: {  	[smem:$0x3FB8] =	sst s0;
	s0 =	simm.s32 @!p2 $0x0  }
0x16: {  	s3 =	sld [smem:$0x3FDB];
	s0 =	simm.s32 @p2 $0x1  }
0x17: {  	s4 =	simm.s32 $0x1BF5;
	[smem:$0x3FBA] =	sst s0  }
0x18: {  	s0 =	sld [smem:$0x3F9D];
	_ =	swait.ge [sflag:s4], $0x0  }
0x19: {  	s7 =	sld [smem:$0x3F9E]  }
0x1a: {  	s8 =	sadd.s32 $0xFFFFE003, lr  }
0x1b: {  	s9 =	sadd.s32 $0xFFFFFEF7, lr;
	s5 =	simm.s32 $0xFFFFFFFF;
	p2 =	slt.u32 s8, $0xFFFFF086  }
0x1c: {  	p1 =	slt.u32 s9, $0xF7A;
	s5 =	simm.s32 @!p2 $0x0  }
0x1d: {  	s5 =	simm.s32 @p1 $0x1;
	p0 =	seq.s32 s7, s2  }
0x1e: {  	s7 =	smul.u32 @!p0 $0xF7A, s2;
	p2 =	seq.s32 @!p0 s5, $0x0  }
0x1f: {  	s9 =	smul.u32 $0xF7A, s1;
	s8 =	simm.s32 @!p0 $0x1BF5;
	p2 =	por !p2, p0  }
0x20: {  	[sflag:s8] =	ssyncset.s32 @!p0 $0xFFFFF086;
	s6 =	sadd.s32 @!p0 s3, s7;
	s7 =	simm.s32 @!p0 $0x108  }
0x21: {  	s3 =	sadd.s32 s3, s9;
	s6 =	sadd.s32 @!p0 $0x88, s6;
	s7 =	simm.s32 @p2 $0x1082  }
0x22: {  	[simem:s7], [sflag:s8] =	dma.local @!p0 [hbm:s6], $0xF7A  }
0x23: {  	s9 =	sor.u32 $0xD0000000, s2;
	s6 =	simm.s32 $0x108;
	_ =	swait.ge @!p0 [sflag:s8], $0x0  }
0x24: {  	s3 =	sadd.s32 $0x88, s3;
	s6 =	simm.s32 @!p1 $0x1082;
	[sflag:s4] =	ssyncset.s32 $0xFFFFF086  }
0x25: {  	[simem:s6], [sflag:s4] =	dma.local [hbm:s3], $0xF7A  }
0x26: {  	[smem:$0x3F9E] =	sst s1;
	(tag) =	ssettag s2;
	_ =	strace s9  }
0x27: {  	s1 =	sld [smem:$0x3FAE]  }
0x28: {  	s2 =	sld [smem:$0x3FAF]  }
0x29: {  	s4 =	sld [smem:$0x3FB1]  }
0x2a: {  	p0 =	seq.s32 s5, $0x0;
	s5 =	sld [smem:$0x3FB2]  }
0x2b: {  	s6 =	sld [smem:$0x3FB3]  }
0x2c: {  	s7 =	sld [smem:$0x3FB4]  }
0x2d: {  	s3 =	simm.s32 $0x108;
	s8 =	sld [smem:$0x3FB5]  }
0x2e: {  	s3 =	simm.s32 @!p0 $0x1082;
	s9 =	sld [smem:$0x3FB6]  }
0x2f: {  	lr =	sadd.s32 s0, s3;
	s0 =	sld [smem:$0x3FAD]  }
0x30: {  	s3 =	sld [smem:$0x3FB0]  }
0x31: {  	[smem:$0x3FB9] =	sst s10  }
0x32: {  	s10 =	sld [smem:$0x3FB7];
	_ =	sdelay $0x3  }
0x33: {  	p0 =	seq.s32 s10, $0x1;
	s10 =	sld [smem:$0x3FB9];
	_ =	sdelay $0x3  }
0x34: {  	[smem:$0x3FB9] =	sst s10  }
0x35: {  	s10 =	sld [smem:$0x3FB8];
	_ =	sdelay $0x3  }
0x36: {  	p1 =	seq.s32 s10, $0x1;
	s10 =	sld [smem:$0x3FB9];
	_ =	sdelay $0x3  }
0x37: {  	[smem:$0x3FB9] =	sst s10  }
0x38: {  	s10 =	sld [smem:$0x3FBA]  }
0x39: {  	_ = 	snop;
	(pc) =	sbr.ind lr, $3  }
0x3a: {  	_ = 	snop  }
0x3b: {  	_ = 	snop  }
0x3c: {  	p2 =	seq.s32 s10, $0x1;
	s10 =	sld [smem:$0x3FB9]  }
0x3d: {  	_ =	shalt  }
0x3e: {  	_ =	shalt  }
0x3f: {  	_ =	shalt  }
0x40: {  	_ =	shalt  }
0x41: {  	_ =	shalt  }
0x42: {  	_ =	shalt  }
0x43: {  	_ =	shalt  }
0x44: {  	_ =	shalt  }
0x45: {  	_ =	shalt  }
0x46: {  	_ =	shalt  }
0x47: {  	_ =	shalt  }
0x48: {  	_ =	shalt  }
0x49: {  	_ =	shalt  }
0x4a: {  	_ =	shalt  }
0x4b: {  	_ =	shalt  }
0x4c: {  	_ =	shalt  }
0x4d: {  	_ =	shalt  }
0x4e: {  	_ =	shalt  }
0x4f: {  	_ =	shalt  }
0x50: {  	_ =	shalt  }
0x51: {  	_ =	shalt  }
0x52: {  	_ =	shalt  }
0x53: {  	_ =	shalt  }
0x54: {  	_ =	shalt  }
0x55: {  	_ =	shalt  }
0x56: {  	_ =	shalt  }
0x57: {  	_ =	shalt  }
0x58: {  	_ =	shalt  }
0x59: {  	_ =	shalt  }
0x5a: {  	_ =	shalt  }
0x5b: {  	_ =	shalt  }
0x5c: {  	_ =	shalt  }
0x5d: {  	_ =	shalt  }
0x5e: {  	_ =	shalt  }
0x5f: {  	_ =	shalt  }
0x60: {  	_ =	shalt  }
0x61: {  	_ =	shalt  }
0x62: {  	_ =	shalt  }
0x63: {  	_ =	shalt  }
0x64: {  	_ =	shalt  }
0x65: {  	_ =	shalt  }
0x66: {  	_ =	shalt  }
0x67: {  	_ =	shalt  }
0x68: {  	_ =	shalt  }
0x69: {  	_ =	shalt  }
0x6a: {  	_ =	shalt  }
0x6b: {  	_ =	shalt  }
0x6c: {  	_ =	shalt  }
0x6d: {  	_ =	shalt  }
0x6e: {  	_ =	shalt  }
0x6f: {  	_ =	shalt  }
0x70: {  	_ =	shalt  }
0x71: {  	_ =	shalt  }
0x72: {  	_ =	shalt  }
0x73: {  	_ =	shalt  }
0x74: {  	_ =	shalt  }
0x75: {  	_ =	shalt  }
0x76: {  	_ =	shalt  }
0x77: {  	_ =	shalt  }
0x78: {  	_ =	shalt  }
0x79: {  	_ =	shalt  }
0x7a: {  	_ =	shalt  }
0x7b: {  	_ =	shalt  }
0x7c: {  	_ =	shalt  }
0x7d: {  	_ =	shalt  }
0x7e: {  	_ =	shalt  }
0x7f: {  	_ =	shalt  }
0x80: {  	_ =	shalt  }
0x81: {  	_ =	shalt  }
0x82: {  	_ =	shalt  }
0x83: {  	_ =	shalt  }
0x84: {  	_ =	shalt  }
0x85: {  	_ =	shalt  }
0x86: {  	_ =	shalt  }
0x87: {  	_ =	shalt  }
.Lfunc_end0:
.L_simem_size_0:
called_computation_lowered:
.L_overlay_start_0:
0x88: {  	s2 =	sld [smem:$0x3FD9]  }
0x89: {  	s3 =	sld [smem:$0x3FFE];
	_ =	sdelay $0x1  }
0x8a: {  	s1 =	srdreg.scid  }
0x8b: {  	s0 =	sand.u32 $0x1, s1  }
0x8c: {  	s18 =	sshll.u32 s0, $0xA;
	s2 =	sadd.s32 s3, s2  }
0x8d: {  	s2 =	sadd.s32 s2, s18  }
0x8e: {  	[smem:$0x3FC5] =	sst s2  }
0x8f: {  	_ = 	snop  }
0x90: {  	s2 =	sld [smem:$0x3FC9]  }
0x91: {  	s19 =	sld [smem:$0x3FC8]  }
0x92: {  	s4 =	sld [smem:$0x3FC7]  }
0x93: {  	s5 =	sld [smem:$0x3FD0];
	(tm) =	ssettm $0x1  }
0x94: {  	s6 =	sld [smem:$0x3FFB];
	_ =	sdelay $0x3  }
0x95: {  	_ =	strace s6  }
0x96: {  	s6 =	sld [smem:$0x3FFC];
	_ =	sdelay $0x3  }
0x97: {  	_ =	strace s6  }
0x98: {  	s6 =	sld [smem:$0x3FFD];
	_ =	sdelay $0x3  }
0x99: {  	_ =	strace s6  }
0x9a: {  	_ =	strace $0x8FFFFFFF  }
0x9b: {  	s20 =	sld [smem:$0x3FDB];
	_ =	sdelay $0x1  }
0x9c: {  	s7 =	simm.s32 $_scs_section_size  }
0x9d: {  	s8 =	simm.s32 $_size__tile_overlayer_lowered;
	s9 =	simm.s32 $_tile_overlayer_lowered  }
0x9e: {  	s23 =	simm.s32 $0x1BFF;
	s22 =	sshll.u32 s9, $0x1;
	s6 =	sadd.s32 s7, s20  }
0x9f: {  	s10 =	simm.s32 $0x0;
	s21 =	sshll.u32 s8, $0x1;
	s8 =	sadd.s32 s22, s6  }
0xa0: {  	[timem:s10], [sflag:s23] =	dma.local [hbm:s8], s21  }
0xa1: {  	_ =	swait.ge [sflag:s23], s21  }
0xa2: {  	s7 =	ssub.s32 $0x0, s21;
	[sflag:s23] =	ssyncset.done $0x0  }
0xa3: {  	[sflag:s23] =	ssyncadd.s32 s7;
	_ =	sdelay $0x1  }
0xa4: {  	s24 =	simm.s32 $0x1B8B  }
0xa5: {  	_ =	swait.ge [sflag:s24], $0x1  }
0xa6: {  	[sflag:s24] =	ssyncset.done $0x0  }
0xa7: {  	s25 =	simm.s32 $0x1B8E;
	[sflag:s24] =	ssyncadd.s32 $0xFFFFFFFF  }
0xa8: {  	s26 =	simm.s32 $execute0_lowered;
	[smem:$0x3FD2] =	sst s25  }
0xa9: {  	s7 =	sshll.u32 s26, $0x1;
	_ =	strace $0x80000046;
	[dreg:$0x1] =	wrdreg $0xFFFFFFFF  }
0xaa: {  	s28 =	simm.s32 $_size_execute0_lowered;
	s6 =	sadd.s32 s6, s7;
	[dreg:$0x0] =	wrdreg $0x0  }
0xab: {  	s7 =	sshll.u32 s28, $0x1;
	[dreg:$0x2] =	wrdreg s6  }
0xac: {  	[dreg:$0x3] =	wrdreg s7  }
0xad: {  	[dreg:$0x4] =	wrdreg $0xC0  }
0xae: {  	_ =	task [dreg:s10], $0x5FFFF  }
0xaf: {  	[dreg:$0x1] =	wrdreg $0xFFFFFFFF  }
0xb0: {  	[dreg:$0x0] =	wrdreg $0x60  }
0xb1: {  	[dreg:$0x2] =	wrdreg s2  }
0xb2: {  	[dreg:$0x3] =	wrdreg s19  }
0xb3: {  	[dreg:$0x4] =	wrdreg s4  }
0xb4: {  	[dreg:$0x5] =	wrdreg s5  }
0xb5: {  	[dreg:$0x6] =	wrdreg $0x9  }
0xb6: {  	_ =	task.clear_ibuf [dreg:s10], $0x7FFFF;
	_ =	strace $0x90000046  }
0xb7: {  	s29 =	simm.s32 $0x9;
	_ =	strace $0x80000048  }
0xb8: {  	_ =	swait.ge [sflag:s29], $0x1  }
0xb9: {  	[sflag:s29] =	ssyncadd.s32 $0xFFFFFFFF  }
0xba: {  	_ =	strace $0x90000048  }
0xbb: {  	_ =	sfence  }
0xbc: {  	s30 =	sld [smem:$0x0];
	_ =	sdelay $0x2  }
0xbd: {  	s31 =	sshll.u32 s1, $0xD;
	s1 =	sshrl.u32 s1, $0x2  }
0xbe: {  	s3 =	sand.u32 $0x4000, s31;
	s1 =	sadd.s32 s1, s30  }
0xbf: {  	s0 =	sor.u32 s3, s0;
	s1 =	sshll.u32 s1, $0x11  }
0xc0: {  	s0 =	sor.u32 s1, s0  }
0xc1: {  	s0 =	sadd.s32 $0x8F2B, s0  }
0xc2: {  	[sflag:s0] =	ssyncadd.remote.s32 $0x1  }
0xc3: {  	_ =	sfence.sel $0xFFFF  }
0xc4: {  	[dreg:$0x0] =	wrdreg $0xFFFFFFFF;
	(pc) =	sbr.abs _section_cstart, $3  }
0xc5: {  	[dreg:$0x1] =	wrdreg $0xFFFFFFFF  }
0xc6: {  	_ =	task.clear_ibuf [dreg:s10], $0x2FFFF;
	_ =	strace $0x9FFFFFFF  }
0xc7: {  	(tm) =	ssettm $0x7FFFFFFF  }
tec
execute0_lowered:
.L_overlay_start_1:
0x0: {  	(tag) =	ssettag $0x1  }
0x1: {  	s3 =	rddreg [dreg:$0x0]  }
0x2: {  	s4 =	rddreg [dreg:$0x2]  }
0x3: {  	s5 =	rddreg [dreg:$0x3];
	s22 =	sadd.s32 $0x100, s4  }
0x4: {  	_ =	strace $0x80000047;
	s23 =	sadd.s32 $0x200, s4;
	[dreg:$0x5] =	wrdreg s22  }
0x5: {  	s24 =	sadd.s32 $0x300, s4;
	[dreg:$0x6] =	wrdreg s23  }
0x6: {  	s25 =	sadd.s32 $0x400, s4;
	[dreg:$0x7] =	wrdreg s24  }
0x7: {  	s26 =	sadd.s32 $0x500, s4;
	[dreg:$0x8] =	wrdreg s25  }
0x8: {  	s29 =	sadd.s32 $0x600, s4;
	[dreg:$0x9] =	wrdreg s26  }
0x9: {  	s30 =	sadd.s32 $0x700, s4;
	[dreg:$0xa] =	wrdreg s29  }
0xa: {  	s31 =	sadd.s32 $0x800, s4;
	[dreg:$0xb] =	wrdreg s30  }
0xb: {  	s7 =	sadd.s32 $0xA00, s4;
	[dreg:$0xc] =	wrdreg s31  }
0xc: {  	s8 =	sadd.s32 $0xB00, s4;
	[dreg:$0xe] =	wrdreg s7  }
0xd: {  	s9 =	sadd.s32 $0xC00, s4;
	[dreg:$0xf] =	wrdreg s8  }
0xe: {  	s10 =	sadd.s32 $0xD00, s4;
	[dreg:$0x10] =	wrdreg s9  }
0xf: {  	s11 =	sadd.s32 $0xE00, s4;
	[dreg:$0x11] =	wrdreg s10  }
0x10: {  	s12 =	sadd.s32 $0xF00, s4;
	[dreg:$0x12] =	wrdreg s11  }
0x11: {  	s13 =	sadd.s32 $0x100, s3;
	[dreg:$0x13] =	wrdreg s12  }
0x12: {  	s14 =	sadd.s32 $0x200, s3;
	[dreg:$0x14] =	wrdreg s13  }
0x13: {  	s0 =	srdreg.scid;
	s15 =	sadd.s32 $0x300, s3;
	[dreg:$0x15] =	wrdreg s14  }
0x14: {  	s6 =	stileid.u32;
	s17 =	sadd.s32 $0x400, s3;
	[dreg:$0x16] =	wrdreg s15  }
0x15: {  	s28 =	simm.s32 $0x5A00;
	s18 =	sadd.s32 $0x500, s3;
	[dreg:$0x18] =	wrdreg s17  }
0x16: {  	s0 =	sand.u32 $0x1, s0;
	s19 =	sadd.s32 $0x600, s3;
	[dreg:$0x19] =	wrdreg s18  }
0x17: {  	s21 =	sshll.u32 s6, $0xA;
	s20 =	sadd.s32 $0x700, s3;
	[dreg:$0x1a] =	wrdreg s19  }
0x18: {  	s1 =	ssub.s32 $0x2, s0;
	s0 =	sshll.u32 s0, $0x9;
	[dreg:$0x1b] =	wrdreg s20  }
0x19: {  	s22 =	sadd.s32 $0x900, s3;
	s23 =	sadd.s32 $0xA00, s3;
	s24 =	sadd.s32 $0xB00, s3  }
0x1a: {  	s25 =	sadd.s32 $0xC00, s3;
	s26 =	sadd.s32 $0xD00, s3;
	s29 =	sadd.s32 $0xE00, s3  }
0x1b: {  	s30 =	sadd.s32 $0xF00, s3;
	s31 =	sadd.s32 $0x100, s5;
	s8 =	sadd.s32 $0x200, s5  }
0x1c: {  	s9 =	sadd.s32 $0x300, s5;
	s10 =	sadd.s32 $0x400, s5;
	[dreg:$0x1d] =	wrdreg s22  }
0x1d: {  	s11 =	sadd.s32 $0x500, s5;
	s12 =	sadd.s32 $0x600, s5;
	[dreg:$0x1e] =	wrdreg s23  }
0x1e: {  	s13 =	sadd.s32 $0x700, s5;
	s14 =	sadd.s32 $0x800, s5;
	[dreg:$0x1f] =	wrdreg s24  }
0x1f: {  	v0 =	vimm.s32 $0xFFEDCBA9;
	s15 =	sadd.s32 $0x900, s5;
	s17 =	sadd.s32 $0xB00, s5;
	[smem:$0x7F9] =	sst s25  }
0x20: {  	v1 =	vimm.s32 $0x87654321;
	s18 =	sadd.s32 $0xC00, s5;
	s19 =	sadd.s32 $0xD00, s5;
	[smem:$0x7FA] =	sst s26  }
0x21: {  	v0 =	vunpack.c.l.s4.s8 v0;
	v1 =	vunpack.c.l.s4.s8 v1;
	s20 =	sadd.s32 $0xE00, s5;
	s2 =	sshrl.u32 s1, $0x1;
	[smem:$0x7FB] =	sst s29  }
0x22: {  	s6 =	sor.u32 s0, s21;
	s21 =	sadd.s32 $0x800, s3;
	[smem:$0x7FC] =	sst s30  }
.Ltmp0:
0x23: {  	[smem:$0x7FD] =	sst s31;
	s22 =	simm.s32 $0x0;
	v0 =	vunpack.c.0.s8.s32 v0;
	v1 =	vunpack.c.0.s8.s32 v1;
	(pc) =	sbr.rel .LBB2_1-.Ltmp0, $4  }
0x24: {  	v2 =	vimm.s32 $0xFFFFFFFF;
	vm0 =	vcmask $0x3F3C;
	v4 =	vimm.s32 $0x0;
	s23 =	simm.s32 $0x1000;
	s24 =	simm.s32 $0x1200;
	s26 =	simm.s32 $0x3600  }
0x25: {  	vm1 =	vmmov $0xffff;
	s1 =	ssub.s32 s1, s2;
	s2 =	sadd.s32 $0x900, s4;
	[dreg:$0x1c] =	wrdreg s21;
	v3 =	vcombine.low v1, v0;
	v1 =	vlaneseq.u32  }
0x26: {  	s21 =	sadd.s32 $0xF00, s5;
	[dreg:$0xd] =	wrdreg s2;
	s16 =	smax.u32 s1, $0x1;
	v0 =	vmov s6;
	v5 =	vor.u32 $0x80000000, v1;
	v7 =	vshrl.u32 v1, $0x3  }
0x27: {  	s2 =	simm.s32 $0x0;
	[dreg:$0x17] =	wrdreg s16;
	s16 =	sadd.s32 $0xA00, s5;
	v6 =	vand.u32 $0x7, v1;
	v3 =	vand.u32 $0xF, v3;
	v7 =	vmul.u32 $0x8, v7  }
.LBB2_20:
0x28: {  	s1 =	simm.s32 $0x2  }
0x29: {  	_ =	swait.ge [sflag:s1], $0x8000  }
0x2a: {  	s3 =	sld [smem:$0x7F3];
	_ =	sdelay $0x2  }
0x2b: {  	p0 =	sgt.s32 s3, $0x0  }
0x2c: {  	[sflag:s1] =	ssyncset.done $0x0;
	s0 =	sshll.u32 @!p0 s0, $0x9  }
0x2d: {  	[sflag:s1] =	ssyncadd.s32 $0xFFFF8000;
	s0 =	sshra.s32 @!p0 s0, $0x2  }
0x2e: {  	v8 =	vld.msk @!p0 [tilespmem:s0+$0x5A00], $0xff;
	_ =	sdelay $0x1  }
0x2f: {  	s0 =	ssub.s32 @p0 s0, s30  }
0x30: {  	s0 =	sshll.u32 @p0 s0, $0x9  }
0x31: {  	s0 =	sshra.s32 @p0 s0, $0x2  }
0x32: {  	v8 =	vld.msk @p0 [tilespmem:s0+$0x3600], $0xff;
	_ =	sdelay $0x4  }
0x33: {  	v9 =	vshll.u32 v8, $0x5  }
0x34: {  	v8 =	vand.u32 $0x7, v8;
	v9 =	vand.u32 $0xFFFFFF00, v9  }
0x35: {  	v8 =	vor.u32 v8, v9  }
0x36: {  	v8 =	vperm.xlane v8, v6;
	_ =	sdelay $0x1  }
0x37: {  	v8 =	vadd.s32 v7, v8;
	_ =	sdelay $0x2  }
0x38: {  	s1 =	sld [smem:$0x7FD]  }
0x39: {  	s31 =	simm.s32 $0xFE00;
	s30 =	rddreg [dreg:$0x3]  }
0x3a: {  	[hbm4b:s30+s22] =	stream.indirect_vreg.scatter [tilespmem:s31], [sflag:$0x5], $0x80, v8, vm1, $0xb8;
	[tilespmem:$0x1FE00] =	vst v63  }
0x3b: {  	s3 =	simm.s32 $0x10600  }
0x3c: {  	[hbm4b:s1+s22] =	stream.indirect_vreg.scatter [tilespmem:s3], [sflag:$0x5], $0x80, v8, vm1, $0xb8;
	[tilespmem:$0x1FE00] =	vst v63  }
0x3d: {  	s4 =	simm.s32 $0x10E00  }
0x3e: {  	[hbm4b:s8+s22] =	stream.indirect_vreg.scatter [tilespmem:s4], [sflag:$0x5], $0x80, v8, vm1, $0xb8;
	[tilespmem:$0x1FE00] =	vst v63  }
0x3f: {  	s5 =	simm.s32 $0x11600  }
0x40: {  	[hbm4b:s9+s22] =	stream.indirect_vreg.scatter [tilespmem:s5], [sflag:$0x5], $0x80, v8, vm1, $0xb8;
	[tilespmem:$0x1FE00] =	vst v63  }
0x41: {  	s7 =	simm.s32 $0x11E00  }
0x42: {  	[hbm4b:s10+s22] =	stream.indirect_vreg.scatter [tilespmem:s7], [sflag:$0x5], $0x80, v8, vm1, $0xb8;
	[tilespmem:$0x1FE00] =	vst v63  }
0x43: {  	s25 =	simm.s32 $0x12600  }
0x44: {  	[hbm4b:s11+s22] =	stream.indirect_vreg.scatter [tilespmem:s25], [sflag:$0x5], $0x80, v8, vm1, $0xb8;
	[tilespmem:$0x1FE00] =	vst v63  }
0x45: {  	s30 =	simm.s32 $0x12E00  }
0x46: {  	[hbm4b:s12+s22] =	stream.indirect_vreg.scatter [tilespmem:s30], [sflag:$0x5], $0x80, v8, vm1, $0xb8;
	[tilespmem:$0x1FE00] =	vst v63  }
0x47: {  	s31 =	simm.s32 $0x13600  }
0x48: {  	[hbm4b:s13+s22] =	stream.indirect_vreg.scatter [tilespmem:s31], [sflag:$0x5], $0x80, v8, vm1, $0xb8;
	[tilespmem:$0x1FE00] =	vst v63  }
0x49: {  	s1 =	simm.s32 $0x13E00  }
0x4a: {  	[hbm4b:s14+s22] =	stream.indirect_vreg.scatter [tilespmem:s1], [sflag:$0x5], $0x80, v8, vm1, $0xb8;
	[tilespmem:$0x1FE00] =	vst v63  }
0x4b: {  	s3 =	simm.s32 $0x14600  }
0x4c: {  	[hbm4b:s15+s22] =	stream.indirect_vreg.scatter [tilespmem:s3], [sflag:$0x5], $0x80, v8, vm1, $0xb8;
	[tilespmem:$0x1FE00] =	vst v63  }
0x4d: {  	s4 =	simm.s32 $0x14E00  }
0x4e: {  	[hbm4b:s16+s22] =	stream.indirect_vreg.scatter [tilespmem:s4], [sflag:$0x5], $0x80, v8, vm1, $0xb8;
	[tilespmem:$0x1FE00] =	vst v63  }
0x4f: {  	s5 =	simm.s32 $0x15600  }
0x50: {  	[hbm4b:s17+s22] =	stream.indirect_vreg.scatter [tilespmem:s5], [sflag:$0x5], $0x80, v8, vm1, $0xb8;
	[tilespmem:$0x1FE00] =	vst v63  }
0x51: {  	s7 =	simm.s32 $0x15E00  }
0x52: {  	[hbm4b:s18+s22] =	stream.indirect_vreg.scatter [tilespmem:s7], [sflag:$0x5], $0x80, v8, vm1, $0xb8;
	[tilespmem:$0x1FE00] =	vst v63  }
0x53: {  	s25 =	simm.s32 $0x16600  }
0x54: {  	[hbm4b:s19+s22] =	stream.indirect_vreg.scatter [tilespmem:s25], [sflag:$0x5], $0x80, v8, vm1, $0xb8;
	[tilespmem:$0x1FE00] =	vst v63  }
0x55: {  	s30 =	simm.s32 $0x16E00  }
0x56: {  	[hbm4b:s20+s22] =	stream.indirect_vreg.scatter [tilespmem:s30], [sflag:$0x5], $0x80, v8, vm1, $0xb8;
	[tilespmem:$0x1FE00] =	vst v63  }
0x57: {  	s31 =	simm.s32 $0x17600  }
0x58: {  	[hbm4b:s21+s22] =	stream.indirect_vreg.scatter [tilespmem:s31], [sflag:$0x5], $0x80, v8, vm1, $0xb8;
	[tilespmem:$0x1FE00] =	vst v63  }
.LBB2_22:
0x59: {  	p0 =	slt.s32 s29, $0x1  }
0x5a: {  	s0 =	simm.s32 @!p0 $0x4  }
0x5b: {  	p1 =	seq.s32 @!p0 s29, $0x1;
	_ =	swait.ge @!p0 [sflag:s0], $0x8000  }
0x5c: {  	p2 =	por p1, p0;
	[sflag:s0] =	ssyncset.done @!p0 $0x0  }
0x5d: {  	p3 =	slt.u32 @!p2 s29, $0x3;
	[sflag:s0] =	ssyncadd.s32 @!p0 $0xFFFF8000;
	s0 =	simm.s32 @!p2 $0x5  }
0x5e: {  	p1 =	por @!p0 p3, p1;
	_ =	swait.ge @!p2 [sflag:s0], $0x8000  }
0x5f: {  	p0 =	por p1, p0;
	[sflag:s0] =	ssyncset.done @!p2 $0x0  }
0x60: {  	[sflag:s0] =	ssyncadd.s32 @!p2 $0xFFFF8000;
	s0 =	simm.s32 @!p0 $0x6  }
0x61: {  	_ =	swait.ge @!p0 [sflag:s0], $0x8000  }
0x62: {  	s2 =	sadd.s32 $0x1, s2;
	s1 =	rddreg [dreg:$0x17]  }
0x63: {  	p1 =	sne.s32 s2, s1  }
.Ltmp1:
0x64: {  	_ = 	snop;
	(pc) =	sbr.rel @!p1 .LBB2_23-.Ltmp1, $3  }
0x65: {  	_ =	sdelay $0x1  }
0x66: {  	[sflag:s0] =	ssyncset.done @!p0 $0x0  }
0x67: {  	[sflag:s0] =	ssyncadd.s32 @!p0 $0xFFFF8000  }
.LBB2_1:
0x68: {  	[smem:$0x7F8] =	sst s2  }
0x69: {  	s0 =	rddreg [dreg:$0x1];
	s31 =	simm.s32 $0x7  }
0x6a: {  	[tilespmem:s22], [sflag:$0x7] =	stream.linear.gather [hbm4b:s0+s22], $0x1000, $0x38;
	[tilespmem:$0x1FE00] =	vst v63  }
0x6b: {  	_ =	swait.ge [sflag:s31], $0x1000  }
0x6c: {  	[sflag:s31] =	ssyncset.done $0x0  }
0x6d: {  	s0 =	simm.s32 $0x0;
	[sflag:s31] =	ssyncadd.s32 $0xFFFFF000  }
.LBB2_2:
0x6e: {  	v8 =	vor.u32 s0, v1;
	p0 =	sne.s32 s0, $0x1F0  }
.Ltmp2:
0x6f: {  	_ = 	snop;
	(pc) =	sbr.rel @p0 .LBB2_2-.Ltmp2, $2  }
0x70: {  	_ =	sdelay $0x2  }
0x71: {  	s0 =	sadd.s32 $0x10, s0;
	[tilespmem:v8+s23+$0x0] =	vst.idx.msk $0xffff, v2  }
0x72: {  	s2 =	simm.s32 $0xFFFFFFFC;
	s3 =	simm.s32 $0x30  }
.LBB2_4:
0x73: {  	s0 =	sadd.s32 $0xFFFFFFD0, s3  }
0x74: {  	v8 =	vor.u32 s0, v1;
	_ =	sdelay $0x3  }
0x75: {  	s1 =	simm.s32 $0x0  }
0x76: {  	v8 =	vld.idx.msk [tilespmem:v8+s1+$0x0], $0xffff;
	_ =	sdelay $0x4  }
0x77: {  	v8 =	vshll.u32 v8, $0x4  }
0x78: {  	v8 =	vor.u32 v1, v8  }
0x79: {  	(xrf1) =	vsort.ascd.msk.u32 $0xffff, v8, v8;
	_ =	sdelay $0xd  }
0x7a: {  	v8, _, _ =	vpop (xrf1)  }
0x7b: {  	v9 =	vperm.xlane v8, v3;
	_ =	sdelay $0x1  }
0x7c: {  	v10 =	vshra.s32 v8, $0x4;
	v9 =	vshra.s32 v9, $0x4  }
0x7d: {  	v47 =	vsub.s32 v10, v0;
	vm2 =	vne.s32 v10, v9  }
0x7e: {  	vm3 =	vlt.u32 v47, $0x200;
	vm2 =	vmor vm2, vm0  }
0x7f: {  	vm2 =	vmand vm2, vm3  }
0x80: {  	s4 =	sadd.s32 $0xFFFFFFE0, s3;
	v48 =	vand.u32 $0x1FF, v10  }
0x81: {  	v49 =	vor.u32 s4, v1;
	_ =	sdelay $0x1  }
0x82: {  	v8 =	vand.u32 $0xF, v8  }
0x83: {  	v8 =	vor.u32 s0, v8  }
0x84: {  	[tilespmem:v48+s23+$0x0] =	vst.idx.msk vm2, v8  }
0x85: {  	v8 =	vld.idx.msk [tilespmem:v49+s1+$0x0], $0xffff;
	_ =	sdelay $0x4  }
0x86: {  	v8 =	vshll.u32 v8, $0x4  }
0x87: {  	v8 =	vor.u32 v1, v8  }
0x88: {  	(xrf1) =	vsort.ascd.msk.u32 $0xffff, v8, v8;
	_ =	sdelay $0xd  }
0x89: {  	v8, _, _ =	vpop (xrf1)  }
0x8a: {  	v50 =	vperm.xlane v8, v3;
	_ =	sdelay $0x1  }
0x8b: {  	v51 =	vshra.s32 v8, $0x4;
	v9 =	vshra.s32 v50, $0x4  }
0x8c: {  	v52 =	vsub.s32 v51, v0;
	vm2 =	vne.s32 v51, v9  }
0x8d: {  	vm3 =	vlt.u32 v52, $0x200;
	vm2 =	vmor vm2, vm0  }
0x8e: {  	vm2 =	vmand vm2, vm3  }
0x8f: {  	s31 =	sadd.s32 $0xFFFFFFF0, s3;
	v53 =	vand.u32 $0x1FF, v51  }
0x90: {  	v54 =	vor.u32 s31, v1;
	_ =	sdelay $0x1  }
0x91: {  	v8 =	vand.u32 $0xF, v8  }
0x92: {  	v8 =	vor.u32 s4, v8  }
0x93: {  	[tilespmem:v53+s23+$0x0] =	vst.idx.msk vm2, v8  }
0x94: {  	v8 =	vld.idx.msk [tilespmem:v54+s1+$0x0], $0xffff;
	_ =	sdelay $0x4  }
0x95: {  	v8 =	vshll.u32 v8, $0x4  }
0x96: {  	v8 =	vor.u32 v1, v8  }
0x97: {  	(xrf1) =	vsort.ascd.msk.u32 $0xffff, v8, v8;
	_ =	sdelay $0xd  }
0x98: {  	v8, _, _ =	vpop (xrf1)  }
0x99: {  	v55 =	vperm.xlane v8, v3;
	_ =	sdelay $0x1  }
0x9a: {  	v56 =	vshra.s32 v8, $0x4;
	v9 =	vshra.s32 v55, $0x4  }
0x9b: {  	v57 =	vsub.s32 v56, v0;
	vm2 =	vne.s32 v56, v9  }
0x9c: {  	vm3 =	vlt.u32 v57, $0x200;
	vm2 =	vmor vm2, vm0  }
0x9d: {  	vm2 =	vmand vm2, vm3  }
0x9e: {  	v58 =	vand.u32 $0x1FF, v56  }
0x9f: {  	v59 =	vor.u32 s3, v1;
	_ =	sdelay $0x1  }
0xa0: {  	v8 =	vand.u32 $0xF, v8  }
0xa1: {  	v8 =	vor.u32 s31, v8  }
0xa2: {  	[tilespmem:v58+s23+$0x0] =	vst.idx.msk vm2, v8  }
0xa3: {  	v8 =	vld.idx.msk [tilespmem:v59+s1+$0x0], $0xffff;
	_ =	sdelay $0x4  }
0xa4: {  	v8 =	vshll.u32 v8, $0x4  }
0xa5: {  	v8 =	vor.u32 v1, v8  }
0xa6: {  	(xrf1) =	vsort.ascd.msk.u32 $0xffff, v8, v8;
	_ =	sdelay $0xd  }
0xa7: {  	v8, _, _ =	vpop (xrf1)  }
0xa8: {  	v60 =	vperm.xlane v8, v3;
	_ =	sdelay $0x1  }
0xa9: {  	v61 =	vshra.s32 v8, $0x4;
	v9 =	vshra.s32 v60, $0x4  }
0xaa: {  	v62 =	vsub.s32 v61, v0;
	vm2 =	vne.s32 v61, v9  }
0xab: {  	vm3 =	vlt.u32 v62, $0x200;
	vm2 =	vmor vm2, vm0  }
0xac: {  	s2 =	sadd.s32 $0x4, s2;
	vm2 =	vmand vm2, vm3  }
0xad: {  	p0 =	slt.u32 s2, $0xFC;
	v63 =	vand.u32 $0x1FF, v61  }
.Ltmp3:
0xae: {  	_ = 	snop;
	(pc) =	sbr.rel @p0 .LBB2_4-.Ltmp3, $4  }
0xaf: {  	_ = 	snop  }
0xb0: {  	v8 =	vand.u32 $0xF, v8  }
0xb1: {  	v8 =	vor.u32 s3, v8  }
0xb2: {  	s0 =	simm.s32 $0xFFFFFFFF;
	s3 =	sadd.s32 $0x40, s3;
	[tilespmem:v63+s23+$0x0] =	vst.idx.msk vm2, v8  }
0xb3: {  	v8 =	vor.u32 s1, v1;
	_ =	sdelay $0x4  }
0xb4: {  	v8 =	vld.idx.msk [tilespmem:v8+s23+$0x0], $0xffff;
	_ =	sdelay $0x3  }
0xb5: {  	s2 =	sadd.s32 $0x0, s6  }
0xb6: {  	v9 =	vor.u32 s2, v1;
	vm2 =	vgt.s32 v8, $0xFFFFFFFF  }
0xb7: {  	v10 =	vshll.u32 v9, $0xC;
	v12 =	vsel vm2, $0x1, v4  }
0xb8: {  	v11 =	vor.u32 s2, v5;
	v10 =	vor.u32 v10, v8;
	(xrf0) =	vadd.scan.msk.s32 $0xffff, v12  }
0xb9: {  	v10 =	vxor.u32 $0x80000000, v10;
	v11 =	vsel vm2, $0x7FFFFFFF, v11  }
0xba: {  	vm3 =	vle.s32 v8, $0xFFFFFFFF;
	v10 =	vnsel vm2, $0x7FFFFFFF, v10;
	(xrf0) =	vmax.scan.msk.u32 $0xffff, v11  }
0xbb: {  	v11 =	vsel vm3, $0x1, v4;
	(xrf0) =	vmax.scan.msk.u32 $0xffff, v10  }
0xbc: {  	(xrf0) =	vadd.scan.msk.s32 $0xffff, v11;
	_ =	sdelay $0x1  }
0xbd: {  	v10, _, _ =	vpop (xrf0)  }
0xbe: {  	v13 =	vadd.s32 s1, v10  }
0xbf: {  	v14, _, _ =	vpop (xrf0);
	v10 =	vxor.u32 $0x80000000, v10;
	v15 =	vsub.s32 v13, v12  }
0xc0: {  	v16, _, _ =	vpop (xrf0);
	vm4 =	vne.s32 v13, v12;
	(v2sf) =	vpush v14, $0xF;
	(xrf0) =	vmax.scan.msk.u32 $0xffff, v10;
	v12 =	vshra.s32 v15, $0x1F  }
0xc1: {  	v10 =	vsel vm4, $0x1, v4;
	v13, _, _ =	vpop (xrf0);
	v17 =	vshrl.u32 v12, $0x1D  }
0xc2: {  	v10 =	vor.u32 v10, v12;
	v14 =	vadd.s32 s1, v13;
	v17 =	vadd.s32 v17, v15  }
0xc3: {  	vm4 =	vne.s32 v10, $0x1;
	v13 =	vxor.u32 $0x80000000, v13;
	v12 =	vsub.s32 v14, v11  }
0xc4: {  	v10 =	vshra.s32 v17, $0x3;
	vm5 =	vne.s32 v14, v11;
	v61 =	vshra.s32 v12, $0x1F  }
0xc5: {  	v11 =	vshll.u32 v10, $0x3;
	v18 =	vsel vm5, $0x1, v4;
	v14 =	vshrl.u32 v61, $0x1D  }
0xc6: {  	vm5 =	vne.s32 v15, v11;
	v63, _, _ =	vpop (xrf0);
	v11 =	vadd.s32 v14, v12;
	v14 =	vor.u32 v18, v61  }
0xc7: {  	vm4 =	vmand vm5, vm4;
	(v2sf) =	vpush v63, $0xF;
	v62 =	vand.u32 $0xFFFFFFF8, v11  }
0xc8: {  	v19 =	vsel vm4, $0xFFFFFFFF, v4;
	vm4 =	vne.s32 v14, $0x1;
	vm5 =	vne.s32 v12, v62  }
0xc9: {  	v14 =	vand.u32 $0x7, v15;
	v10 =	vadd.s32 v19, v10;
	vm4 =	vmand vm5, vm4  }
0xca: {  	(xrf0) =	vmax.scan.msk.u32 $0xffff, v13;
	v11 =	vshrl.u32 v11, $0x3;
	v10 =	vshll.u32 v10, $0x7;
	v15 =	vsel vm4, $0xFFFFFFFF, v4  }
0xcb: {  	(v2sf) =	vpush v16, $0xF;
	v10 =	vor.u32 v14, v10;
	v11 =	vadd.s32 v15, v11  }
0xcc: {  	s4 =	simm.s32 $0x10;
	v12 =	vand.u32 $0x7, v12;
	v11 =	vshll.u32 v11, $0x7  }
0xcd: {  	s5 =	simm.s32 $0x20;
	s3 =	simm.s32 $0x0;
	s2 =	simm.s32 $0xFFFFFFFF;
	v12 =	vor.u32 v12, v11;
	v11 =	vor.u32 s4, v1  }
.LBB2_6:
0xce: {  	s25 =	smov.u32 s2;
	s2 =	smov.u32 s0  }
0xcf: {  	p0 =	sne.s32 s5, $0x1F0;
	s0 =	spop (v2sf)  }
0xd0: {  	[tilespmem:v10+s24+$0x0] =	vst.idx.msk vm2, v8;
	s0 =	sxor.u32 $0x80000000, s0;
	v8, _, _ =	vpop (xrf0)  }
0xd1: {  	[tilespmem:v10+s26+$0x0] =	vst.idx.msk vm2, v9;
	p1 =	sgt.s32 s2, s0;
	(v2sf) =	vpush v8, $0xF  }
0xd2: {  	[tilespmem:v12+s28+$0x0] =	vst.idx.msk vm3, v9;
	s0 =	smov.u32 @p1 s2  }
0xd3: {  	v8 =	vld.idx.msk [tilespmem:v11+s23+$0x0], $0xffff;
	_ =	sdelay $0x2  }
0xd4: {  	s2 =	sadd.s32 s4, s6;
	s4 =	smov.u32 s5;
	s29 =	spop (v2sf)  }
0xd5: {  	v9 =	vor.u32 s2, v1;
	s1 =	sadd.s32 s29, s1  }
0xd6: {  	v11 =	vor.u32 s2, v5;
	v10 =	vshll.u32 v9, $0xC;
	s1 =	sadd.s32 $0x80000000, s1  }
0xd7: {  	vm3 =	vle.s32 v8, $0xFFFFFFFF;
	vm2 =	vgt.s32 v8, $0xFFFFFFFF;
	v10 =	vor.u32 v10, v8  }
0xd8: {  	v12 =	vsel vm2, $0x1, v4;
	v10 =	vxor.u32 $0x80000000, v10;
	v11 =	vsel vm2, $0x7FFFFFFF, v11;
	s2 =	spop (v2sf)  }
0xd9: {  	v10 =	vnsel vm2, $0x7FFFFFFF, v10;
	(xrf0) =	vadd.scan.msk.s32 $0xffff, v12;
	s2 =	sxor.u32 $0x80000000, s2  }
0xda: {  	(xrf0) =	vmax.scan.msk.u32 $0xffff, v11;
	p1 =	sgt.s32 s25, s2  }
0xdb: {  	v11 =	vsel vm3, $0x1, v4;
	(xrf0) =	vmax.scan.msk.u32 $0xffff, v10;
	s2 =	smov.u32 @p1 s25  }
0xdc: {  	(xrf0) =	vadd.scan.msk.s32 $0xffff, v11;
	_ =	sdelay $0x1  }
0xdd: {  	s25 =	spop (v2sf)  }
0xde: {  	v10, _, _ =	vpop (xrf0);
	s3 =	sadd.s32 s25, s3  }
0xdf: {  	v13 =	vadd.s32 s1, v10;
	v10 =	vxor.u32 $0x80000000, v10;
	v14, _, _ =	vpop (xrf0);
	s3 =	sadd.s32 $0x80000000, s3  }
0xe0: {  	v15 =	vsub.s32 v13, v12;
	vm4 =	vne.s32 v13, v12;
	v12, _, _ =	vpop (xrf0);
	(v2sf) =	vpush v14, $0xF;
	(xrf0) =	vmax.scan.msk.u32 $0xffff, v10  }
0xe1: {  	v10 =	vshra.s32 v15, $0x1F;
	v13 =	vsel vm4, $0x1, v4;
	v14 =	vand.u32 $0x7, v15;
	v16, _, _ =	vpop (xrf0)  }
0xe2: {  	v17 =	vadd.s32 s3, v16;
	v18 =	vshrl.u32 v10, $0x1D;
	v10 =	vor.u32 v13, v10  }
0xe3: {  	v13 =	vsub.s32 v17, v11;
	v18 =	vadd.s32 v18, v15;
	vm4 =	vne.s32 v10, $0x1  }
0xe4: {  	vm5 =	vne.s32 v17, v11;
	v10 =	vshra.s32 v18, $0x3;
	v18 =	vshra.s32 v13, $0x1F  }
0xe5: {  	v19 =	vsel vm5, $0x1, v4;
	v11 =	vshll.u32 v10, $0x3;
	v20 =	vshrl.u32 v18, $0x1D  }
0xe6: {  	vm5 =	vne.s32 v15, v11;
	v11 =	vadd.s32 v20, v13;
	v15 =	vor.u32 v19, v18;
	v17, _, _ =	vpop (xrf0)  }
0xe7: {  	vm4 =	vmand vm5, vm4;
	v18 =	vand.u32 $0xFFFFFFF8, v11;
	(v2sf) =	vpush v17, $0xF  }
0xe8: {  	v17 =	vsel vm4, $0xFFFFFFFF, v4;
	vm4 =	vne.s32 v15, $0x1;
	vm5 =	vne.s32 v13, v18  }
0xe9: {  	v15 =	vxor.u32 $0x80000000, v16;
	v10 =	vadd.s32 v17, v10;
	vm4 =	vmand vm5, vm4  }
.Ltmp4:
0xea: {  	v11 =	vshrl.u32 v11, $0x3;
	v10 =	vshll.u32 v10, $0x7;
	v16 =	vsel vm4, $0xFFFFFFFF, v4;
	(xrf0) =	vmax.scan.msk.u32 $0xffff, v15;
	(pc) =	sbr.rel @p0 .LBB2_6-.Ltmp4, $4  }
0xeb: {  	v10 =	vor.u32 v14, v10;
	v11 =	vadd.s32 v16, v11;
	(v2sf) =	vpush v12, $0xF  }
0xec: {  	v12 =	vand.u32 $0x7, v13;
	v11 =	vshll.u32 v11, $0x7  }
0xed: {  	v12 =	vor.u32 v12, v11  }
0xee: {  	s5 =	sadd.s32 $0x10, s5;
	v11 =	vor.u32 s4, v1  }
0xef: {  	_ =	sdelay $0x4  }
0xf0: {  	[tilespmem:v10+s24+$0x0] =	vst.idx.msk vm2, v8  }
0xf1: {  	[tilespmem:v10+s26+$0x0] =	vst.idx.msk vm2, v9  }
0xf2: {  	[tilespmem:v12+s28+$0x0] =	vst.idx.msk vm3, v9  }
0xf3: {  	v9 =	vld.idx.msk [tilespmem:v11+s23+$0x0], $0xffff;
	_ =	sdelay $0x2  }
0xf4: {  	s4 =	sadd.s32 s4, s6  }
0xf5: {  	v8 =	vor.u32 s4, v1  }
0xf6: {  	v26 =	vshll.u32 v8, $0xC;
	vm2 =	vgt.s32 v9, $0xFFFFFFFF  }
0xf7: {  	v27 =	vor.u32 s4, v5;
	v10 =	vor.u32 v26, v9;
	v28 =	vsel vm2, $0x1, v4  }
0xf8: {  	v10 =	vxor.u32 $0x80000000, v10;
	v11 =	vsel vm2, $0x7FFFFFFF, v27;
	(xrf0) =	vadd.scan.msk.s32 $0xffff, v28  }
0xf9: {  	vm3 =	vle.s32 v9, $0xFFFFFFFF;
	v10 =	vnsel vm2, $0x7FFFFFFF, v10;
	(xrf0) =	vmax.scan.msk.u32 $0xffff, v11  }
0xfa: {  	v29 =	vsel vm3, $0x1, v4;
	(xrf0) =	vmax.scan.msk.u32 $0xffff, v10  }
0xfb: {  	(xrf0) =	vadd.scan.msk.s32 $0xffff, v29;
	_ =	sdelay $0x1  }
0xfc: {  	v30, _, _ =	vpop (xrf0)  }
0xfd: {  	v13, _, _ =	vpop (xrf0)  }
0xfe: {  	v14, _, _ =	vpop (xrf0)  }
0xff: {  	v15 =	vxor.u32 $0x80000000, v13;
	v16, _, _ =	vpop (xrf0)  }
0x100: {  	(xrf0) =	vmax.scan.msk.u32 $0xffff, v15;
	v31, _, _ =	vpop (xrf0)  }
0x101: {  	v17 =	vxor.u32 $0x80000000, v31  }
0x102: {  	(xrf0) =	vmax.scan.msk.u32 $0xffff, v17;
	_ =	sdelay $0x2  }
0x103: {  	(v2sf) =	vpush v30, $0xF  }
0x104: {  	(v2sf) =	vpush v14, $0xF;
	v32, _, _ =	vpop (xrf0)  }
0x105: {  	(v2sf) =	vpush v32, $0xF  }
0x106: {  	(v2sf) =	vpush v16, $0xF;
	v33, _, _ =	vpop (xrf0)  }
0x107: {  	(v2sf) =	vpush v33, $0xF;
	_ =	sdelay $0x7  }
0x108: {  	s5 =	spop (v2sf)  }
0x109: {  	s4 =	spop (v2sf)  }
0x10a: {  	[smem:$0x7F4] =	sst s5;
	s5 =	spop (v2sf)  }
0x10b: {  	s29 =	spop (v2sf)  }
0x10c: {  	s7 =	spop (v2sf)  }
0x10d: {  	s30 =	spop (v2sf)  }
0x10e: {  	s3 =	sadd.s32 s29, s3;
	s25 =	spop (v2sf)  }
0x10f: {  	[smem:$0x7F5] =	sst s5;
	s29 =	sadd.s32 $0x80000000, s3;
	s5 =	spop (v2sf)  }
0x110: {  	s3 =	sadd.s32 s5, s29  }
0x111: {  	s1 =	sadd.s32 s4, s1;
	s4 =	sadd.s32 $0x80000000, s3  }
0x112: {  	s3 =	ssub.s32 $0x0, s4  }
0x113: {  	s1 =	sadd.s32 $0x80000000, s1;
	s31 =	sand.u32 $0x7, s3  }
0x114: {  	v34 =	vadd.s32 s1, v13;
	[smem:$0x7F6] =	sst s7;
	s1 =	sadd.s32 s30, s1;
	s5 =	sadd.s32 s4, s31  }
0x115: {  	[smem:$0x7F7] =	sst s25;
	s3 =	sadd.s32 $0x80000000, s1;
	s7 =	sshra.s32 s5, $0x1F  }
0x116: {  	s25 =	sand.u32 $0x7, s5;
	s30 =	sshrl.u32 s7, $0x1D;
	s7 =	ssub.s32 $0x0, s3  }
0x117: {  	v13 =	vsub.s32 v34, v28;
	p0 =	slt.s32 s5, $0x1;
	p1 =	sne.s32 s25, $0x0;
	s1 =	sand.u32 $0x7, s7  }
0x118: {  	vm4 =	vne.s32 v34, v28;
	v35 =	vshra.s32 v13, $0x1F;
	s5 =	sadd.s32 s30, s5;
	p0 =	por !p0, !p1;
	s7 =	sadd.s32 s3, s1  }
0x119: {  	v12 =	vsel vm4, $0x1, v4;
	v37 =	vshrl.u32 v35, $0x1D;
	v15 =	vadd.s32 s29, v31;
	s25 =	sshra.s32 s5, $0x3;
	p0 =	por !p0, !p0;
	s29 =	sand.u32 $0x7, s7  }
0x11a: {  	v10 =	vor.u32 v12, v35;
	v38 =	vadd.s32 v37, v13;
	v39 =	vsub.s32 v15, v29;
	s30 =	sshra.s32 s7, $0x1F;
	p4 =	slt.s32 s7, $0x1;
	p2 =	sne.s32 s29, $0x0  }
0x11b: {  	vm14 =	vne.s32 v10, $0x1;
	vm5 =	vne.s32 v15, v29;
	v41 =	vshra.s32 v39, $0x1F;
	s5 =	simm.s32 $0x1;
	s30 =	sshrl.u32 s30, $0x1D;
	p1 =	por !p4, !p2  }
0x11c: {  	v40 =	vshra.s32 v38, $0x3;
	v44 =	vsel vm5, $0x1, v4;
	v43 =	vshrl.u32 v41, $0x1D;
	s29 =	simm.s32 $0x1;
	s7 =	sadd.s32 s30, s7;
	p1 =	por !p1, !p1  }
0x11d: {  	v42 =	vshll.u32 v40, $0x3;
	v12 =	vor.u32 v44, v41;
	v45 =	vadd.s32 v43, v39;
	s29 =	simm.s32 @!p0 $0x0;
	s7 =	sshra.s32 s7, $0x3;
	s5 =	simm.s32 @!p1 $0x0  }
0x11e: {  	vm15 =	vne.s32 v13, v42;
	v46 =	vand.u32 $0xFFFFFFF8, v45;
	v48 =	vadd.s32 s4, v1;
	s30 =	ssub.s32 s25, s29;
	s4 =	ssub.s32 s7, s5  }
0x11f: {  	vm8 =	vne.s32 v12, $0x1;
	vm4 =	vmand vm15, vm14;
	vm9 =	vne.s32 v39, v46;
	s29 =	sadd.s32 s4, s30  }
0x120: {  	v36 =	vand.u32 $0x7, v13;
	v47 =	vsel vm4, $0xFFFFFFFF, v4;
	vm4 =	vmand vm9, vm8;
	[smem:$0x7F3] =	sst s4;
	s4 =	sadd.s32 $0x2, s29  }
0x121: {  	v11 =	vshrl.u32 v45, $0x3;
	v10 =	vadd.s32 v47, v40;
	v50 =	vsel vm4, $0xFFFFFFFF, v4;
	s7 =	sld [smem:$0x7F4];
	s5 =	smulhi.u32 $0x55555556, s4;
	s4 =	sshra.s32 s4, $0x1F  }
0x122: {  	v51 =	vand.u32 $0x7, v39;
	v10 =	vshll.u32 v10, $0x7;
	v11 =	vadd.s32 v50, v11;
	s4 =	smul.u32 $0x55555556, s4  }
0x123: {  	v10 =	vor.u32 v36, v10;
	v11 =	vshll.u32 v11, $0x7;
	v49 =	vshra.s32 v48, $0x1F  }
0x124: {  	v11 =	vor.u32 v51, v11;
	v13 =	vshrl.u32 v49, $0x1D;
	v52 =	vadd.s32 s3, v1;
	s3 =	sadd.s32 s4, s5;
	s5 =	sxor.u32 $0x80000000, s7;
	s7 =	sld [smem:$0x7F5]  }
0x125: {  	vm10 =	vlt.s32 v48, $0x1;
	v13 =	vadd.s32 v13, v48;
	v54 =	vshra.s32 v52, $0x1F  }
0x126: {  	v12 =	vand.u32 $0x7, v48;
	v13 =	vshra.s32 v13, $0x3;
	v55 =	vshrl.u32 v54, $0x1D;
	s4 =	sshrl.u32 s3, $0x1F  }
0x127: {  	v57 =	vmov s31;
	v53 =	vshll.u32 v13, $0x3;
	v56 =	vadd.s32 v55, v52;
	s3 =	sadd.s32 s4, s3;
	s7 =	sxor.u32 $0x80000000, s7  }
0x128: {  	vm12 =	vlt.s32 v52, $0x1;
	vm11 =	vne.s32 v48, v53;
	v18 =	vand.u32 $0xFFFFFFF8, v56;
	s4 =	smul.u32 $0xFFFFFFFD, s3;
	p3 =	sgt.s32 s2, s7  }
0x129: {  	v59 =	vmov s1;
	vm4 =	vmand vm10, vm11;
	vm13 =	vne.s32 v52, v18;
	s1 =	ssub.s32 $0xFFFFFFFE, s29;
	s7 =	smov.u32 @p3 s2;
	s2 =	sld [smem:$0x7F6]  }
0x12a: {  	vm14 =	vgt.u32 v57, v1;
	v58 =	vsel vm4, $0xFFFFFFFF, v4;
	vm4 =	vmand vm12, vm13;
	p6 =	slt.s32 s29, $0xFFFFFFFF;
	p2 =	sgt.s32 s0, s5;
	p5 =	sne.s32 s4, s1  }
0x12b: {  	v14 =	vshrl.u32 v56, $0x3;
	v13 =	vadd.s32 v58, v13;
	v60 =	vsel vm4, $0xFFFFFFFF, v4;
	s5 =	smov.u32 @p2 s0;
	s4 =	sld [smem:$0x7F7];
	p1 =	por !p6, !p5  }
0x12c: {  	v62 =	vand.u32 $0x7, v52;
	v13 =	vshll.u32 v13, $0x7;
	v61 =	vadd.s32 v60, v14;
	p1 =	por !p1, !p1;
	s0 =	sxor.u32 $0x80000000, s2;
	s2 =	simm.s32 $0x1  }
0x12d: {  	vm15 =	vgt.u32 v59, v1;
	v12 =	vor.u32 v12, v13;
	v13 =	vshll.u32 v61, $0x7;
	s2 =	simm.s32 @!p1 $0x0  }
0x12e: {  	v13 =	vor.u32 v62, v13;
	s1 =	sxor.u32 $0x80000000, s4;
	p2 =	sgt.s32 s5, s0;
	s31 =	ssub.s32 s3, s2  }
0x12f: {  	[tilespmem:v10+s24+$0x0] =	vst.idx.msk vm2, v9;
	s0 =	smov.u32 @p2 s5;
	p2 =	sgt.s32 s7, s1;
	p1 =	slt.s32 s31, $0x1  }
.Ltmp5:
0x130: {  	[tilespmem:v10+s26+$0x0] =	vst.idx.msk vm2, v8;
	s1 =	smov.u32 @p2 s7;
	(pc) =	sbr.rel @p1 .LBB2_16-.Ltmp5, $4  }
0x131: {  	[tilespmem:v11+s28+$0x0] =	vst.idx.msk vm3, v8;
	v8 =	vmov s0;
	s5 =	sand.u32 $0xFFF, s1  }
0x132: {  	[tilespmem:v12+s28+$0x0] =	vst.idx.msk vm14, v8;
	s7 =	sshra.s32 s1, $0xC;
	v63 =	vmov s5  }
0x133: {  	v8 =	vmov s7;
	[tilespmem:v13+s24+$0x0] =	vst.idx.msk vm15, v63  }
0x134: {  	[tilespmem:v13+s26+$0x0] =	vst.idx.msk vm15, v8  }
0x135: {  	s0 =	simm.s32 $0xFFFFFFFF  }
0x136: {  	s0 =	simm.s32 @!p0 $0x0  }
0x137: {  	s1 =	sshll.u32 s25, $0x9;
	s0 =	sshll.u32 s0, $0x9  }
.Ltmp6:
0x138: {  	s0 =	sadd.s32 s0, s1;
	(pc) =	sbr.rel .LBB2_9-.Ltmp6, $4  }
0x139: {  	s0 =	ssub.s32 $0x0, s0  }
0x13a: {  	s7 =	sxor.u32 $0xFFFFFFFF, s30;
	s5 =	sshra.s32 s0, $0x2  }
0x13b: {  	s2 =	simm.s32 $0x0;
	[smem:$0x7F1] =	sst s7;
	s25 =	sadd.s32 $0x3600, s5  }
0x13c: {  	s1 =	simm.s32 $0x0;
	[smem:$0x7F2] =	sst s25;
	s25 =	simm.s32 $0x0  }
.LBB2_15:
0x13d: {  	s1 =	sadd.s32 $0x1, s1  }
0x13e: {  	p0 =	sne.s32 s31, s1  }
.Ltmp7:
0x13f: {  	_ = 	snop;
	(pc) =	sbr.rel @!p0 .LBB2_16-.Ltmp7, $2  }
0x140: {  	_ =	sdelay $0x2  }
0x141: {  	s25 =	sadd.s32 $0x600, s25;
	s2 =	sadd.s32 $0x3, s2  }
.LBB2_9:
0x142: {  	p0 =	sge.s32 s2, s29  }
.Ltmp8:
0x143: {  	_ = 	snop;
	(pc) =	sbr.rel @p0 .LBB2_11-.Ltmp8, $2  }
0x144: {  	_ =	sdelay $0x2  }
0x145: {  	s3 =	smul.u32 $0x3, s1  }
0x146: {  	p0 =	sge.s32 s2, s30  }
0x147: {  	p1 =	slt.s32 s2, $0x3;
	s4 =	ssub.s32 @p0 s3, s30  }
0x148: {  	s5 =	simm.s32 @!p1 $0x4;
	s4 =	sshll.u32 @p0 s4, $0x9  }
0x149: {  	s7 =	sshra.s32 @!p0 s25, $0x2;
	_ =	swait.ge @!p1 [sflag:s5], $0x8000;
	s4 =	sshra.s32 @p0 s4, $0x2  }
0x14a: {  	s7 =	sadd.s32 @!p0 $0x5A00, s7;
	[sflag:s5] =	ssyncset.done @!p1 $0x0;
	s4 =	sadd.s32 @p0 $0x1200, s4  }
0x14b: {  	[sflag:s5] =	ssyncadd.s32 @!p1 $0xFFFF8000;
	s7 =	smov.u32 @p0 s4  }
0x14c: {  	v8 =	vld.msk [tilespmem:s7+$0x0], $0xff;
	_ =	sdelay $0x4  }
0x14d: {  	v9 =	vshll.u32 v8, $0x5  }
0x14e: {  	v8 =	vand.u32 $0x7, v8;
	v9 =	vand.u32 $0xFFFFFF00, v9  }
0x14f: {  	v8 =	vor.u32 v8, v9  }
0x150: {  	v8 =	vperm.xlane v8, v6;
	_ =	sdelay $0x1  }
0x151: {  	s5 =	rddreg [dreg:$0x14];
	v8 =	vadd.s32 v7, v8  }
0x152: {  	s4 =	rddreg [dreg:$0x0]  }
0x153: {  	s0 =	rddreg [dreg:$0x2]  }
0x154: {  	s4 =	smov.u32 @p0 s0;
	s0 =	rddreg [dreg:$0x5]  }
0x155: {  	s7 =	simm.s32 $0x7E00;
	s5 =	smov.u32 @p0 s0;
	s0 =	rddreg [dreg:$0x6]  }
0x156: {  	[tilespmem:s7], [sflag:$0x1] =	stream.indirect_vreg.gather [hbm4b:s4+s22], $0x80, v8, vm1, $0xb8;
	[tilespmem:$0x1FE00] =	vst v63  }
0x157: {  	s4 =	rddreg [dreg:$0x15]  }
0x158: {  	s7 =	simm.s32 $0x8600;
	s4 =	smov.u32 @p0 s0;
	s0 =	rddreg [dreg:$0x7]  }
0x159: {  	[tilespmem:s7], [sflag:$0x1] =	stream.indirect_vreg.gather [hbm4b:s5+s22], $0x80, v8, vm1, $0xb8;
	[tilespmem:$0x1FE00] =	vst v63  }
0x15a: {  	s5 =	rddreg [dreg:$0x16]  }
0x15b: {  	s7 =	simm.s32 $0x8E00;
	s5 =	smov.u32 @p0 s0;
	s0 =	rddreg [dreg:$0x8]  }
0x15c: {  	[tilespmem:s7], [sflag:$0x1] =	stream.indirect_vreg.gather [hbm4b:s4+s22], $0x80, v8, vm1, $0xb8;
	[tilespmem:$0x1FE00] =	vst v63  }
0x15d: {  	s4 =	rddreg [dreg:$0x18]  }
0x15e: {  	s7 =	simm.s32 $0x9600;
	s4 =	smov.u32 @p0 s0;
	s0 =	rddreg [dreg:$0x9]  }
0x15f: {  	[tilespmem:s7], [sflag:$0x1] =	stream.indirect_vreg.gather [hbm4b:s5+s22], $0x80, v8, vm1, $0xb8;
	[tilespmem:$0x1FE00] =	vst v63  }
0x160: {  	s5 =	rddreg [dreg:$0x19]  }
0x161: {  	s7 =	simm.s32 $0x9E00;
	s5 =	smov.u32 @p0 s0;
	s0 =	rddreg [dreg:$0xa]  }
0x162: {  	[tilespmem:s7], [sflag:$0x1] =	stream.indirect_vreg.gather [hbm4b:s4+s22], $0x80, v8, vm1, $0xb8;
	[tilespmem:$0x1FE00] =	vst v63  }
0x163: {  	s4 =	rddreg [dreg:$0x1a]  }
0x164: {  	s7 =	simm.s32 $0xA600;
	s4 =	smov.u32 @p0 s0;
	s0 =	rddreg [dreg:$0xb]  }
0x165: {  	[tilespmem:s7], [sflag:$0x1] =	stream.indirect_vreg.gather [hbm4b:s5+s22], $0x80, v8, vm1, $0xb8;
	[tilespmem:$0x1FE00] =	vst v63  }
0x166: {  	s5 =	rddreg [dreg:$0x1b]  }
0x167: {  	s7 =	simm.s32 $0xAE00;
	s5 =	smov.u32 @p0 s0;
	s0 =	rddreg [dreg:$0xc]  }
0x168: {  	[tilespmem:s7], [sflag:$0x1] =	stream.indirect_vreg.gather [hbm4b:s4+s22], $0x80, v8, vm1, $0xb8;
	[tilespmem:$0x1FE00] =	vst v63  }
0x169: {  	s4 =	rddreg [dreg:$0x1c]  }
0x16a: {  	s7 =	simm.s32 $0xB600;
	s4 =	smov.u32 @p0 s0;
	s0 =	rddreg [dreg:$0xd]  }
0x16b: {  	[tilespmem:s7], [sflag:$0x1] =	stream.indirect_vreg.gather [hbm4b:s5+s22], $0x80, v8, vm1, $0xb8;
	[tilespmem:$0x1FE00] =	vst v63  }
0x16c: {  	s5 =	rddreg [dreg:$0x1d]  }
0x16d: {  	s7 =	simm.s32 $0xBE00;
	s5 =	smov.u32 @p0 s0;
	s0 =	rddreg [dreg:$0xe]  }
0x16e: {  	[tilespmem:s7], [sflag:$0x1] =	stream.indirect_vreg.gather [hbm4b:s4+s22], $0x80, v8, vm1, $0xb8;
	[tilespmem:$0x1FE00] =	vst v63  }
0x16f: {  	s4 =	rddreg [dreg:$0x1e]  }
0x170: {  	s7 =	simm.s32 $0xC600;
	s4 =	smov.u32 @p0 s0;
	s0 =	rddreg [dreg:$0xf]  }
0x171: {  	[tilespmem:s7], [sflag:$0x1] =	stream.indirect_vreg.gather [hbm4b:s5+s22], $0x80, v8, vm1, $0xb8;
	[tilespmem:$0x1FE00] =	vst v63  }
0x172: {  	s5 =	rddreg [dreg:$0x1f]  }
0x173: {  	s7 =	simm.s32 $0xCE00;
	s5 =	smov.u32 @p0 s0;
	s0 =	rddreg [dreg:$0x10]  }
0x174: {  	[tilespmem:s7], [sflag:$0x1] =	stream.indirect_vreg.gather [hbm4b:s4+s22], $0x80, v8, vm1, $0xb8;
	[tilespmem:$0x1FE00] =	vst v63  }
0x175: {  	s4 =	sld [smem:$0x7F9];
	s7 =	simm.s32 $0xD600  }
0x176: {  	[tilespmem:s7], [sflag:$0x1] =	stream.indirect_vreg.gather [hbm4b:s5+s22], $0x80, v8, vm1, $0xb8;
	[tilespmem:$0x1FE00] =	vst v63  }
0x177: {  	s5 =	sld [smem:$0x7FA]  }
0x178: {  	s7 =	simm.s32 $0xDE00;
	s4 =	smov.u32 @p0 s0;
	s0 =	rddreg [dreg:$0x11]  }
0x179: {  	[tilespmem:s7], [sflag:$0x1] =	stream.indirect_vreg.gather [hbm4b:s4+s22], $0x80, v8, vm1, $0xb8;
	[tilespmem:$0x1FE00] =	vst v63  }
0x17a: {  	s4 =	sld [smem:$0x7FB]  }
0x17b: {  	s7 =	simm.s32 $0xE600;
	s5 =	smov.u32 @p0 s0;
	s0 =	rddreg [dreg:$0x12]  }
0x17c: {  	[tilespmem:s7], [sflag:$0x1] =	stream.indirect_vreg.gather [hbm4b:s5+s22], $0x80, v8, vm1, $0xb8;
	[tilespmem:$0x1FE00] =	vst v63  }
0x17d: {  	s5 =	sld [smem:$0x7FC];
	s7 =	simm.s32 $0xEE00;
	s4 =	smov.u32 @p0 s0  }
0x17e: {  	[tilespmem:s7], [sflag:$0x1] =	stream.indirect_vreg.gather [hbm4b:s4+s22], $0x80, v8, vm1, $0xb8;
	[tilespmem:$0x1FE00] =	vst v63  }
0x17f: {  	s0 =	rddreg [dreg:$0x13];
	s7 =	simm.s32 $0xF600  }
0x180: {  	s4 =	sld [smem:$0x7F1];
	s5 =	smov.u32 @p0 s0;
	p0 =	slt.s32 s2, $0x1  }
0x181: {  	[tilespmem:s7], [sflag:$0x1] =	stream.indirect_vreg.gather [hbm4b:s5+s22], $0x80, v8, vm1, $0xb8;
	[tilespmem:$0x1FE00] =	vst v63  }
0x182: {  	p1 =	sgt.s32 @!p0 s2, s30  }
0x183: {  	p1 =	por !p1, p0  }
0x184: {  	s4 =	simm.s32 @p1 $0x7FFFFF  }
0x185: {  	s5 =	simm.s32 @!p0 $0x3;
	s4 =	sadd.s32 @!p0 s2, s4  }
0x186: {  	s7 =	simm.s32 @!p0 $0x3600;
	_ =	swait.ge @!p0 [sflag:s5], $0x8000;
	s4 =	sshll.u32 @!p0 s4, $0x9  }
0x187: {  	[sflag:s5] =	ssyncset.done @!p0 $0x0;
	s7 =	simm.s32 @p1 $0x5A00;
	s4 =	sshra.s32 @!p0 s4, $0x2  }
0x188: {  	[sflag:s5] =	ssyncadd.s32 @!p0 $0xFFFF8000;
	s4 =	sadd.s32 @!p0 s4, s7  }
0x189: {  	v8 =	vld.msk @!p0 [tilespmem:s4+$0x0], $0xff;
	_ =	sdelay $0x4  }
0x18a: {  	v9 =	vshll.u32 @!p0 v8, $0x5  }
0x18b: {  	v10 =	vlaneseq.u32 @!p0;
	v8 =	vand.u32 @!p0 $0x7, v8;
	v9 =	vand.u32 @!p0 $0xFFFFFF00, v9  }
0x18c: {  	v8 =	vor.u32 @!p0 v8, v9;
	v9 =	vand.u32 @!p0 $0x7, v10;
	v10 =	vshrl.u32 @!p0 v10, $0x3  }
0x18d: {  	v8 =	vperm.xlane @!p0 v8, v9;
	v9 =	vmul.u32 @!p0 $0x8, v10;
	_ =	sdelay $0x1  }
0x18e: {  	v8 =	vadd.s32 @!p0 v9, v8;
	_ =	sdelay $0x3  }
0x18f: {  	vm2 =	vmmov @!p0 $0xffff;
	s5 =	simm.s32 @!p0 $0x17E00;
	s0 =	rddreg [dreg:$0x3];
	s4 =	simm.s32 @!p0 $0x0  }
0x190: {  	[hbm4b:s0+s4] =	stream.indirect_vreg.scatter @!p0 [tilespmem:s5], [sflag:$0x6], $0x80, v8, vm2, $0xb8;
	[tilespmem:$0x1FE00] =	vst v63  }
0x191: {  	s0 =	sld [smem:$0x7FD];
	_ =	sdelay $0x1  }
0x192: {  	s5 =	simm.s32 @!p0 $0x18600  }
0x193: {  	[hbm4b:s0+s4] =	stream.indirect_vreg.scatter @!p0 [tilespmem:s5], [sflag:$0x6], $0x80, v8, vm2, $0xb8;
	[tilespmem:$0x1FE00] =	vst v63  }
0x194: {  	s5 =	simm.s32 @!p0 $0x18E00  }
0x195: {  	[hbm4b:s8+s4] =	stream.indirect_vreg.scatter @!p0 [tilespmem:s5], [sflag:$0x6], $0x80, v8, vm2, $0xb8;
	[tilespmem:$0x1FE00] =	vst v63  }
0x196: {  	s5 =	simm.s32 @!p0 $0x19600  }
0x197: {  	[hbm4b:s9+s4] =	stream.indirect_vreg.scatter @!p0 [tilespmem:s5], [sflag:$0x6], $0x80, v8, vm2, $0xb8;
	[tilespmem:$0x1FE00] =	vst v63  }
0x198: {  	s5 =	simm.s32 @!p0 $0x19E00  }
0x199: {  	[hbm4b:s10+s4] =	stream.indirect_vreg.scatter @!p0 [tilespmem:s5], [sflag:$0x6], $0x80, v8, vm2, $0xb8;
	[tilespmem:$0x1FE00] =	vst v63  }
0x19a: {  	s5 =	simm.s32 @!p0 $0x1A600  }
0x19b: {  	[hbm4b:s11+s4] =	stream.indirect_vreg.scatter @!p0 [tilespmem:s5], [sflag:$0x6], $0x80, v8, vm2, $0xb8;
	[tilespmem:$0x1FE00] =	vst v63  }
0x19c: {  	s5 =	simm.s32 @!p0 $0x1AE00  }
0x19d: {  	[hbm4b:s12+s4] =	stream.indirect_vreg.scatter @!p0 [tilespmem:s5], [sflag:$0x6], $0x80, v8, vm2, $0xb8;
	[tilespmem:$0x1FE00] =	vst v63  }
0x19e: {  	s5 =	simm.s32 @!p0 $0x1B600  }
0x19f: {  	[hbm4b:s13+s4] =	stream.indirect_vreg.scatter @!p0 [tilespmem:s5], [sflag:$0x6], $0x80, v8, vm2, $0xb8;
	[tilespmem:$0x1FE00] =	vst v63  }
0x1a0: {  	s5 =	simm.s32 @!p0 $0x1BE00  }
0x1a1: {  	[hbm4b:s14+s4] =	stream.indirect_vreg.scatter @!p0 [tilespmem:s5], [sflag:$0x6], $0x80, v8, vm2, $0xb8;
	[tilespmem:$0x1FE00] =	vst v63  }
0x1a2: {  	s5 =	simm.s32 @!p0 $0x1C600  }
0x1a3: {  	[hbm4b:s15+s4] =	stream.indirect_vreg.scatter @!p0 [tilespmem:s5], [sflag:$0x6], $0x80, v8, vm2, $0xb8;
	[tilespmem:$0x1FE00] =	vst v63  }
0x1a4: {  	s5 =	simm.s32 @!p0 $0x1CE00  }
0x1a5: {  	[hbm4b:s16+s4] =	stream.indirect_vreg.scatter @!p0 [tilespmem:s5], [sflag:$0x6], $0x80, v8, vm2, $0xb8;
	[tilespmem:$0x1FE00] =	vst v63  }
0x1a6: {  	s5 =	simm.s32 @!p0 $0x1D600  }
0x1a7: {  	[hbm4b:s17+s4] =	stream.indirect_vreg.scatter @!p0 [tilespmem:s5], [sflag:$0x6], $0x80, v8, vm2, $0xb8;
	[tilespmem:$0x1FE00] =	vst v63  }
0x1a8: {  	s5 =	simm.s32 @!p0 $0x1DE00  }
0x1a9: {  	[hbm4b:s18+s4] =	stream.indirect_vreg.scatter @!p0 [tilespmem:s5], [sflag:$0x6], $0x80, v8, vm2, $0xb8;
	[tilespmem:$0x1FE00] =	vst v63  }
0x1aa: {  	s5 =	simm.s32 @!p0 $0x1E600  }
0x1ab: {  	[hbm4b:s19+s4] =	stream.indirect_vreg.scatter @!p0 [tilespmem:s5], [sflag:$0x6], $0x80, v8, vm2, $0xb8;
	[tilespmem:$0x1FE00] =	vst v63  }
0x1ac: {  	s5 =	simm.s32 @!p0 $0x1EE00  }
0x1ad: {  	[hbm4b:s20+s4] =	stream.indirect_vreg.scatter @!p0 [tilespmem:s5], [sflag:$0x6], $0x80, v8, vm2, $0xb8;
	[tilespmem:$0x1FE00] =	vst v63  }
0x1ae: {  	s5 =	simm.s32 @!p0 $0x1F600  }
0x1af: {  	[hbm4b:s21+s4] =	stream.indirect_vreg.scatter @!p0 [tilespmem:s5], [sflag:$0x6], $0x80, v8, vm2, $0xb8;
	[tilespmem:$0x1FE00] =	vst v63  }
.LBB2_11:
0x1b0: {  	s4 =	sadd.s32 $0x1, s2  }
0x1b1: {  	p0 =	sge.s32 s4, s29  }
.Ltmp9:
0x1b2: {  	_ = 	snop;
	(pc) =	sbr.rel @p0 .LBB2_13-.Ltmp9, $1  }
0x1b3: {  	_ =	sdelay $0x3  }
0x1b4: {  	s5 =	sadd.s32 $0x1, s3;
	p0 =	slt.s32 s4, s30  }
0x1b5: {  	p1 =	slt.s32 s4, $0x3;
	s5 =	ssub.s32 @!p0 s5, s30  }
0x1b6: {  	s7 =	simm.s32 @!p1 $0x5;
	s5 =	smov.u32 @p0 s4  }
0x1b7: {  	s0 =	simm.s32 @!p0 $0x1200;
	_ =	swait.ge @!p1 [sflag:s7], $0x8000;
	s5 =	sshll.u32 s5, $0x9  }
0x1b8: {  	s0 =	simm.s32 @p0 $0x5A00;
	[sflag:s7] =	ssyncset.done @!p1 $0x0;
	s5 =	sshra.s32 s5, $0x2  }
0x1b9: {  	[sflag:s7] =	ssyncadd.s32 @!p1 $0xFFFF8000;
	s0 =	sadd.s32 s5, s0  }
0x1ba: {  	v8 =	vld.msk [tilespmem:s0+$0x0], $0xff;
	_ =	sdelay $0x4  }
0x1bb: {  	v9 =	vshll.u32 v8, $0x5  }
0x1bc: {  	v8 =	vand.u32 $0x7, v8;
	v9 =	vand.u32 $0xFFFFFF00, v9  }
0x1bd: {  	v8 =	vor.u32 v8, v9  }
0x1be: {  	v8 =	vperm.xlane v8, v6;
	_ =	sdelay $0x1  }
0x1bf: {  	v8 =	vadd.s32 v7, v8;
	_ =	sdelay $0x1  }
0x1c0: {  	s5 =	rddreg [dreg:$0x0]  }
0x1c1: {  	s0 =	rddreg [dreg:$0x2]  }
0x1c2: {  	s7 =	simm.s32 $0xFE00;
	s0 =	smov.u32 @p0 s5;
	s5 =	rddreg [dreg:$0x5]  }
0x1c3: {  	[tilespmem:s7], [sflag:$0x2] =	stream.indirect_vreg.gather [hbm4b:s0+s22], $0x80, v8, vm1, $0xb8;
	[tilespmem:$0x1FE00] =	vst v63  }
0x1c4: {  	s0 =	rddreg [dreg:$0x14]  }
0x1c5: {  	s7 =	simm.s32 $0x10600;
	s5 =	smov.u32 @p0 s0;
	s0 =	rddreg [dreg:$0x6]  }
0x1c6: {  	[tilespmem:s7], [sflag:$0x2] =	stream.indirect_vreg.gather [hbm4b:s5+s22], $0x80, v8, vm1, $0xb8;
	[tilespmem:$0x1FE00] =	vst v63  }
0x1c7: {  	s5 =	rddreg [dreg:$0x15]  }
0x1c8: {  	s7 =	simm.s32 $0x10E00;
	s0 =	smov.u32 @p0 s5;
	s5 =	rddreg [dreg:$0x7]  }
0x1c9: {  	[tilespmem:s7], [sflag:$0x2] =	stream.indirect_vreg.gather [hbm4b:s0+s22], $0x80, v8, vm1, $0xb8;
	[tilespmem:$0x1FE00] =	vst v63  }
0x1ca: {  	s0 =	rddreg [dreg:$0x16]  }
0x1cb: {  	s7 =	simm.s32 $0x11600;
	s5 =	smov.u32 @p0 s0;
	s0 =	rddreg [dreg:$0x8]  }
0x1cc: {  	[tilespmem:s7], [sflag:$0x2] =	stream.indirect_vreg.gather [hbm4b:s5+s22], $0x80, v8, vm1, $0xb8;
	[tilespmem:$0x1FE00] =	vst v63  }
0x1cd: {  	s5 =	rddreg [dreg:$0x18]  }
0x1ce: {  	s7 =	simm.s32 $0x11E00;
	s0 =	smov.u32 @p0 s5;
	s5 =	rddreg [dreg:$0x9]  }
0x1cf: {  	[tilespmem:s7], [sflag:$0x2] =	stream.indirect_vreg.gather [hbm4b:s0+s22], $0x80, v8, vm1, $0xb8;
	[tilespmem:$0x1FE00] =	vst v63  }
0x1d0: {  	s0 =	rddreg [dreg:$0x19]  }
0x1d1: {  	s7 =	simm.s32 $0x12600;
	s5 =	smov.u32 @p0 s0;
	s0 =	rddreg [dreg:$0xa]  }
0x1d2: {  	[tilespmem:s7], [sflag:$0x2] =	stream.indirect_vreg.gather [hbm4b:s5+s22], $0x80, v8, vm1, $0xb8;
	[tilespmem:$0x1FE00] =	vst v63  }
0x1d3: {  	s5 =	rddreg [dreg:$0x1a]  }
0x1d4: {  	s7 =	simm.s32 $0x12E00;
	s0 =	smov.u32 @p0 s5;
	s5 =	rddreg [dreg:$0xb]  }
0x1d5: {  	[tilespmem:s7], [sflag:$0x2] =	stream.indirect_vreg.gather [hbm4b:s0+s22], $0x80, v8, vm1, $0xb8;
	[tilespmem:$0x1FE00] =	vst v63  }
0x1d6: {  	s0 =	rddreg [dreg:$0x1b]  }
0x1d7: {  	s7 =	simm.s32 $0x13600;
	s5 =	smov.u32 @p0 s0;
	s0 =	rddreg [dreg:$0xc]  }
0x1d8: {  	[tilespmem:s7], [sflag:$0x2] =	stream.indirect_vreg.gather [hbm4b:s5+s22], $0x80, v8, vm1, $0xb8;
	[tilespmem:$0x1FE00] =	vst v63  }
0x1d9: {  	s5 =	rddreg [dreg:$0x1c]  }
0x1da: {  	s7 =	simm.s32 $0x13E00;
	s0 =	smov.u32 @p0 s5;
	s5 =	rddreg [dreg:$0xd]  }
0x1db: {  	[tilespmem:s7], [sflag:$0x2] =	stream.indirect_vreg.gather [hbm4b:s0+s22], $0x80, v8, vm1, $0xb8;
	[tilespmem:$0x1FE00] =	vst v63  }
0x1dc: {  	s0 =	rddreg [dreg:$0x1d]  }
0x1dd: {  	s7 =	simm.s32 $0x14600;
	s5 =	smov.u32 @p0 s0;
	s0 =	rddreg [dreg:$0xe]  }
0x1de: {  	[tilespmem:s7], [sflag:$0x2] =	stream.indirect_vreg.gather [hbm4b:s5+s22], $0x80, v8, vm1, $0xb8;
	[tilespmem:$0x1FE00] =	vst v63  }
0x1df: {  	s5 =	rddreg [dreg:$0x1e]  }
0x1e0: {  	s7 =	simm.s32 $0x14E00;
	s0 =	smov.u32 @p0 s5;
	s5 =	rddreg [dreg:$0xf]  }
0x1e1: {  	[tilespmem:s7], [sflag:$0x2] =	stream.indirect_vreg.gather [hbm4b:s0+s22], $0x80, v8, vm1, $0xb8;
	[tilespmem:$0x1FE00] =	vst v63  }
0x1e2: {  	s0 =	rddreg [dreg:$0x1f]  }
0x1e3: {  	s7 =	simm.s32 $0x15600;
	s5 =	smov.u32 @p0 s0  }
0x1e4: {  	[tilespmem:s7], [sflag:$0x2] =	stream.indirect_vreg.gather [hbm4b:s5+s22], $0x80, v8, vm1, $0xb8;
	[tilespmem:$0x1FE00] =	vst v63  }
0x1e5: {  	s5 =	sld [smem:$0x7F9];
	_ =	sdelay $0x1  }
0x1e6: {  	s0 =	rddreg [dreg:$0x10]  }
0x1e7: {  	s7 =	simm.s32 $0x15E00;
	s0 =	smov.u32 @p0 s5  }
0x1e8: {  	[tilespmem:s7], [sflag:$0x2] =	stream.indirect_vreg.gather [hbm4b:s0+s22], $0x80, v8, vm1, $0xb8;
	[tilespmem:$0x1FE00] =	vst v63  }
0x1e9: {  	s0 =	sld [smem:$0x7FA];
	_ =	sdelay $0x1  }
0x1ea: {  	s5 =	rddreg [dreg:$0x11]  }
0x1eb: {  	s7 =	simm.s32 $0x16600;
	s5 =	smov.u32 @p0 s0  }
0x1ec: {  	[tilespmem:s7], [sflag:$0x2] =	stream.indirect_vreg.gather [hbm4b:s5+s22], $0x80, v8, vm1, $0xb8;
	[tilespmem:$0x1FE00] =	vst v63  }
0x1ed: {  	s5 =	sld [smem:$0x7FB];
	_ =	sdelay $0x1  }
0x1ee: {  	s0 =	rddreg [dreg:$0x12]  }
0x1ef: {  	s7 =	simm.s32 $0x16E00;
	s0 =	smov.u32 @p0 s5  }
0x1f0: {  	[tilespmem:s7], [sflag:$0x2] =	stream.indirect_vreg.gather [hbm4b:s0+s22], $0x80, v8, vm1, $0xb8;
	[tilespmem:$0x1FE00] =	vst v63  }
0x1f1: {  	s0 =	sld [smem:$0x7FC];
	_ =	sdelay $0x1  }
0x1f2: {  	s5 =	rddreg [dreg:$0x13]  }
0x1f3: {  	s7 =	simm.s32 $0x17600;
	s5 =	smov.u32 @p0 s0;
	p0 =	sgt.u32 s1, $0x2AAAAAAA  }
0x1f4: {  	[tilespmem:s7], [sflag:$0x2] =	stream.indirect_vreg.gather [hbm4b:s5+s22], $0x80, v8, vm1, $0xb8;
	[tilespmem:$0x1FE00] =	vst v63  }
0x1f5: {  	s0 =	simm.s32 @!p0 $0x1  }
0x1f6: {  	p1 =	slt.s32 @!p0 s2, s30;
	s22 =	smov.u32 s30;
	s30 =	smov.u32 s3  }
0x1f7: {  	s3 =	smov.u32 s29;
	s29 =	smov.u32 s31;
	s31 =	smov.u32 s21  }
0x1f8: {  	s21 =	smov.u32 s20;
	s20 =	smov.u32 s19;
	s19 =	smov.u32 s18  }
0x1f9: {  	s18 =	smov.u32 s17;
	s17 =	smov.u32 s16;
	s16 =	smov.u32 s15  }
0x1fa: {  	s15 =	smov.u32 s14;
	s14 =	smov.u32 s13;
	s13 =	smov.u32 s12  }
0x1fb: {  	s12 =	smov.u32 s11;
	s11 =	smov.u32 s10;
	_ =	swait.ge @!p0 [sflag:s0], $0x8000  }
0x1fc: {  	s10 =	smov.u32 s9;
	s9 =	smov.u32 s8;
	s8 =	sld [smem:$0x7F2]  }
0x1fd: {  	s5 =	sshra.s32 @!p0 s25, $0x2  }
0x1fe: {  	s7 =	sadd.s32 @!p0 $0x5A00, s5  }
0x1ff: {  	p1 =	por !p1, p0;
	[sflag:s0] =	ssyncset.done @!p0 $0x0;
	s5 =	sadd.s32 @!p0 s5, s8  }
0x200: {  	[sflag:s0] =	ssyncadd.s32 @!p0 $0xFFFF8000;
	s7 =	smov.u32 @p1 s5  }
0x201: {  	v8 =	vld.msk @!p0 [tilespmem:s7+$0x0], $0xff;
	_ =	sdelay $0x4  }
0x202: {  	v9 =	vshll.u32 @!p0 v8, $0x5  }
0x203: {  	v10 =	vlaneseq.u32 @!p0;
	v8 =	vand.u32 @!p0 $0x7, v8;
	v9 =	vand.u32 @!p0 $0xFFFFFF00, v9  }
0x204: {  	v8 =	vor.u32 @!p0 v8, v9;
	v9 =	vand.u32 @!p0 $0x7, v10;
	v10 =	vshrl.u32 @!p0 v10, $0x3  }
0x205: {  	v8 =	vperm.xlane @!p0 v8, v9;
	v9 =	vmul.u32 @!p0 $0x8, v10;
	_ =	sdelay $0x1  }
0x206: {  	v8 =	vadd.s32 @!p0 v9, v8;
	_ =	sdelay $0x3  }
0x207: {  	vm2 =	vmmov @!p0 $0xffff;
	s0 =	simm.s32 @!p0 $0x0;
	s5 =	simm.s32 @!p0 $0x7E00;
	s7 =	rddreg [dreg:$0x3]  }
0x208: {  	[hbm4b:s7+s0] =	stream.indirect_vreg.scatter @!p0 [tilespmem:s5], [sflag:$0x4], $0x80, v8, vm2, $0xb8;
	[tilespmem:$0x1FE00] =	vst v63  }
0x209: {  	s7 =	sld [smem:$0x7FD];
	_ =	sdelay $0x1  }
0x20a: {  	s5 =	simm.s32 @!p0 $0x8600  }
0x20b: {  	[hbm4b:s7+s0] =	stream.indirect_vreg.scatter @!p0 [tilespmem:s5], [sflag:$0x4], $0x80, v8, vm2, $0xb8;
	[tilespmem:$0x1FE00] =	vst v63  }
0x20c: {  	s8 =	smov.u32 s9;
	s5 =	simm.s32 @!p0 $0x8E00  }
0x20d: {  	[hbm4b:s8+s0] =	stream.indirect_vreg.scatter @!p0 [tilespmem:s5], [sflag:$0x4], $0x80, v8, vm2, $0xb8;
	[tilespmem:$0x1FE00] =	vst v63  }
0x20e: {  	s9 =	smov.u32 s10;
	s5 =	simm.s32 @!p0 $0x9600  }
0x20f: {  	[hbm4b:s9+s0] =	stream.indirect_vreg.scatter @!p0 [tilespmem:s5], [sflag:$0x4], $0x80, v8, vm2, $0xb8;
	[tilespmem:$0x1FE00] =	vst v63  }
0x210: {  	s10 =	smov.u32 s11;
	s5 =	simm.s32 @!p0 $0x9E00  }
0x211: {  	[hbm4b:s10+s0] =	stream.indirect_vreg.scatter @!p0 [tilespmem:s5], [sflag:$0x4], $0x80, v8, vm2, $0xb8;
	[tilespmem:$0x1FE00] =	vst v63  }
0x212: {  	s11 =	smov.u32 s12;
	s5 =	simm.s32 @!p0 $0xA600  }
0x213: {  	[hbm4b:s11+s0] =	stream.indirect_vreg.scatter @!p0 [tilespmem:s5], [sflag:$0x4], $0x80, v8, vm2, $0xb8;
	[tilespmem:$0x1FE00] =	vst v63  }
0x214: {  	s12 =	smov.u32 s13;
	s5 =	simm.s32 @!p0 $0xAE00  }
0x215: {  	[hbm4b:s12+s0] =	stream.indirect_vreg.scatter @!p0 [tilespmem:s5], [sflag:$0x4], $0x80, v8, vm2, $0xb8;
	[tilespmem:$0x1FE00] =	vst v63  }
0x216: {  	s13 =	smov.u32 s14;
	s5 =	simm.s32 @!p0 $0xB600  }
0x217: {  	[hbm4b:s13+s0] =	stream.indirect_vreg.scatter @!p0 [tilespmem:s5], [sflag:$0x4], $0x80, v8, vm2, $0xb8;
	[tilespmem:$0x1FE00] =	vst v63  }
0x218: {  	s14 =	smov.u32 s15;
	s5 =	simm.s32 @!p0 $0xBE00  }
0x219: {  	[hbm4b:s14+s0] =	stream.indirect_vreg.scatter @!p0 [tilespmem:s5], [sflag:$0x4], $0x80, v8, vm2, $0xb8;
	[tilespmem:$0x1FE00] =	vst v63  }
0x21a: {  	s15 =	smov.u32 s16;
	s5 =	simm.s32 @!p0 $0xC600  }
0x21b: {  	[hbm4b:s15+s0] =	stream.indirect_vreg.scatter @!p0 [tilespmem:s5], [sflag:$0x4], $0x80, v8, vm2, $0xb8;
	[tilespmem:$0x1FE00] =	vst v63  }
0x21c: {  	s16 =	smov.u32 s17;
	s5 =	simm.s32 @!p0 $0xCE00  }
0x21d: {  	[hbm4b:s16+s0] =	stream.indirect_vreg.scatter @!p0 [tilespmem:s5], [sflag:$0x4], $0x80, v8, vm2, $0xb8;
	[tilespmem:$0x1FE00] =	vst v63  }
0x21e: {  	s17 =	smov.u32 s18;
	s18 =	smov.u32 s19;
	s5 =	simm.s32 @!p0 $0xD600  }
0x21f: {  	[hbm4b:s17+s0] =	stream.indirect_vreg.scatter @!p0 [tilespmem:s5], [sflag:$0x4], $0x80, v8, vm2, $0xb8;
	[tilespmem:$0x1FE00] =	vst v63  }
0x220: {  	s19 =	smov.u32 s20;
	s20 =	smov.u32 s21;
	s5 =	simm.s32 @!p0 $0xDE00  }
0x221: {  	[hbm4b:s18+s0] =	stream.indirect_vreg.scatter @!p0 [tilespmem:s5], [sflag:$0x4], $0x80, v8, vm2, $0xb8;
	[tilespmem:$0x1FE00] =	vst v63  }
0x222: {  	s21 =	smov.u32 s31;
	s31 =	smov.u32 s29;
	s5 =	simm.s32 @!p0 $0xE600  }
0x223: {  	[hbm4b:s19+s0] =	stream.indirect_vreg.scatter @!p0 [tilespmem:s5], [sflag:$0x4], $0x80, v8, vm2, $0xb8;
	[tilespmem:$0x1FE00] =	vst v63  }
0x224: {  	s29 =	smov.u32 s3;
	s3 =	smov.u32 s30;
	s5 =	simm.s32 @!p0 $0xEE00  }
0x225: {  	[hbm4b:s20+s0] =	stream.indirect_vreg.scatter @!p0 [tilespmem:s5], [sflag:$0x4], $0x80, v8, vm2, $0xb8;
	[tilespmem:$0x1FE00] =	vst v63  }
0x226: {  	s30 =	smov.u32 s22;
	s22 =	simm.s32 $0x0;
	s5 =	simm.s32 @!p0 $0xF600  }
0x227: {  	[hbm4b:s21+s0] =	stream.indirect_vreg.scatter @!p0 [tilespmem:s5], [sflag:$0x4], $0x80, v8, vm2, $0xb8;
	[tilespmem:$0x1FE00] =	vst v63  }
.LBB2_13:
0x228: {  	s5 =	sadd.s32 $0x2, s2  }
0x229: {  	p0 =	sge.s32 s5, s29  }
.Ltmp10:
0x22a: {  	_ = 	snop;
	(pc) =	sbr.rel @p0 .LBB2_15-.Ltmp10, $1  }
0x22b: {  	_ =	sdelay $0x3  }
0x22c: {  	s0 =	sadd.s32 $0x2, s3;
	p0 =	slt.s32 s5, s30  }
0x22d: {  	p1 =	slt.s32 s5, $0x3;
	s0 =	ssub.s32 @!p0 s0, s30  }
0x22e: {  	s3 =	simm.s32 @!p1 $0x6;
	s0 =	smov.u32 @p0 s5  }
0x22f: {  	s7 =	simm.s32 @!p0 $0x1200;
	_ =	swait.ge @!p1 [sflag:s3], $0x8000;
	s0 =	sshll.u32 s0, $0x9  }
0x230: {  	s7 =	simm.s32 @p0 $0x5A00;
	[sflag:s3] =	ssyncset.done @!p1 $0x0;
	s0 =	sshra.s32 s0, $0x2  }
0x231: {  	[sflag:s3] =	ssyncadd.s32 @!p1 $0xFFFF8000;
	s0 =	sadd.s32 s0, s7  }
0x232: {  	v8 =	vld.msk [tilespmem:s0+$0x0], $0xff;
	_ =	sdelay $0x4  }
0x233: {  	v9 =	vshll.u32 v8, $0x5  }
0x234: {  	v8 =	vand.u32 $0x7, v8;
	v9 =	vand.u32 $0xFFFFFF00, v9  }
0x235: {  	v8 =	vor.u32 v8, v9  }
0x236: {  	v8 =	vperm.xlane v8, v6;
	_ =	sdelay $0x1  }
0x237: {  	v8 =	vadd.s32 v7, v8;
	_ =	sdelay $0x1  }
0x238: {  	s3 =	rddreg [dreg:$0x0]  }
0x239: {  	s0 =	rddreg [dreg:$0x2]  }
0x23a: {  	s7 =	simm.s32 $0x17E00;
	s0 =	smov.u32 @p0 s3;
	s3 =	rddreg [dreg:$0x14]  }
0x23b: {  	[tilespmem:s7], [sflag:$0x3] =	stream.indirect_vreg.gather [hbm4b:s0+s22], $0x80, v8, vm1, $0xb8;
	[tilespmem:$0x1FE00] =	vst v63  }
0x23c: {  	s0 =	rddreg [dreg:$0x5]  }
0x23d: {  	s7 =	simm.s32 $0x18600;
	s0 =	smov.u32 @p0 s3;
	s3 =	rddreg [dreg:$0x15]  }
0x23e: {  	[tilespmem:s7], [sflag:$0x3] =	stream.indirect_vreg.gather [hbm4b:s0+s22], $0x80, v8, vm1, $0xb8;
	[tilespmem:$0x1FE00] =	vst v63  }
0x23f: {  	s0 =	rddreg [dreg:$0x6]  }
0x240: {  	s7 =	simm.s32 $0x18E00;
	s0 =	smov.u32 @p0 s3;
	s3 =	rddreg [dreg:$0x16]  }
0x241: {  	[tilespmem:s7], [sflag:$0x3] =	stream.indirect_vreg.gather [hbm4b:s0+s22], $0x80, v8, vm1, $0xb8;
	[tilespmem:$0x1FE00] =	vst v63  }
0x242: {  	s0 =	rddreg [dreg:$0x7]  }
0x243: {  	s7 =	simm.s32 $0x19600;
	s0 =	smov.u32 @p0 s3;
	s3 =	rddreg [dreg:$0x18]  }
0x244: {  	[tilespmem:s7], [sflag:$0x3] =	stream.indirect_vreg.gather [hbm4b:s0+s22], $0x80, v8, vm1, $0xb8;
	[tilespmem:$0x1FE00] =	vst v63  }
0x245: {  	s0 =	rddreg [dreg:$0x8]  }
0x246: {  	s7 =	simm.s32 $0x19E00;
	s0 =	smov.u32 @p0 s3;
	s3 =	rddreg [dreg:$0x19]  }
0x247: {  	[tilespmem:s7], [sflag:$0x3] =	stream.indirect_vreg.gather [hbm4b:s0+s22], $0x80, v8, vm1, $0xb8;
	[tilespmem:$0x1FE00] =	vst v63  }
0x248: {  	s0 =	rddreg [dreg:$0x9]  }
0x249: {  	s7 =	simm.s32 $0x1A600;
	s0 =	smov.u32 @p0 s3;
	s3 =	rddreg [dreg:$0x1a]  }
0x24a: {  	[tilespmem:s7], [sflag:$0x3] =	stream.indirect_vreg.gather [hbm4b:s0+s22], $0x80, v8, vm1, $0xb8;
	[tilespmem:$0x1FE00] =	vst v63  }
0x24b: {  	s0 =	rddreg [dreg:$0xa]  }
0x24c: {  	s7 =	simm.s32 $0x1AE00;
	s0 =	smov.u32 @p0 s3;
	s3 =	rddreg [dreg:$0x1b]  }
0x24d: {  	[tilespmem:s7], [sflag:$0x3] =	stream.indirect_vreg.gather [hbm4b:s0+s22], $0x80, v8, vm1, $0xb8;
	[tilespmem:$0x1FE00] =	vst v63  }
0x24e: {  	s0 =	rddreg [dreg:$0xb]  }
0x24f: {  	s7 =	simm.s32 $0x1B600;
	s0 =	smov.u32 @p0 s3;
	s3 =	rddreg [dreg:$0x1c]  }
0x250: {  	[tilespmem:s7], [sflag:$0x3] =	stream.indirect_vreg.gather [hbm4b:s0+s22], $0x80, v8, vm1, $0xb8;
	[tilespmem:$0x1FE00] =	vst v63  }
0x251: {  	s0 =	rddreg [dreg:$0xc]  }
0x252: {  	s7 =	simm.s32 $0x1BE00;
	s0 =	smov.u32 @p0 s3;
	s3 =	rddreg [dreg:$0x1d]  }
0x253: {  	[tilespmem:s7], [sflag:$0x3] =	stream.indirect_vreg.gather [hbm4b:s0+s22], $0x80, v8, vm1, $0xb8;
	[tilespmem:$0x1FE00] =	vst v63  }
0x254: {  	s0 =	rddreg [dreg:$0xd]  }
0x255: {  	s7 =	simm.s32 $0x1C600;
	s0 =	smov.u32 @p0 s3;
	s3 =	rddreg [dreg:$0x1e]  }
0x256: {  	[tilespmem:s7], [sflag:$0x3] =	stream.indirect_vreg.gather [hbm4b:s0+s22], $0x80, v8, vm1, $0xb8;
	[tilespmem:$0x1FE00] =	vst v63  }
0x257: {  	s0 =	rddreg [dreg:$0xe]  }
0x258: {  	s7 =	simm.s32 $0x1CE00;
	s0 =	smov.u32 @p0 s3;
	s3 =	rddreg [dreg:$0x1f]  }
0x259: {  	[tilespmem:s7], [sflag:$0x3] =	stream.indirect_vreg.gather [hbm4b:s0+s22], $0x80, v8, vm1, $0xb8;
	[tilespmem:$0x1FE00] =	vst v63  }
0x25a: {  	s0 =	rddreg [dreg:$0xf]  }
0x25b: {  	s7 =	simm.s32 $0x1D600;
	s0 =	smov.u32 @p0 s3;
	s3 =	sld [smem:$0x7F9]  }
0x25c: {  	[tilespmem:s7], [sflag:$0x3] =	stream.indirect_vreg.gather [hbm4b:s0+s22], $0x80, v8, vm1, $0xb8;
	[tilespmem:$0x1FE00] =	vst v63  }
0x25d: {  	s0 =	rddreg [dreg:$0x10]  }
0x25e: {  	s7 =	simm.s32 $0x1DE00;
	s0 =	smov.u32 @p0 s3;
	s3 =	sld [smem:$0x7FA]  }
0x25f: {  	[tilespmem:s7], [sflag:$0x3] =	stream.indirect_vreg.gather [hbm4b:s0+s22], $0x80, v8, vm1, $0xb8;
	[tilespmem:$0x1FE00] =	vst v63  }
0x260: {  	s0 =	rddreg [dreg:$0x11]  }
0x261: {  	s7 =	simm.s32 $0x1E600;
	s0 =	smov.u32 @p0 s3;
	s3 =	sld [smem:$0x7FB]  }
0x262: {  	[tilespmem:s7], [sflag:$0x3] =	stream.indirect_vreg.gather [hbm4b:s0+s22], $0x80, v8, vm1, $0xb8;
	[tilespmem:$0x1FE00] =	vst v63  }
0x263: {  	s0 =	rddreg [dreg:$0x12]  }
0x264: {  	s7 =	simm.s32 $0x1EE00;
	s0 =	smov.u32 @p0 s3;
	s3 =	sld [smem:$0x7FC]  }
0x265: {  	[tilespmem:s7], [sflag:$0x3] =	stream.indirect_vreg.gather [hbm4b:s0+s22], $0x80, v8, vm1, $0xb8;
	[tilespmem:$0x1FE00] =	vst v63  }
0x266: {  	s0 =	rddreg [dreg:$0x13]  }
0x267: {  	s7 =	simm.s32 $0x1F600;
	s0 =	smov.u32 @p0 s3;
	p0 =	slt.s32 s5, $0x1  }
0x268: {  	[tilespmem:s7], [sflag:$0x3] =	stream.indirect_vreg.gather [hbm4b:s0+s22], $0x80, v8, vm1, $0xb8;
	[tilespmem:$0x1FE00] =	vst v63  }
0x269: {  	p1 =	slt.s32 @!p0 s4, s30  }
0x26a: {  	s0 =	smov.u32 s30;
	p1 =	por !p1, p0  }
0x26b: {  	s0 =	simm.s32 @!p1 $0x0  }
0x26c: {  	s0 =	sshll.u32 @!p0 s0, $0x9  }
0x26d: {  	s3 =	simm.s32 @!p0 $0x2;
	s4 =	simm.s32 @!p0 $0x5A00;
	s0 =	ssub.s32 @!p0 $0x0, s0  }
0x26e: {  	_ =	swait.ge @!p0 [sflag:s3], $0x8000;
	s4 =	simm.s32 @p1 $0x3600;
	s0 =	sshra.s32 @!p0 s0, $0x2  }
0x26f: {  	[sflag:s3] =	ssyncset.done @!p0 $0x0;
	s0 =	sadd.s32 @!p0 s0, s4;
	s4 =	sshra.s32 @!p0 s25, $0x2  }
0x270: {  	[sflag:s3] =	ssyncadd.s32 @!p0 $0xFFFF8000;
	s0 =	sadd.s32 @!p0 s4, s0  }
0x271: {  	v8 =	vld.msk @!p0 [tilespmem:s0+$0x80], $0xff;
	_ =	sdelay $0x4  }
0x272: {  	v9 =	vshll.u32 @!p0 v8, $0x5  }
0x273: {  	v10 =	vlaneseq.u32 @!p0;
	v8 =	vand.u32 @!p0 $0x7, v8;
	v9 =	vand.u32 @!p0 $0xFFFFFF00, v9  }
0x274: {  	v8 =	vor.u32 @!p0 v8, v9;
	v9 =	vand.u32 @!p0 $0x7, v10;
	v10 =	vshrl.u32 @!p0 v10, $0x3  }
0x275: {  	v8 =	vperm.xlane @!p0 v8, v9;
	v9 =	vmul.u32 @!p0 $0x8, v10;
	_ =	sdelay $0x1  }
0x276: {  	v8 =	vadd.s32 @!p0 v9, v8;
	_ =	sdelay $0x3  }
0x277: {  	vm2 =	vmmov @!p0 $0xffff;
	s3 =	simm.s32 @!p0 $0xFE00;
	s4 =	rddreg [dreg:$0x3];
	s0 =	simm.s32 @!p0 $0x0  }
0x278: {  	[hbm4b:s4+s0] =	stream.indirect_vreg.scatter @!p0 [tilespmem:s3], [sflag:$0x5], $0x80, v8, vm2, $0xb8;
	[tilespmem:$0x1FE00] =	vst v63  }
0x279: {  	s4 =	sld [smem:$0x7FD];
	_ =	sdelay $0x1  }
0x27a: {  	s3 =	simm.s32 @!p0 $0x10600  }
0x27b: {  	[hbm4b:s4+s0] =	stream.indirect_vreg.scatter @!p0 [tilespmem:s3], [sflag:$0x5], $0x80, v8, vm2, $0xb8;
	[tilespmem:$0x1FE00] =	vst v63  }
0x27c: {  	s3 =	simm.s32 @!p0 $0x10E00  }
0x27d: {  	[hbm4b:s8+s0] =	stream.indirect_vreg.scatter @!p0 [tilespmem:s3], [sflag:$0x5], $0x80, v8, vm2, $0xb8;
	[tilespmem:$0x1FE00] =	vst v63  }
0x27e: {  	s3 =	simm.s32 @!p0 $0x11600  }
0x27f: {  	[hbm4b:s9+s0] =	stream.indirect_vreg.scatter @!p0 [tilespmem:s3], [sflag:$0x5], $0x80, v8, vm2, $0xb8;
	[tilespmem:$0x1FE00] =	vst v63  }
0x280: {  	s3 =	simm.s32 @!p0 $0x11E00  }
0x281: {  	[hbm4b:s10+s0] =	stream.indirect_vreg.scatter @!p0 [tilespmem:s3], [sflag:$0x5], $0x80, v8, vm2, $0xb8;
	[tilespmem:$0x1FE00] =	vst v63  }
0x282: {  	s3 =	simm.s32 @!p0 $0x12600  }
0x283: {  	[hbm4b:s11+s0] =	stream.indirect_vreg.scatter @!p0 [tilespmem:s3], [sflag:$0x5], $0x80, v8, vm2, $0xb8;
	[tilespmem:$0x1FE00] =	vst v63  }
0x284: {  	s3 =	simm.s32 @!p0 $0x12E00  }
0x285: {  	[hbm4b:s12+s0] =	stream.indirect_vreg.scatter @!p0 [tilespmem:s3], [sflag:$0x5], $0x80, v8, vm2, $0xb8;
	[tilespmem:$0x1FE00] =	vst v63  }
0x286: {  	s3 =	simm.s32 @!p0 $0x13600  }
0x287: {  	[hbm4b:s13+s0] =	stream.indirect_vreg.scatter @!p0 [tilespmem:s3], [sflag:$0x5], $0x80, v8, vm2, $0xb8;
	[tilespmem:$0x1FE00] =	vst v63  }
0x288: {  	s3 =	simm.s32 @!p0 $0x13E00  }
0x289: {  	[hbm4b:s14+s0] =	stream.indirect_vreg.scatter @!p0 [tilespmem:s3], [sflag:$0x5], $0x80, v8, vm2, $0xb8;
	[tilespmem:$0x1FE00] =	vst v63  }
0x28a: {  	s3 =	simm.s32 @!p0 $0x14600  }
0x28b: {  	[hbm4b:s15+s0] =	stream.indirect_vreg.scatter @!p0 [tilespmem:s3], [sflag:$0x5], $0x80, v8, vm2, $0xb8;
	[tilespmem:$0x1FE00] =	vst v63  }
0x28c: {  	s3 =	simm.s32 @!p0 $0x14E00  }
0x28d: {  	[hbm4b:s16+s0] =	stream.indirect_vreg.scatter @!p0 [tilespmem:s3], [sflag:$0x5], $0x80, v8, vm2, $0xb8;
	[tilespmem:$0x1FE00] =	vst v63  }
0x28e: {  	s3 =	simm.s32 @!p0 $0x15600  }
0x28f: {  	[hbm4b:s17+s0] =	stream.indirect_vreg.scatter @!p0 [tilespmem:s3], [sflag:$0x5], $0x80, v8, vm2, $0xb8;
	[tilespmem:$0x1FE00] =	vst v63  }
0x290: {  	s3 =	simm.s32 @!p0 $0x15E00  }
0x291: {  	[hbm4b:s18+s0] =	stream.indirect_vreg.scatter @!p0 [tilespmem:s3], [sflag:$0x5], $0x80, v8, vm2, $0xb8;
	[tilespmem:$0x1FE00] =	vst v63  }
0x292: {  	s3 =	simm.s32 @!p0 $0x16600  }
0x293: {  	[hbm4b:s19+s0] =	stream.indirect_vreg.scatter @!p0 [tilespmem:s3], [sflag:$0x5], $0x80, v8, vm2, $0xb8;
	[tilespmem:$0x1FE00] =	vst v63  }
.Ltmp11:
0x294: {  	_ = 	snop;
	(pc) =	sbr.rel .LBB2_15-.Ltmp11, $4  }
0x295: {  	s3 =	simm.s32 @!p0 $0x16E00  }
0x296: {  	[hbm4b:s20+s0] =	stream.indirect_vreg.scatter @!p0 [tilespmem:s3], [sflag:$0x5], $0x80, v8, vm2, $0xb8;
	[tilespmem:$0x1FE00] =	vst v63  }
0x297: {  	s3 =	simm.s32 @!p0 $0x17600  }
0x298: {  	[hbm4b:s21+s0] =	stream.indirect_vreg.scatter @!p0 [tilespmem:s3], [sflag:$0x5], $0x80, v8, vm2, $0xb8;
	[tilespmem:$0x1FE00] =	vst v63  }
.LBB2_16:
0x299: {  	s0 =	sadd.s32 $0xFFFFFFFF, s29  }
0x29a: {  	s1 =	smulhi.u32 $0x55555556, s0;
	s2 =	sshra.s32 s0, $0x1F  }
0x29b: {  	s2 =	smul.u32 $0x55555556, s2;
	_ =	sdelay $0x1  }
0x29c: {  	s1 =	sadd.s32 s2, s1  }
0x29d: {  	s2 =	sshrl.u32 s1, $0x1F  }
0x29e: {  	s1 =	sadd.s32 s2, s1  }
0x29f: {  	s1 =	smul.u32 $0x3, s1;
	_ =	sdelay $0x1  }
0x2a0: {  	s1 =	ssub.s32 s0, s1  }
0x2a1: {  	p0 =	slt.s32 s1, $0x0;
	s2 =	sadd.s32 $0x3, s1  }
0x2a2: {  	s1 =	smov.u32 @p0 s2  }
0x2a3: {  	p0 =	seq.s32 s1, $0x2  }
.Ltmp12:
0x2a4: {  	_ = 	snop;
	(pc) =	sbr.rel @p0 .LBB2_21-.Ltmp12, $1  }
0x2a5: {  	_ =	sdelay $0x3  }
0x2a6: {  	p0 =	seq.s32 s1, $0x1  }
.Ltmp13:
0x2a7: {  	_ = 	snop;
	(pc) =	sbr.rel @p0 .LBB2_20-.Ltmp13, $2  }
0x2a8: {  	_ =	sdelay $0x2  }
0x2a9: {  	s2 =	sld [smem:$0x7F8]  }
0x2aa: {  	p0 =	sne.s32 s1, $0x0  }
.Ltmp14:
0x2ab: {  	_ = 	snop;
	(pc) =	sbr.rel @p0 .LBB2_22-.Ltmp14, $1  }
0x2ac: {  	_ =	sdelay $0x3  }
0x2ad: {  	s1 =	simm.s32 $0x1  }
0x2ae: {  	_ =	swait.ge [sflag:s1], $0x8000  }
0x2af: {  	s3 =	sld [smem:$0x7F3];
	_ =	sdelay $0x2  }
0x2b0: {  	p0 =	sgt.s32 s3, $0x0  }
0x2b1: {  	[sflag:s1] =	ssyncset.done $0x0;
	s0 =	sshll.u32 @!p0 s0, $0x9  }
0x2b2: {  	[sflag:s1] =	ssyncadd.s32 $0xFFFF8000;
	s0 =	sshra.s32 @!p0 s0, $0x2  }
0x2b3: {  	v8 =	vld.msk @!p0 [tilespmem:s0+$0x5A00], $0xff;
	_ =	sdelay $0x1  }
0x2b4: {  	s0 =	ssub.s32 @p0 s0, s30  }
0x2b5: {  	s0 =	sshll.u32 @p0 s0, $0x9  }
0x2b6: {  	s0 =	sshra.s32 @p0 s0, $0x2  }
0x2b7: {  	v8 =	vld.msk @p0 [tilespmem:s0+$0x3600], $0xff;
	_ =	sdelay $0x4  }
0x2b8: {  	v9 =	vshll.u32 v8, $0x5  }
0x2b9: {  	v8 =	vand.u32 $0x7, v8;
	v9 =	vand.u32 $0xFFFFFF00, v9  }
0x2ba: {  	v8 =	vor.u32 v8, v9  }
0x2bb: {  	v8 =	vperm.xlane v8, v6;
	_ =	sdelay $0x1  }
0x2bc: {  	v8 =	vadd.s32 v7, v8;
	_ =	sdelay $0x2  }
0x2bd: {  	s1 =	sld [smem:$0x7FD]  }
0x2be: {  	s31 =	simm.s32 $0x7E00;
	s30 =	rddreg [dreg:$0x3]  }
0x2bf: {  	[hbm4b:s30+s22] =	stream.indirect_vreg.scatter [tilespmem:s31], [sflag:$0x4], $0x80, v8, vm1, $0xb8;
	[tilespmem:$0x1FE00] =	vst v63  }
0x2c0: {  	s3 =	simm.s32 $0x8600  }
0x2c1: {  	[hbm4b:s1+s22] =	stream.indirect_vreg.scatter [tilespmem:s3], [sflag:$0x4], $0x80, v8, vm1, $0xb8;
	[tilespmem:$0x1FE00] =	vst v63  }
0x2c2: {  	s4 =	simm.s32 $0x8E00  }
0x2c3: {  	[hbm4b:s8+s22] =	stream.indirect_vreg.scatter [tilespmem:s4], [sflag:$0x4], $0x80, v8, vm1, $0xb8;
	[tilespmem:$0x1FE00] =	vst v63  }
0x2c4: {  	s5 =	simm.s32 $0x9600  }
0x2c5: {  	[hbm4b:s9+s22] =	stream.indirect_vreg.scatter [tilespmem:s5], [sflag:$0x4], $0x80, v8, vm1, $0xb8;
	[tilespmem:$0x1FE00] =	vst v63  }
0x2c6: {  	s7 =	simm.s32 $0x9E00  }
0x2c7: {  	[hbm4b:s10+s22] =	stream.indirect_vreg.scatter [tilespmem:s7], [sflag:$0x4], $0x80, v8, vm1, $0xb8;
	[tilespmem:$0x1FE00] =	vst v63  }
0x2c8: {  	s25 =	simm.s32 $0xA600  }
0x2c9: {  	[hbm4b:s11+s22] =	stream.indirect_vreg.scatter [tilespmem:s25], [sflag:$0x4], $0x80, v8, vm1, $0xb8;
	[tilespmem:$0x1FE00] =	vst v63  }
0x2ca: {  	s30 =	simm.s32 $0xAE00  }
0x2cb: {  	[hbm4b:s12+s22] =	stream.indirect_vreg.scatter [tilespmem:s30], [sflag:$0x4], $0x80, v8, vm1, $0xb8;
	[tilespmem:$0x1FE00] =	vst v63  }
0x2cc: {  	s31 =	simm.s32 $0xB600  }
0x2cd: {  	[hbm4b:s13+s22] =	stream.indirect_vreg.scatter [tilespmem:s31], [sflag:$0x4], $0x80, v8, vm1, $0xb8;
	[tilespmem:$0x1FE00] =	vst v63  }
0x2ce: {  	s1 =	simm.s32 $0xBE00  }
0x2cf: {  	[hbm4b:s14+s22] =	stream.indirect_vreg.scatter [tilespmem:s1], [sflag:$0x4], $0x80, v8, vm1, $0xb8;
	[tilespmem:$0x1FE00] =	vst v63  }
0x2d0: {  	s3 =	simm.s32 $0xC600  }
0x2d1: {  	[hbm4b:s15+s22] =	stream.indirect_vreg.scatter [tilespmem:s3], [sflag:$0x4], $0x80, v8, vm1, $0xb8;
	[tilespmem:$0x1FE00] =	vst v63  }
0x2d2: {  	s4 =	simm.s32 $0xCE00  }
0x2d3: {  	[hbm4b:s16+s22] =	stream.indirect_vreg.scatter [tilespmem:s4], [sflag:$0x4], $0x80, v8, vm1, $0xb8;
	[tilespmem:$0x1FE00] =	vst v63  }
0x2d4: {  	s5 =	simm.s32 $0xD600  }
0x2d5: {  	[hbm4b:s17+s22] =	stream.indirect_vreg.scatter [tilespmem:s5], [sflag:$0x4], $0x80, v8, vm1, $0xb8;
	[tilespmem:$0x1FE00] =	vst v63  }
0x2d6: {  	s7 =	simm.s32 $0xDE00  }
0x2d7: {  	[hbm4b:s18+s22] =	stream.indirect_vreg.scatter [tilespmem:s7], [sflag:$0x4], $0x80, v8, vm1, $0xb8;
	[tilespmem:$0x1FE00] =	vst v63  }
0x2d8: {  	s25 =	simm.s32 $0xE600  }
0x2d9: {  	[hbm4b:s19+s22] =	stream.indirect_vreg.scatter [tilespmem:s25], [sflag:$0x4], $0x80, v8, vm1, $0xb8;
	[tilespmem:$0x1FE00] =	vst v63  }
.Ltmp15:
0x2da: {  	_ = 	snop;
	(pc) =	sbr.rel .LBB2_22-.Ltmp15, $4  }
0x2db: {  	s30 =	simm.s32 $0xEE00  }
0x2dc: {  	[hbm4b:s20+s22] =	stream.indirect_vreg.scatter [tilespmem:s30], [sflag:$0x4], $0x80, v8, vm1, $0xb8;
	[tilespmem:$0x1FE00] =	vst v63  }
0x2dd: {  	s31 =	simm.s32 $0xF600  }
0x2de: {  	[hbm4b:s21+s22] =	stream.indirect_vreg.scatter [tilespmem:s31], [sflag:$0x4], $0x80, v8, vm1, $0xb8;
	[tilespmem:$0x1FE00] =	vst v63  }
.LBB2_21:
0x2df: {  	s1 =	simm.s32 $0x3  }
0x2e0: {  	_ =	swait.ge [sflag:s1], $0x8000  }
0x2e1: {  	s2 =	sld [smem:$0x7F3];
	_ =	sdelay $0x2  }
0x2e2: {  	p0 =	sgt.s32 s2, $0x0  }
0x2e3: {  	s0 =	ssub.s32 @p0 s0, s30  }
0x2e4: {  	[sflag:s1] =	ssyncset.done $0x0;
	s0 =	sshll.u32 @p0 s0, $0x9  }
0x2e5: {  	[sflag:s1] =	ssyncadd.s32 $0xFFFF8000;
	s0 =	sshra.s32 @p0 s0, $0x2  }
0x2e6: {  	v8 =	vld.msk @p0 [tilespmem:s0+$0x3600], $0xff;
	_ =	sdelay $0x2  }
0x2e7: {  	s0 =	sshll.u32 @!p0 s0, $0x9  }
0x2e8: {  	s0 =	sshra.s32 @!p0 s0, $0x2  }
0x2e9: {  	v8 =	vld.msk @!p0 [tilespmem:s0+$0x5A00], $0xff;
	_ =	sdelay $0x4  }
0x2ea: {  	v9 =	vshll.u32 v8, $0x5  }
0x2eb: {  	v8 =	vand.u32 $0x7, v8;
	v9 =	vand.u32 $0xFFFFFF00, v9  }
0x2ec: {  	v8 =	vor.u32 v8, v9  }
0x2ed: {  	v8 =	vperm.xlane v8, v6;
	_ =	sdelay $0x1  }
0x2ee: {  	v8 =	vadd.s32 v7, v8;
	_ =	sdelay $0x2  }
0x2ef: {  	s1 =	sld [smem:$0x7FD]  }
0x2f0: {  	s31 =	simm.s32 $0x17E00;
	s30 =	rddreg [dreg:$0x3]  }
0x2f1: {  	[hbm4b:s30+s22] =	stream.indirect_vreg.scatter [tilespmem:s31], [sflag:$0x6], $0x80, v8, vm1, $0xb8;
	[tilespmem:$0x1FE00] =	vst v63  }
0x2f2: {  	s3 =	simm.s32 $0x18600  }
0x2f3: {  	[hbm4b:s1+s22] =	stream.indirect_vreg.scatter [tilespmem:s3], [sflag:$0x6], $0x80, v8, vm1, $0xb8;
	[tilespmem:$0x1FE00] =	vst v63  }
0x2f4: {  	s4 =	simm.s32 $0x18E00  }
0x2f5: {  	[hbm4b:s8+s22] =	stream.indirect_vreg.scatter [tilespmem:s4], [sflag:$0x6], $0x80, v8, vm1, $0xb8;
	[tilespmem:$0x1FE00] =	vst v63  }
0x2f6: {  	s5 =	simm.s32 $0x19600  }
0x2f7: {  	[hbm4b:s9+s22] =	stream.indirect_vreg.scatter [tilespmem:s5], [sflag:$0x6], $0x80, v8, vm1, $0xb8;
	[tilespmem:$0x1FE00] =	vst v63  }
0x2f8: {  	s7 =	simm.s32 $0x19E00  }
0x2f9: {  	[hbm4b:s10+s22] =	stream.indirect_vreg.scatter [tilespmem:s7], [sflag:$0x6], $0x80, v8, vm1, $0xb8;
	[tilespmem:$0x1FE00] =	vst v63  }
0x2fa: {  	s25 =	simm.s32 $0x1A600  }
0x2fb: {  	[hbm4b:s11+s22] =	stream.indirect_vreg.scatter [tilespmem:s25], [sflag:$0x6], $0x80, v8, vm1, $0xb8;
	[tilespmem:$0x1FE00] =	vst v63  }
0x2fc: {  	s30 =	simm.s32 $0x1AE00  }
0x2fd: {  	[hbm4b:s12+s22] =	stream.indirect_vreg.scatter [tilespmem:s30], [sflag:$0x6], $0x80, v8, vm1, $0xb8;
	[tilespmem:$0x1FE00] =	vst v63  }
0x2fe: {  	s31 =	simm.s32 $0x1B600  }
0x2ff: {  	[hbm4b:s13+s22] =	stream.indirect_vreg.scatter [tilespmem:s31], [sflag:$0x6], $0x80, v8, vm1, $0xb8;
	[tilespmem:$0x1FE00] =	vst v63  }
0x300: {  	s1 =	simm.s32 $0x1BE00  }
0x301: {  	[hbm4b:s14+s22] =	stream.indirect_vreg.scatter [tilespmem:s1], [sflag:$0x6], $0x80, v8, vm1, $0xb8;
	[tilespmem:$0x1FE00] =	vst v63  }
0x302: {  	s3 =	simm.s32 $0x1C600  }
0x303: {  	[hbm4b:s15+s22] =	stream.indirect_vreg.scatter [tilespmem:s3], [sflag:$0x6], $0x80, v8, vm1, $0xb8;
	[tilespmem:$0x1FE00] =	vst v63  }
0x304: {  	s4 =	simm.s32 $0x1CE00  }
0x305: {  	[hbm4b:s16+s22] =	stream.indirect_vreg.scatter [tilespmem:s4], [sflag:$0x6], $0x80, v8, vm1, $0xb8;
	[tilespmem:$0x1FE00] =	vst v63  }
0x306: {  	s5 =	simm.s32 $0x1D600  }
0x307: {  	[hbm4b:s17+s22] =	stream.indirect_vreg.scatter [tilespmem:s5], [sflag:$0x6], $0x80, v8, vm1, $0xb8;
	[tilespmem:$0x1FE00] =	vst v63  }
0x308: {  	s7 =	simm.s32 $0x1DE00  }
0x309: {  	[hbm4b:s18+s22] =	stream.indirect_vreg.scatter [tilespmem:s7], [sflag:$0x6], $0x80, v8, vm1, $0xb8;
	[tilespmem:$0x1FE00] =	vst v63  }
0x30a: {  	s25 =	simm.s32 $0x1E600  }
0x30b: {  	[hbm4b:s19+s22] =	stream.indirect_vreg.scatter [tilespmem:s25], [sflag:$0x6], $0x80, v8, vm1, $0xb8;
	[tilespmem:$0x1FE00] =	vst v63  }
.Ltmp16:
0x30c: {  	_ = 	snop;
	(pc) =	sbr.rel .LBB2_22-.Ltmp16, $4  }
0x30d: {  	s30 =	simm.s32 $0x1EE00  }
0x30e: {  	[hbm4b:s20+s22] =	stream.indirect_vreg.scatter [tilespmem:s30], [sflag:$0x6], $0x80, v8, vm1, $0xb8;
	[tilespmem:$0x1FE00] =	vst v63  }
0x30f: {  	s2 =	sld [smem:$0x7F8];
	s31 =	simm.s32 $0x1F600  }
0x310: {  	[hbm4b:s21+s22] =	stream.indirect_vreg.scatter [tilespmem:s31], [sflag:$0x6], $0x80, v8, vm1, $0xb8;
	[tilespmem:$0x1FE00] =	vst v63  }
.LBB2_23:
0x311: {  	_ =	sfence.sel $0x180000  }
0x312: {  	[bflag:$0x0] =	sbarrier.arrive $0xFFFF  }
0x313: {  	_ =	strace $0x90000047  }
0x314: {  	s0 =	stileid.u32;
	[bflag:$0x2] =	sbarrier.arrive $0xFFFF  }
0x315: {  	p0 =	sne.s32 s0, $0x0;
	s0 =	rddreg [dreg:$0x4]  }
0x316: {  	s0 =	sadd.s32 @!p0 $0x100000, s0  }
0x317: {  	[sflag:s0] =	ssyncadd.tile.s32 @!p0 $0x1;
	_ =	shalt  }
.Lfunc_end2:
_tile_overlayer_lowered:
.L_overlay_start_2:
0x318: {  	(tag) =	ssettag $0x2  }
0x319: {  	s0 =	rddreg [dreg:$0x0];
	s2 =	stileid.u32  }
0x31a: {  	s1 =	rddreg [dreg:$0x1];
	p0 =	sne.s32 s2, $0x0  }
0x31b: {  	s3 =	rddreg [dreg:$0x2];
	[bflag:$0x3] =	sbarrier.arrive $0xFFFF;
	s2 =	simm.s32 @!p0 $0x1C07  }
0x31c: {  	[timem:s3], [sflag:s2] =	dma.local @!p0 [hbm:s0], s1  }
0x31d: {  	s0 =	simm.s32 @!p0 $0x7  }
0x31e: {  	_ =	swait.ge @!p0 [sflag:s0], s1  }
0x31f: {  	s1 =	ssub.s32 @!p0 $0x0, s1;
	[sflag:s0] =	ssyncset.done @!p0 $0x0  }
0x320: {  	[sflag:s0] =	ssyncadd.s32 @!p0 s1  }
0x321: {  	[bflag:$0x3] =	sbarrier.arrive $0xFFFF  }
0x322: {  	_ =	shalt  }

</sc_bundles>
